<compile_context>
chip_gen: v7x
topology: tpu7x:2x2x1
jax: 0.10.2.dev20260603
libtpu: 0.0.44.dev20260713+nightly
codegen_flags: <defaults>
</compile_context>

<pallas_src>
import functools

import jax
import jax.numpy as jnp
from jax import lax
from jax.experimental import pallas as pl
from jax.experimental.pallas import tpu as pltpu
from jax.experimental.pallas import tpu_sc as plsc

N_RAYS = 65536
NS = 64
NF = 128
NT = NS + NF
EPS = 1e-5
NW = 32
RPW = N_RAYS // NW
CH = 128
NBLK = RPW // CH
MB = 144
MT = NT // 8
NRT = N_RAYS // 128

f32 = jnp.float32
i32 = jnp.int32


def _ceili(x):
    t = x.astype(i32)
    return t + jnp.where(t.astype(f32) < x, 1, 0)


def _sampler_body(z_hbm, w_hbm, u_hbm, zs_hbm,
                  zb, wb, uv, cdf, bins, slope, pos, cnt,
                  bkA, bkB, obuf, sem):
    nc = 2
    wid = lax.axis_index("s") * nc + lax.axis_index("c")
    pltpu.sync_copy(u_hbm, uv)
    iota = lax.iota(i32, 16)
    neg1 = jnp.full((16,), -1, i32)
    idx15 = jnp.full((16,), 15, i32)

    def bc15(v):
        return v.at[idx15].get(mode="promise_in_bounds")

    for c in range(MB // 16):
        bkA[pl.ds(c * 16, 16)] = neg1
        bkB[pl.ds(c * 16, 16)] = neg1

    def block_body(b, carry):
        rt = wid * NBLK + b
        r0 = rt * CH
        pltpu.sync_copy(z_hbm.at[pl.ds(r0, CH)], zb)
        pltpu.sync_copy(w_hbm.at[pl.ds(r0, CH)], wb)

        def ray_body(rr, carry2):
            rsp = jnp.full((16,), rr, i32)

            csums = []
            tot = None
            for c in range(4):
                w = wb[rr, pl.ds(c * 16, 16)] + EPS
                if c == 0:
                    w = jnp.where(iota == 0, 0.0, w)
                if c == 3:
                    w = jnp.where(iota == 15, 0.0, w)
                cs = plsc.cumsum(w)
                if tot is not None:
                    cs = cs + tot
                tot = bc15(cs)
                csums.append(cs)
            inv = 1.0 / tot
            cdfs = []
            for c in range(4):
                cc = csums[c] * inv
                cdf[pl.ds(c * 16, 16)] = cc
                cdfs.append(cc)

            zcs, bcs, pcs, ip1s = [], [], [], []
            for c in range(4):
                ioc = iota + (c * 16)
                ip1 = jnp.minimum(ioc + 1, NS - 1)
                ip1s.append(ip1)
                zc = zb[rr, pl.ds(c * 16, 16)]
                znx = plsc.load_gather(zb, [rsp, ip1])
                bc = 0.5 * (zc + znx)
                bins[pl.ds(c * 16, 16)] = bc
                zcs.append(zc)
                bcs.append(bc)
            for c in range(4):
                cnx = plsc.load_gather(cdf, [ip1s[c]])
                bnx = plsc.load_gather(bins, [ip1s[c]])
                den = cnx - cdfs[c]
                sl = (bnx - bcs[c]) / jnp.where(den < 1e-5, 1.0, den)
                if c == 3:
                    sl = jnp.where(iota >= 14, 0.0, sl)
                slope[pl.ds(c * 16, 16)] = sl
                pc = jnp.minimum(_ceili(127.0 * cdfs[c]), NF)
                if c == 3:
                    pc = jnp.where(iota == 15, 999, pc)
                pos[pl.ds(c * 16, 16)] = pc
                pcs.append(pc)
            for c in range(4):
                pnx = plsc.load_gather(pos, [ip1s[c]])
                mk = pcs[c] < pnx
                plsc.store_scatter(bkA, [jnp.minimum(pcs[c], MB - 4)],
                                   iota + (c * 16), mask=mk)

            cnts = []
            cm = None
            for c in range(4):
                im1 = jnp.maximum(iota + (c * 16 - 1), 0)
                b_im1 = plsc.load_gather(bins, [im1])
                c_im1 = plsc.load_gather(cdf, [im1])
                tden = bcs[c] - b_im1
                bad = tden <= 0.0
                t = (zcs[c] - b_im1) / jnp.where(bad, 1.0, tden)
                t = jnp.where(bad, 0.0, t)
                fv = c_im1 + t * (cdfs[c] - c_im1)
                cc = jnp.clip(_ceili(127.0 * fv), 0, NF)
                if c == 0:
                    cc = jnp.where(iota == 0, 0, cc)
                if c == 3:
                    cc = jnp.where(iota == 15, NF, cc)
                cc = plsc.cummax(cc)
                if cm is not None:
                    cc = jnp.maximum(cc, cm)
                cm = bc15(cc)
                cnt[pl.ds(c * 16, 16)] = cc
                cnts.append(cc)
            for c in range(4):
                cnx = plsc.load_gather(cnt, [ip1s[c]])
                mk = cnts[c] < cnx
                if c == 3:
                    mk = jnp.logical_or(mk, iota == 15)
                plsc.store_scatter(bkB, [jnp.minimum(cnts[c], MB - 4)],
                                   iota + (c * 16), mask=mk)
                rank = iota + (c * 16) + cnts[c]
                plsc.store_scatter(obuf, [rank, rsp], zcs[c])

            blc = None
            mmc = None
            for c in range(8):
                bl = plsc.cummax(bkA[pl.ds(c * 16, 16)])
                if blc is not None:
                    bl = jnp.maximum(bl, blc)
                blc = bc15(bl)
                bkA[pl.ds(c * 16, 16)] = neg1
                mm = plsc.cummax(bkB[pl.ds(c * 16, 16)])
                if mmc is not None:
                    mm = jnp.maximum(mm, mmc)
                mmc = bc15(mm)
                bkB[pl.ds(c * 16, 16)] = neg1
                bg = plsc.load_gather(bins, [bl])
                cg = plsc.load_gather(cdf, [bl])
                sg = plsc.load_gather(slope, [bl])
                uc = uv[pl.ds(c * 16, 16)]
                s = bg + (uc - cg) * sg
                rank = (iota + (c * 16 + 1)) + mm
                plsc.store_scatter(obuf, [rank, rsp], s)
            bkA[pl.ds(NF, 16)] = neg1
            bkB[pl.ds(NF, 16)] = neg1
            return carry2

        lax.fori_loop(0, CH, ray_body, 0)
        handles = []
        for mt in range(MT):
            handles.append(pltpu.async_copy(
                obuf.at[pl.ds(mt * 8, 8), :], zs_hbm.at[mt, rt], sem))
        for h in handles:
            h.wait()
        return carry

    lax.fori_loop(0, NBLK, block_body, 0)


_sampler = functools.partial(
    pl.kernel,
    out_type=jax.ShapeDtypeStruct((MT, NRT, 8, 128), f32),
    mesh=plsc.VectorSubcoreMesh(core_axis_name="c", subcore_axis_name="s"),
    compiler_params=pltpu.CompilerParams(needs_layout_passes=False),
    scratch_types=[
        pltpu.VMEM((CH, NS), f32),
        pltpu.VMEM((CH, NS), f32),
        pltpu.VMEM((NF,), f32),
        pltpu.VMEM((NS,), f32),
        pltpu.VMEM((NS,), f32),
        pltpu.VMEM((NS,), f32),
        pltpu.VMEM((NS,), i32),
        pltpu.VMEM((NS,), i32),
        pltpu.VMEM((MB,), i32),
        pltpu.VMEM((MB,), i32),
        pltpu.VMEM((NT, CH), f32),
        pltpu.SemaphoreType.DMA,
    ],
)(_sampler_body)


BR = 4


def _expand_body(z_ref, o_ref, d_ref, out_ref):
    z = z_ref[...]
    for k in range(3):
        ok = o_ref[:, k, :]
        dk = d_ref[:, k, :]
        out_ref[k] = ok[None, :, None, :] + dk[None, :, None, :] * z


_expand = pl.pallas_call(
    _expand_body,
    grid=(NRT // BR,),
    in_specs=[
        pl.BlockSpec((MT, BR, 8, 128), lambda i: (0, i, 0, 0)),
        pl.BlockSpec((BR, 3, 128), lambda i: (i, 0, 0)),
        pl.BlockSpec((BR, 3, 128), lambda i: (i, 0, 0)),
    ],
    out_specs=pl.BlockSpec((3, MT, BR, 8, 128), lambda i: (0, 0, i, 0, 0)),
    out_shape=jax.ShapeDtypeStruct((3, MT, NRT, 8, 128), f32),
)


def kernel(rays_o, rays_d, z_vals, weights):
    u = jnp.linspace(0.0, 1.0, NF, dtype=f32)
    zs4 = _sampler(z_vals, weights, u)
    oT = rays_o.reshape(NRT, 128, 3).transpose(0, 2, 1)
    dT = rays_d.reshape(NRT, 128, 3).transpose(0, 2, 1)
    pts5 = _expand(zs4, oT, dT)
    pts = pts5.transpose(2, 4, 1, 3, 0).reshape(N_RAYS, NT, 3)
    zs = zs4.transpose(1, 3, 0, 2).reshape(N_RAYS, NT)
    return pts, zs

# --- scband reference (transcript-rebuilt; emitter-appended) ---
"""Pipeline reference for scband-ne-rfpoint-sampler-58961311040064 (READ-ONLY COPY).

The authoritative reference and input builder live on the scoring server;
editing this copy changes nothing except your own understanding.
"""

import jax, jax.numpy as jnp
import numpy as np

N_SAMPLES = 64
N_IMPORTANCE = 128
NEAR = 2.0
FAR = 6.0
N_RAYS = 65536
EPS = 1e-05


def setup_inputs(seed: int = 0) -> dict:
    key = jax.random.key(seed)
    k1, k2, k3, k4 = jax.random.split(key, 4)
    rays_o = jax.random.normal(k1, (N_RAYS, 3), dtype=jnp.float32)
    rays_d = jax.random.normal(k2, (N_RAYS, 3), dtype=jnp.float32)
    # coarse z_vals: sorted depths in [near, far] per ray
    z_vals = jnp.sort(NEAR + (FAR - NEAR) * jax.random.uniform(k3, (N_RAYS, N_SAMPLES), dtype=jnp.float32), axis=-1)
    # weights from the coarse volume rendering pass: non-negative
    weights = jax.random.uniform(k4, (N_RAYS, N_SAMPLES), dtype=jnp.float32)
    return {"rays_o": rays_o, "rays_d": rays_d, "z_vals": z_vals, "weights": weights}


def _cdf_sample(N_samples_fine, z_vals, weights):
    # det=True, mid_bins=True, wo_last=False, include_init_z_vals=True
    N_rays = weights.shape[0]
    N_base_samples = z_vals.shape[-1]
    bins = 0.5 * (z_vals[..., 1:] + z_vals[..., :-1])          # [R, Nb-1]
    weights_ = weights[..., 1:-1] + EPS                         # [R, Nb-2]
    pdf = weights_ / jnp.sum(weights_, axis=-1, keepdims=True)
    cdf = jnp.cumsum(pdf, axis=-1)
    cdf = jnp.concatenate([jnp.zeros_like(cdf[..., :1]), cdf], axis=-1)  # [R, Nb-1]
    u = jnp.broadcast_to(jnp.linspace(0.0, 1.0, N_samples_fine, dtype=jnp.float32), (N_rays, N_samples_fine))
    inds = jax.vmap(lambda c, uu: jnp.searchsorted(c, uu, side='right'))(cdf, u)
    below = jnp.clip(inds - 1, 0, None)
    above = jnp.clip(inds, None, cdf.shape[-1] - 1)
    cdf_g0 = jnp.take_along_axis(cdf, below, axis=-1)
    cdf_g1 = jnp.take_along_axis(cdf, above, axis=-1)
    bins_b = jnp.broadcast_to(bins, (N_rays, bins.shape[-1]))
    bins_g0 = jnp.take_along_axis(bins_b, below, axis=-1)
    bins_g1 = jnp.take_along_axis(bins_b, above, axis=-1)
    denom = cdf_g1 - cdf_g0
    denom = jnp.where(denom < 1e-05, jnp.ones_like(denom), denom)
    t = (u - cdf_g0) / denom
    samples = bins_g0 + t * (bins_g1 - bins_g0)
    z_all = jnp.concatenate([jnp.broadcast_to(z_vals, (N_rays, N_base_samples)), samples], axis=-1)
    z_samples = jnp.sort(z_all, axis=-1)
    return z_samples


def reference(rays_o, rays_d, z_vals, weights):
    z_samples = _cdf_sample(N_IMPORTANCE, z_vals, weights)      # [R, 64+128]
    pts = rays_o[..., None, :] + rays_d[..., None, :] * z_samples[..., None]  # [R, 192, 3]
    return (pts, z_samples)

if __name__ == "__main__":
    import jax
    _d = setup_inputs()
    print(jax.jit(kernel)(*tuple(_d.values())))

</pallas_src>

<mosaic_0001>
#map = affine_map<(d0, d1) -> (0, 0)>
#map1 = affine_map<(d0, d1) -> (0)>
#map2 = affine_map<(d0, d1) -> (0, 0, 0, 0)>
module attributes {stable_mosaic.version = 14 : i64} {
  func.func @_sampler_body(%arg0: i32, %arg1: i32, %arg2: memref<65536x64xf32, #tpu.memory_space<hbm>>, %arg3: memref<65536x64xf32, #tpu.memory_space<hbm>>, %arg4: memref<128xf32, #tpu.memory_space<hbm>>, %arg5: memref<24x512x8x128xf32, #tpu.memory_space<hbm>>, %arg6: memref<128x64xf32, #tpu.memory_space<vmem>>, %arg7: memref<128x64xf32, #tpu.memory_space<vmem>>, %arg8: memref<128xf32, #tpu.memory_space<vmem>>, %arg9: memref<64xf32, #tpu.memory_space<vmem>>, %arg10: memref<64xf32, #tpu.memory_space<vmem>>, %arg11: memref<64xf32, #tpu.memory_space<vmem>>, %arg12: memref<64xi32, #tpu.memory_space<vmem>>, %arg13: memref<64xi32, #tpu.memory_space<vmem>>, %arg14: memref<144xi32, #tpu.memory_space<vmem>>, %arg15: memref<144xi32, #tpu.memory_space<vmem>>, %arg16: memref<192x128xf32, #tpu.memory_space<vmem>>, %arg17: memref<!tpu.dma_semaphore, #tpu.memory_space<semaphore_mem>>) attributes {dimension_semantics = [#tpu.dimension_semantics<core_parallel>, #tpu.dimension_semantics<subcore_parallel>], iteration_bounds = array<i64: 2, 16>, scalar_prefetch = 0 : i64, scratch_operands = 12 : i64, tpu.core_type = #tpu.core_type<sc_vector_subcore>, window_params = [{transform_indices = #map}, {transform_indices = #map}, {transform_indices = #map1}, {transform_indices = #map2}]} {
    %mul3A = arith.constant 2 : i32
    %mul3A_0 = arith.muli %arg1, %mul3A : i32
    %add3A = arith.addi %mul3A_0, %arg0 : i32
    "tpu.region"() ({
      %run_scoped3A = tpu.sem_alloc : memref<!tpu.dma_semaphore, #tpu.memory_space<semaphore_mem>>
      tpu.enqueue_dma source(%arg4 : memref<128xf32, #tpu.memory_space<hbm>>) target(%arg8 : memref<128xf32, #tpu.memory_space<vmem>>) target_semaphore(%run_scoped3A : memref<!tpu.dma_semaphore, #tpu.memory_space<semaphore_mem>>)
      tpu.wait_dma2 semaphore(%run_scoped3A : memref<!tpu.dma_semaphore, #tpu.memory_space<semaphore_mem>>) src(%arg4 : memref<128xf32, #tpu.memory_space<hbm>>) dst(%arg8 : memref<128xf32, #tpu.memory_space<vmem>>)
      tpu.yield
    }) : () -> ()
    %iota3A = tpu.iota {dimensions = array<i32: 0>} : vector<16xi32>
    %broadcast_in_dim3A = arith.constant -1 : i32
    %broadcast_in_dim3A_1 = vector.broadcast %broadcast_in_dim3A : i32 to vector<16xi32>
    %broadcast_in_dim3A_2 = arith.constant 15 : i32
    %broadcast_in_dim3A_3 = vector.broadcast %broadcast_in_dim3A_2 : i32 to vector<16xi32>
    %swap3A = arith.constant 0 : index
    %swap3A_4 = tpu.vector_load %arg14[%swap3A] {strides = array<i32>} : memref<144xi32, #tpu.memory_space<vmem>>, vector<16xi32>,
    tpu.vector_store %arg14[%swap3A], %broadcast_in_dim3A_1 {strides = array<i32>} : memref<144xi32, #tpu.memory_space<vmem>>, vector<16xi32>,
    %swap3A_5 = arith.constant 0 : index
    %swap3A_6 = tpu.vector_load %arg15[%swap3A_5] {strides = array<i32>} : memref<144xi32, #tpu.memory_space<vmem>>, vector<16xi32>,
    tpu.vector_store %arg15[%swap3A_5], %broadcast_in_dim3A_1 {strides = array<i32>} : memref<144xi32, #tpu.memory_space<vmem>>, vector<16xi32>,
    %swap3A_7 = arith.constant 16 : index
    %swap3A_8 = tpu.vector_load %arg14[%swap3A_7] {strides = array<i32>} : memref<144xi32, #tpu.memory_space<vmem>>, vector<16xi32>,
    tpu.vector_store %arg14[%swap3A_7], %broadcast_in_dim3A_1 {strides = array<i32>} : memref<144xi32, #tpu.memory_space<vmem>>, vector<16xi32>,
    %swap3A_9 = arith.constant 16 : index
    %swap3A_10 = tpu.vector_load %arg15[%swap3A_9] {strides = array<i32>} : memref<144xi32, #tpu.memory_space<vmem>>, vector<16xi32>,
    tpu.vector_store %arg15[%swap3A_9], %broadcast_in_dim3A_1 {strides = array<i32>} : memref<144xi32, #tpu.memory_space<vmem>>, vector<16xi32>,
    %swap3A_11 = arith.constant 32 : index
    %swap3A_12 = tpu.vector_load %arg14[%swap3A_11] {strides = array<i32>} : memref<144xi32, #tpu.memory_space<vmem>>, vector<16xi32>,
    tpu.vector_store %arg14[%swap3A_11], %broadcast_in_dim3A_1 {strides = array<i32>} : memref<144xi32, #tpu.memory_space<vmem>>, vector<16xi32>,
    %swap3A_13 = arith.constant 32 : index
    %swap3A_14 = tpu.vector_load %arg15[%swap3A_13] {strides = array<i32>} : memref<144xi32, #tpu.memory_space<vmem>>, vector<16xi32>,
    tpu.vector_store %arg15[%swap3A_13], %broadcast_in_dim3A_1 {strides = array<i32>} : memref<144xi32, #tpu.memory_space<vmem>>, vector<16xi32>,
    %swap3A_15 = arith.constant 48 : index
    %swap3A_16 = tpu.vector_load %arg14[%swap3A_15] {strides = array<i32>} : memref<144xi32, #tpu.memory_space<vmem>>, vector<16xi32>,
    tpu.vector_store %arg14[%swap3A_15], %broadcast_in_dim3A_1 {strides = array<i32>} : memref<144xi32, #tpu.memory_space<vmem>>, vector<16xi32>,
    %swap3A_17 = arith.constant 48 : index
    %swap3A_18 = tpu.vector_load %arg15[%swap3A_17] {strides = array<i32>} : memref<144xi32, #tpu.memory_space<vmem>>, vector<16xi32>,
    tpu.vector_store %arg15[%swap3A_17], %broadcast_in_dim3A_1 {strides = array<i32>} : memref<144xi32, #tpu.memory_space<vmem>>, vector<16xi32>,
    %swap3A_19 = arith.constant 64 : index
    %swap3A_20 = tpu.vector_load %arg14[%swap3A_19] {strides = array<i32>} : memref<144xi32, #tpu.memory_space<vmem>>, vector<16xi32>,
    tpu.vector_store %arg14[%swap3A_19], %broadcast_in_dim3A_1 {strides = array<i32>} : memref<144xi32, #tpu.memory_space<vmem>>, vector<16xi32>,
    %swap3A_21 = arith.constant 64 : index
    %swap3A_22 = tpu.vector_load %arg15[%swap3A_21] {strides = array<i32>} : memref<144xi32, #tpu.memory_space<vmem>>, vector<16xi32>,
    tpu.vector_store %arg15[%swap3A_21], %broadcast_in_dim3A_1 {strides = array<i32>} : memref<144xi32, #tpu.memory_space<vmem>>, vector<16xi32>,
    %swap3A_23 = arith.constant 80 : index
    %swap3A_24 = tpu.vector_load %arg14[%swap3A_23] {strides = array<i32>} : memref<144xi32, #tpu.memory_space<vmem>>, vector<16xi32>,
    tpu.vector_store %arg14[%swap3A_23], %broadcast_in_dim3A_1 {strides = array<i32>} : memref<144xi32, #tpu.memory_space<vmem>>, vector<16xi32>,
    %swap3A_25 = arith.constant 80 : index
    %swap3A_26 = tpu.vector_load %arg15[%swap3A_25] {strides = array<i32>} : memref<144xi32, #tpu.memory_space<vmem>>, vector<16xi32>,
    tpu.vector_store %arg15[%swap3A_25], %broadcast_in_dim3A_1 {strides = array<i32>} : memref<144xi32, #tpu.memory_space<vmem>>, vector<16xi32>,
    %swap3A_27 = arith.constant 96 : index
    %swap3A_28 = tpu.vector_load %arg14[%swap3A_27] {strides = array<i32>} : memref<144xi32, #tpu.memory_space<vmem>>, vector<16xi32>,
    tpu.vector_store %arg14[%swap3A_27], %broadcast_in_dim3A_1 {strides = array<i32>} : memref<144xi32, #tpu.memory_space<vmem>>, vector<16xi32>,
    %swap3A_29 = arith.constant 96 : index
    %swap3A_30 = tpu.vector_load %arg15[%swap3A_29] {strides = array<i32>} : memref<144xi32, #tpu.memory_space<vmem>>, vector<16xi32>,
    tpu.vector_store %arg15[%swap3A_29], %broadcast_in_dim3A_1 {strides = array<i32>} : memref<144xi32, #tpu.memory_space<vmem>>, vector<16xi32>,
    %swap3A_31 = arith.constant 112 : index
    %swap3A_32 = tpu.vector_load %arg14[%swap3A_31] {strides = array<i32>} : memref<144xi32, #tpu.memory_space<vmem>>, vector<16xi32>,
    tpu.vector_store %arg14[%swap3A_31], %broadcast_in_dim3A_1 {strides = array<i32>} : memref<144xi32, #tpu.memory_space<vmem>>, vector<16xi32>,
    %swap3A_33 = arith.constant 112 : index
    %swap3A_34 = tpu.vector_load %arg15[%swap3A_33] {strides = array<i32>} : memref<144xi32, #tpu.memory_space<vmem>>, vector<16xi32>,
    tpu.vector_store %arg15[%swap3A_33], %broadcast_in_dim3A_1 {strides = array<i32>} : memref<144xi32, #tpu.memory_space<vmem>>, vector<16xi32>,
    %swap3A_35 = arith.constant 128 : index
    %swap3A_36 = tpu.vector_load %arg14[%swap3A_35] {strides = array<i32>} : memref<144xi32, #tpu.memory_space<vmem>>, vector<16xi32>,
    tpu.vector_store %arg14[%swap3A_35], %broadcast_in_dim3A_1 {strides = array<i32>} : memref<144xi32, #tpu.memory_space<vmem>>, vector<16xi32>,
    %swap3A_37 = arith.constant 128 : index
    %swap3A_38 = tpu.vector_load %arg15[%swap3A_37] {strides = array<i32>} : memref<144xi32, #tpu.memory_space<vmem>>, vector<16xi32>,
    tpu.vector_store %arg15[%swap3A_37], %broadcast_in_dim3A_1 {strides = array<i32>} : memref<144xi32, #tpu.memory_space<vmem>>, vector<16xi32>,
    %scan3A = arith.constant 0 : i32
    %scan3A_39 = arith.constant 0 : i32
    %scan3A_40 = arith.constant 16 : i32
    %scan3A_41 = arith.addi %scan3A_39, %scan3A_40 : i32
    %scan3A_42 = arith.constant 1 : i32
    scf.for %scan3A_44 = %scan3A_39 to %scan3A_41 step %scan3A_42  : i32 {
      %mul3A_45 = arith.constant 16 : i32
      %mul3A_46 = arith.muli %add3A, %mul3A_45 : i32
      %add3A_47 = arith.addi %mul3A_46, %scan3A_44 : i32
      %mul3A_48 = arith.constant 128 : i32
      %mul3A_49 = arith.muli %add3A_47, %mul3A_48 : i32
      "tpu.region"() ({
        %run_scoped3A = tpu.sem_alloc : memref<!tpu.dma_semaphore, #tpu.memory_space<semaphore_mem>>
        %dma_start3A_774 = arith.constant 0 : i32
        %dma_start3A_775 = tpu.memref_slice %arg2[%mul3A_49, %dma_start3A_774] : memref<65536x64xf32, #tpu.memory_space<hbm>> -> memref<128x64xf32, #tpu.memory_space<hbm>>
        %dma_start3A_776 = arith.constant 0 : i32
        %dma_start3A_777 = tpu.memref_slice %arg2[%mul3A_49, %dma_start3A_776] : memref<65536x64xf32, #tpu.memory_space<hbm>> -> memref<128x64xf32, #tpu.memory_space<hbm>>
        tpu.enqueue_dma source(%dma_start3A_777 : memref<128x64xf32, #tpu.memory_space<hbm>>) target(%arg6 : memref<128x64xf32, #tpu.memory_space<vmem>>) target_semaphore(%run_scoped3A : memref<!tpu.dma_semaphore, #tpu.memory_space<semaphore_mem>>)
        %dma_wait3A_778 = arith.constant 0 : i32
        %dma_wait3A_779 = tpu.memref_slice %arg2[%mul3A_49, %dma_wait3A_778] : memref<65536x64xf32, #tpu.memory_space<hbm>> -> memref<128x64xf32, #tpu.memory_space<hbm>>
        %dma_wait3A_780 = arith.constant 0 : i32
        %dma_wait3A_781 = tpu.memref_slice %arg2[%mul3A_49, %dma_wait3A_780] : memref<65536x64xf32, #tpu.memory_space<hbm>> -> memref<128x64xf32, #tpu.memory_space<hbm>>
        tpu.wait_dma2 semaphore(%run_scoped3A : memref<!tpu.dma_semaphore, #tpu.memory_space<semaphore_mem>>) src(%dma_wait3A_781 : memref<128x64xf32, #tpu.memory_space<hbm>>) dst(%arg6 : memref<128x64xf32, #tpu.memory_space<vmem>>)
        tpu.yield
      }) : () -> ()
      "tpu.region"() ({
        %run_scoped3A = tpu.sem_alloc : memref<!tpu.dma_semaphore, #tpu.memory_space<semaphore_mem>>
        %dma_start3A_774 = arith.constant 0 : i32
        %dma_start3A_775 = tpu.memref_slice %arg3[%mul3A_49, %dma_start3A_774] : memref<65536x64xf32, #tpu.memory_space<hbm>> -> memref<128x64xf32, #tpu.memory_space<hbm>>
        %dma_start3A_776 = arith.constant 0 : i32
        %dma_start3A_777 = tpu.memref_slice %arg3[%mul3A_49, %dma_start3A_776] : memref<65536x64xf32, #tpu.memory_space<hbm>> -> memref<128x64xf32, #tpu.memory_space<hbm>>
        tpu.enqueue_dma source(%dma_start3A_777 : memref<128x64xf32, #tpu.memory_space<hbm>>) target(%arg7 : memref<128x64xf32, #tpu.memory_space<vmem>>) target_semaphore(%run_scoped3A : memref<!tpu.dma_semaphore, #tpu.memory_space<semaphore_mem>>)
        %dma_wait3A_778 = arith.constant 0 : i32
        %dma_wait3A_779 = tpu.memref_slice %arg3[%mul3A_49, %dma_wait3A_778] : memref<65536x64xf32, #tpu.memory_space<hbm>> -> memref<128x64xf32, #tpu.memory_space<hbm>>
        %dma_wait3A_780 = arith.constant 0 : i32
        %dma_wait3A_781 = tpu.memref_slice %arg3[%mul3A_49, %dma_wait3A_780] : memref<65536x64xf32, #tpu.memory_space<hbm>> -> memref<128x64xf32, #tpu.memory_space<hbm>>
        tpu.wait_dma2 semaphore(%run_scoped3A : memref<!tpu.dma_semaphore, #tpu.memory_space<semaphore_mem>>) src(%dma_wait3A_781 : memref<128x64xf32, #tpu.memory_space<hbm>>) dst(%arg7 : memref<128x64xf32, #tpu.memory_space<vmem>>)
        tpu.yield
      }) : () -> ()
      %scan3A_50 = arith.constant 0 : i32
      %scan3A_51 = arith.constant 0 : i32
      %scan3A_52 = arith.constant 128 : i32
      %scan3A_53 = arith.addi %scan3A_51, %scan3A_52 : i32
      %scan3A_54 = arith.constant 1 : i32
      scf.for %scan3A_774 = %scan3A_51 to %scan3A_53 step %scan3A_54  : i32 {
        %broadcast_in_dim3A_775 = vector.broadcast %scan3A_774 : i32 to vector<16xi32>
        %get3A = arith.index_cast %scan3A_774 : i32 to index
        %get3A_776 = arith.constant 0 : index
        %get3A_777 = tpu.vector_load %arg7[%get3A, %get3A_776] {strides = array<i32>} : memref<128x64xf32, #tpu.memory_space<vmem>>, vector<16xf32>,
        %add3A_778 = arith.constant 9.99999974E-6 : f32
        %add3A_779 = vector.broadcast %add3A_778 : f32 to vector<16xf32>
        %add3A_780 = arith.addf %get3A_777, %add3A_779 : vector<16xf32>
        %eq3A = arith.constant 0 : i32
        %eq3A_781 = vector.broadcast %eq3A : i32 to vector<16xi32>
        %eq3A_782 = arith.cmpi eq, %iota3A, %eq3A_781 : vector<16xi32>
        %jit3A = arith.constant 0.000000e+00 : f32
        %broadcast_in_dim3A_783 = vector.broadcast %jit3A : f32 to vector<16xf32>
        %select_n3A = arith.select %eq3A_782, %broadcast_in_dim3A_783, %add3A_780 : vector<16xi1>, vector<16xf32>
        %broadcast_in_dim3A_784 = arith.constant true
        %broadcast_in_dim3A_785 = vector.broadcast %broadcast_in_dim3A_784 : i1 to vector<16xi1>
        %masked_cumsum3A = tpu.scan <sum>, %select_n3A masked %broadcast_in_dim3A_785 : vector<16xf32>, vector<16xi1> -> vector<16xf32>
        %lt3A = arith.constant 0 : i32
        %lt3A_786 = vector.broadcast %lt3A : i32 to vector<16xi32>
        %lt3A_787 = arith.cmpi slt, %broadcast_in_dim3A_3, %lt3A_786 : vector<16xi32>
        %add3A_788 = arith.constant 16 : i32
        %add3A_789 = vector.broadcast %add3A_788 : i32 to vector<16xi32>
        %add3A_790 = arith.addi %broadcast_in_dim3A_3, %add3A_789 : vector<16xi32>
        %select_n3A_791 = arith.select %lt3A_787, %add3A_790, %broadcast_in_dim3A_3 : vector<16xi1>, vector<16xi32>
        %broadcast_in_dim3A_792 = vector.shape_cast %select_n3A_791 : vector<16xi32> to vector<16x1xi32>
        %gather3A = vector.shape_cast %broadcast_in_dim3A_792 : vector<16x1xi32> to vector<16xi32>
        %gather3A_793 = tpu.dynamic_gather %masked_cumsum3A[%gather3A] in [0] : vector<16xf32>, vector<16xi32> -> vector<16xf32>
        %get3A_794 = arith.index_cast %scan3A_774 : i32 to index
        %get3A_795 = arith.constant 16 : index
        %get3A_796 = tpu.vector_load %arg7[%get3A_794, %get3A_795] {strides = array<i32>} : memref<128x64xf32, #tpu.memory_space<vmem>>, vector<16xf32>,
        %add3A_797 = arith.constant 9.99999974E-6 : f32
        %add3A_798 = vector.broadcast %add3A_797 : f32 to vector<16xf32>
        %add3A_799 = arith.addf %get3A_796, %add3A_798 : vector<16xf32>
        %broadcast_in_dim3A_800 = arith.constant true
        %broadcast_in_dim3A_801 = vector.broadcast %broadcast_in_dim3A_800 : i1 to vector<16xi1>
        %masked_cumsum3A_802 = tpu.scan <sum>, %add3A_799 masked %broadcast_in_dim3A_801 : vector<16xf32>, vector<16xi1> -> vector<16xf32>
        %add3A_803 = arith.addf %masked_cumsum3A_802, %gather3A_793 : vector<16xf32>
        %lt3A_804 = arith.constant 0 : i32
        %lt3A_805 = vector.broadcast %lt3A_804 : i32 to vector<16xi32>
        %lt3A_806 = arith.cmpi slt, %broadcast_in_dim3A_3, %lt3A_805 : vector<16xi32>
        %add3A_807 = arith.constant 16 : i32
        %add3A_808 = vector.broadcast %add3A_807 : i32 to vector<16xi32>
        %add3A_809 = arith.addi %broadcast_in_dim3A_3, %add3A_808 : vector<16xi32>
        %select_n3A_810 = arith.select %lt3A_806, %add3A_809, %broadcast_in_dim3A_3 : vector<16xi1>, vector<16xi32>
        %broadcast_in_dim3A_811 = vector.shape_cast %select_n3A_810 : vector<16xi32> to vector<16x1xi32>
        %gather3A_812 = vector.shape_cast %broadcast_in_dim3A_811 : vector<16x1xi32> to vector<16xi32>
        %gather3A_813 = tpu.dynamic_gather %add3A_803[%gather3A_812] in [0] : vector<16xf32>, vector<16xi32> -> vector<16xf32>
        %get3A_814 = arith.index_cast %scan3A_774 : i32 to index
        %get3A_815 = arith.constant 32 : index
        %get3A_816 = tpu.vector_load %arg7[%get3A_814, %get3A_815] {strides = array<i32>} : memref<128x64xf32, #tpu.memory_space<vmem>>, vector<16xf32>,
        %add3A_817 = arith.constant 9.99999974E-6 : f32
        %add3A_818 = vector.broadcast %add3A_817 : f32 to vector<16xf32>
        %add3A_819 = arith.addf %get3A_816, %add3A_818 : vector<16xf32>
        %broadcast_in_dim3A_820 = arith.constant true
        %broadcast_in_dim3A_821 = vector.broadcast %broadcast_in_dim3A_820 : i1 to vector<16xi1>
        %masked_cumsum3A_822 = tpu.scan <sum>, %add3A_819 masked %broadcast_in_dim3A_821 : vector<16xf32>, vector<16xi1> -> vector<16xf32>
        %add3A_823 = arith.addf %masked_cumsum3A_822, %gather3A_813 : vector<16xf32>
        %lt3A_824 = arith.constant 0 : i32
        %lt3A_825 = vector.broadcast %lt3A_824 : i32 to vector<16xi32>
        %lt3A_826 = arith.cmpi slt, %broadcast_in_dim3A_3, %lt3A_825 : vector<16xi32>
        %add3A_827 = arith.constant 16 : i32
        %add3A_828 = vector.broadcast %add3A_827 : i32 to vector<16xi32>
        %add3A_829 = arith.addi %broadcast_in_dim3A_3, %add3A_828 : vector<16xi32>
        %select_n3A_830 = arith.select %lt3A_826, %add3A_829, %broadcast_in_dim3A_3 : vector<16xi1>, vector<16xi32>
        %broadcast_in_dim3A_831 = vector.shape_cast %select_n3A_830 : vector<16xi32> to vector<16x1xi32>
        %gather3A_832 = vector.shape_cast %broadcast_in_dim3A_831 : vector<16x1xi32> to vector<16xi32>
        %gather3A_833 = tpu.dynamic_gather %add3A_823[%gather3A_832] in [0] : vector<16xf32>, vector<16xi32> -> vector<16xf32>
        %get3A_834 = arith.index_cast %scan3A_774 : i32 to index
        %get3A_835 = arith.constant 48 : index
        %get3A_836 = tpu.vector_load %arg7[%get3A_834, %get3A_835] {strides = array<i32>} : memref<128x64xf32, #tpu.memory_space<vmem>>, vector<16xf32>,
        %add3A_837 = arith.constant 9.99999974E-6 : f32
        %add3A_838 = vector.broadcast %add3A_837 : f32 to vector<16xf32>
        %add3A_839 = arith.addf %get3A_836, %add3A_838 : vector<16xf32>
        %eq3A_840 = arith.constant 15 : i32
        %eq3A_841 = vector.broadcast %eq3A_840 : i32 to vector<16xi32>
        %eq3A_842 = arith.cmpi eq, %iota3A, %eq3A_841 : vector<16xi32>
        %jit3A_843 = arith.constant 0.000000e+00 : f32
        %broadcast_in_dim3A_844 = vector.broadcast %jit3A_843 : f32 to vector<16xf32>
        %select_n3A_845 = arith.select %eq3A_842, %broadcast_in_dim3A_844, %add3A_839 : vector<16xi1>, vector<16xf32>
        %broadcast_in_dim3A_846 = arith.constant true
        %broadcast_in_dim3A_847 = vector.broadcast %broadcast_in_dim3A_846 : i1 to vector<16xi1>
        %masked_cumsum3A_848 = tpu.scan <sum>, %select_n3A_845 masked %broadcast_in_dim3A_847 : vector<16xf32>, vector<16xi1> -> vector<16xf32>
        %add3A_849 = arith.addf %masked_cumsum3A_848, %gather3A_833 : vector<16xf32>
        %lt3A_850 = arith.constant 0 : i32
        %lt3A_851 = vector.broadcast %lt3A_850 : i32 to vector<16xi32>
        %lt3A_852 = arith.cmpi slt, %broadcast_in_dim3A_3, %lt3A_851 : vector<16xi32>
        %add3A_853 = arith.constant 16 : i32
        %add3A_854 = vector.broadcast %add3A_853 : i32 to vector<16xi32>
        %add3A_855 = arith.addi %broadcast_in_dim3A_3, %add3A_854 : vector<16xi32>
        %select_n3A_856 = arith.select %lt3A_852, %add3A_855, %broadcast_in_dim3A_3 : vector<16xi1>, vector<16xi32>
        %broadcast_in_dim3A_857 = vector.shape_cast %select_n3A_856 : vector<16xi32> to vector<16x1xi32>
        %gather3A_858 = vector.shape_cast %broadcast_in_dim3A_857 : vector<16x1xi32> to vector<16xi32>
        %gather3A_859 = tpu.dynamic_gather %add3A_849[%gather3A_858] in [0] : vector<16xf32>, vector<16xi32> -> vector<16xf32>
        %div3A = arith.constant 1.000000e+00 : f32
        %div3A_860 = vector.broadcast %div3A : f32 to vector<16xf32>
        %div3A_861 = arith.divf %div3A_860, %gather3A_859 : vector<16xf32>
        %mul3A_862 = arith.mulf %masked_cumsum3A, %div3A_861 : vector<16xf32>
        %swap3A_863 = arith.constant 0 : index
        %swap3A_864 = tpu.vector_load %arg9[%swap3A_863] {strides = array<i32>} : memref<64xf32, #tpu.memory_space<vmem>>, vector<16xf32>,
        tpu.vector_store %arg9[%swap3A_863], %mul3A_862 {strides = array<i32>} : memref<64xf32, #tpu.memory_space<vmem>>, vector<16xf32>,
        %mul3A_865 = arith.mulf %add3A_803, %div3A_861 : vector<16xf32>
        %swap3A_866 = arith.constant 16 : index
        %swap3A_867 = tpu.vector_load %arg9[%swap3A_866] {strides = array<i32>} : memref<64xf32, #tpu.memory_space<vmem>>, vector<16xf32>,
        tpu.vector_store %arg9[%swap3A_866], %mul3A_865 {strides = array<i32>} : memref<64xf32, #tpu.memory_space<vmem>>, vector<16xf32>,
        %mul3A_868 = arith.mulf %add3A_823, %div3A_861 : vector<16xf32>
        %swap3A_869 = arith.constant 32 : index
        %swap3A_870 = tpu.vector_load %arg9[%swap3A_869] {strides = array<i32>} : memref<64xf32, #tpu.memory_space<vmem>>, vector<16xf32>,
        tpu.vector_store %arg9[%swap3A_869], %mul3A_868 {strides = array<i32>} : memref<64xf32, #tpu.memory_space<vmem>>, vector<16xf32>,
        %mul3A_871 = arith.mulf %add3A_849, %div3A_861 : vector<16xf32>
        %swap3A_872 = arith.constant 48 : index
        %swap3A_873 = tpu.vector_load %arg9[%swap3A_872] {strides = array<i32>} : memref<64xf32, #tpu.memory_space<vmem>>, vector<16xf32>,
        tpu.vector_store %arg9[%swap3A_872], %mul3A_871 {strides = array<i32>} : memref<64xf32, #tpu.memory_space<vmem>>, vector<16xf32>,
        %add3A_874 = arith.constant 0 : i32
        %add3A_875 = vector.broadcast %add3A_874 : i32 to vector<16xi32>
        %add3A_876 = arith.addi %iota3A, %add3A_875 : vector<16xi32>
        %add3A_877 = arith.constant 1 : i32
        %add3A_878 = vector.broadcast %add3A_877 : i32 to vector<16xi32>
        %add3A_879 = arith.addi %add3A_876, %add3A_878 : vector<16xi32>
        %min3A = arith.constant 63 : i32
        %min3A_880 = vector.broadcast %min3A : i32 to vector<16xi32>
        %min3A_881 = arith.minsi %add3A_879, %min3A_880 : vector<16xi32>
        %get3A_882 = arith.index_cast %scan3A_774 : i32 to index
        %get3A_883 = arith.constant 0 : index
        %get3A_884 = tpu.vector_load %arg6[%get3A_882, %get3A_883] {strides = array<i32>} : memref<128x64xf32, #tpu.memory_space<vmem>>, vector<16xf32>,
        %gather3A_885 = tpu.vector_load_idx %arg6[%broadcast_in_dim3A_775, %min3A_881] : memref<128x64xf32, #tpu.memory_space<vmem>>[vector<16xi32>, vector<16xi32>], vector<16xf32>,
        %add3A_886 = arith.addf %get3A_884, %gather3A_885 : vector<16xf32>
        %mul3A_887 = arith.constant 5.000000e-01 : f32
        %mul3A_888 = vector.broadcast %mul3A_887 : f32 to vector<16xf32>
        %mul3A_889 = arith.mulf %mul3A_888, %add3A_886 : vector<16xf32>
        %swap3A_890 = arith.constant 0 : index
        %swap3A_891 = tpu.vector_load %arg10[%swap3A_890] {strides = array<i32>} : memref<64xf32, #tpu.memory_space<vmem>>, vector<16xf32>,
        tpu.vector_store %arg10[%swap3A_890], %mul3A_889 {strides = array<i32>} : memref<64xf32, #tpu.memory_space<vmem>>, vector<16xf32>,
        %add3A_892 = arith.constant 16 : i32
        %add3A_893 = vector.broadcast %add3A_892 : i32 to vector<16xi32>
        %add3A_894 = arith.addi %iota3A, %add3A_893 : vector<16xi32>
        %add3A_895 = arith.constant 1 : i32
        %add3A_896 = vector.broadcast %add3A_895 : i32 to vector<16xi32>
        %add3A_897 = arith.addi %add3A_894, %add3A_896 : vector<16xi32>
        %min3A_898 = arith.constant 63 : i32
        %min3A_899 = vector.broadcast %min3A_898 : i32 to vector<16xi32>
        %min3A_900 = arith.minsi %add3A_897, %min3A_899 : vector<16xi32>
        %get3A_901 = arith.index_cast %scan3A_774 : i32 to index
        %get3A_902 = arith.constant 16 : index
        %get3A_903 = tpu.vector_load %arg6[%get3A_901, %get3A_902] {strides = array<i32>} : memref<128x64xf32, #tpu.memory_space<vmem>>, vector<16xf32>,
        %gather3A_904 = tpu.vector_load_idx %arg6[%broadcast_in_dim3A_775, %min3A_900] : memref<128x64xf32, #tpu.memory_space<vmem>>[vector<16xi32>, vector<16xi32>], vector<16xf32>,
        %add3A_905 = arith.addf %get3A_903, %gather3A_904 : vector<16xf32>
        %mul3A_906 = arith.constant 5.000000e-01 : f32
        %mul3A_907 = vector.broadcast %mul3A_906 : f32 to vector<16xf32>
        %mul3A_908 = arith.mulf %mul3A_907, %add3A_905 : vector<16xf32>
        %swap3A_909 = arith.constant 16 : index
        %swap3A_910 = tpu.vector_load %arg10[%swap3A_909] {strides = array<i32>} : memref<64xf32, #tpu.memory_space<vmem>>, vector<16xf32>,
        tpu.vector_store %arg10[%swap3A_909], %mul3A_908 {strides = array<i32>} : memref<64xf32, #tpu.memory_space<vmem>>, vector<16xf32>,
        %add3A_911 = arith.constant 32 : i32
        %add3A_912 = vector.broadcast %add3A_911 : i32 to vector<16xi32>
        %add3A_913 = arith.addi %iota3A, %add3A_912 : vector<16xi32>
        %add3A_914 = arith.constant 1 : i32
        %add3A_915 = vector.broadcast %add3A_914 : i32 to vector<16xi32>
        %add3A_916 = arith.addi %add3A_913, %add3A_915 : vector<16xi32>
        %min3A_917 = arith.constant 63 : i32
        %min3A_918 = vector.broadcast %min3A_917 : i32 to vector<16xi32>
        %min3A_919 = arith.minsi %add3A_916, %min3A_918 : vector<16xi32>
        %get3A_920 = arith.index_cast %scan3A_774 : i32 to index
        %get3A_921 = arith.constant 32 : index
        %get3A_922 = tpu.vector_load %arg6[%get3A_920, %get3A_921] {strides = array<i32>} : memref<128x64xf32, #tpu.memory_space<vmem>>, vector<16xf32>,
        %gather3A_923 = tpu.vector_load_idx %arg6[%broadcast_in_dim3A_775, %min3A_919] : memref<128x64xf32, #tpu.memory_space<vmem>>[vector<16xi32>, vector<16xi32>], vector<16xf32>,
        %add3A_924 = arith.addf %get3A_922, %gather3A_923 : vector<16xf32>
        %mul3A_925 = arith.constant 5.000000e-01 : f32
        %mul3A_926 = vector.broadcast %mul3A_925 : f32 to vector<16xf32>
        %mul3A_927 = arith.mulf %mul3A_926, %add3A_924 : vector<16xf32>
        %swap3A_928 = arith.constant 32 : index
        %swap3A_929 = tpu.vector_load %arg10[%swap3A_928] {strides = array<i32>} : memref<64xf32, #tpu.memory_space<vmem>>, vector<16xf32>,
        tpu.vector_store %arg10[%swap3A_928], %mul3A_927 {strides = array<i32>} : memref<64xf32, #tpu.memory_space<vmem>>, vector<16xf32>,
        %add3A_930 = arith.constant 48 : i32
        %add3A_931 = vector.broadcast %add3A_930 : i32 to vector<16xi32>
        %add3A_932 = arith.addi %iota3A, %add3A_931 : vector<16xi32>
        %add3A_933 = arith.constant 1 : i32
        %add3A_934 = vector.broadcast %add3A_933 : i32 to vector<16xi32>
        %add3A_935 = arith.addi %add3A_932, %add3A_934 : vector<16xi32>
        %min3A_936 = arith.constant 63 : i32
        %min3A_937 = vector.broadcast %min3A_936 : i32 to vector<16xi32>
        %min3A_938 = arith.minsi %add3A_935, %min3A_937 : vector<16xi32>
        %get3A_939 = arith.index_cast %scan3A_774 : i32 to index
        %get3A_940 = arith.constant 48 : index
        %get3A_941 = tpu.vector_load %arg6[%get3A_939, %get3A_940] {strides = array<i32>} : memref<128x64xf32, #tpu.memory_space<vmem>>, vector<16xf32>,
        %gather3A_942 = tpu.vector_load_idx %arg6[%broadcast_in_dim3A_775, %min3A_938] : memref<128x64xf32, #tpu.memory_space<vmem>>[vector<16xi32>, vector<16xi32>], vector<16xf32>,
        %add3A_943 = arith.addf %get3A_941, %gather3A_942 : vector<16xf32>
        %mul3A_944 = arith.constant 5.000000e-01 : f32
        %mul3A_945 = vector.broadcast %mul3A_944 : f32 to vector<16xf32>
        %mul3A_946 = arith.mulf %mul3A_945, %add3A_943 : vector<16xf32>
        %swap3A_947 = arith.constant 48 : index
        %swap3A_948 = tpu.vector_load %arg10[%swap3A_947] {strides = array<i32>} : memref<64xf32, #tpu.memory_space<vmem>>, vector<16xf32>,
        tpu.vector_store %arg10[%swap3A_947], %mul3A_946 {strides = array<i32>} : memref<64xf32, #tpu.memory_space<vmem>>, vector<16xf32>,
        %gather3A_949 = tpu.vector_load_idx %arg9[%min3A_881] : memref<64xf32, #tpu.memory_space<vmem>>[vector<16xi32>], vector<16xf32>,
        %gather3A_950 = tpu.vector_load_idx %arg10[%min3A_881] : memref<64xf32, #tpu.memory_space<vmem>>[vector<16xi32>], vector<16xf32>,
        %sub3A = arith.subf %gather3A_949, %mul3A_862 : vector<16xf32>
        %sub3A_951 = arith.subf %gather3A_950, %mul3A_889 : vector<16xf32>
        %lt3A_952 = arith.constant 9.99999974E-6 : f32
        %lt3A_953 = vector.broadcast %lt3A_952 : f32 to vector<16xf32>
        %lt3A_954 = arith.cmpf olt, %sub3A, %lt3A_953 : vector<16xf32>
        %jit3A_955 = arith.constant 1.000000e+00 : f32
        %broadcast_in_dim3A_956 = vector.broadcast %jit3A_955 : f32 to vector<16xf32>
        %select_n3A_957 = arith.select %lt3A_954, %broadcast_in_dim3A_956, %sub3A : vector<16xi1>, vector<16xf32>
        %div3A_958 = arith.divf %sub3A_951, %select_n3A_957 : vector<16xf32>
        %swap3A_959 = arith.constant 0 : index
        %swap3A_960 = tpu.vector_load %arg11[%swap3A_959] {strides = array<i32>} : memref<64xf32, #tpu.memory_space<vmem>>, vector<16xf32>,
        tpu.vector_store %arg11[%swap3A_959], %div3A_958 {strides = array<i32>} : memref<64xf32, #tpu.memory_space<vmem>>, vector<16xf32>,
        %mul3A_961 = arith.constant 1.270000e+02 : f32
        %mul3A_962 = vector.broadcast %mul3A_961 : f32 to vector<16xf32>
        %mul3A_963 = arith.mulf %mul3A_962, %mul3A_862 : vector<16xf32>
        %convert_element_type3A = arith.fptosi %mul3A_963 : vector<16xf32> to vector<16xi32>
        %convert_element_type3A_964 = arith.sitofp %convert_element_type3A : vector<16xi32> to vector<16xf32>
        %lt3A_965 = arith.cmpf olt, %convert_element_type3A_964, %mul3A_963 : vector<16xf32>
        %jit3A_966 = arith.constant 1 : i32
        %jit3A_967 = arith.constant 0 : i32
        %broadcast_in_dim3A_968 = vector.broadcast %jit3A_966 : i32 to vector<16xi32>
        %broadcast_in_dim3A_969 = vector.broadcast %jit3A_967 : i32 to vector<16xi32>
        %select_n3A_970 = arith.select %lt3A_965, %broadcast_in_dim3A_968, %broadcast_in_dim3A_969 : vector<16xi1>, vector<16xi32>
        %add3A_971 = arith.addi %convert_element_type3A, %select_n3A_970 : vector<16xi32>
        %min3A_972 = arith.constant 128 : i32
        %min3A_973 = vector.broadcast %min3A_972 : i32 to vector<16xi32>
        %min3A_974 = arith.minsi %add3A_971, %min3A_973 : vector<16xi32>
        %swap3A_975 = arith.constant 0 : index
        %swap3A_976 = tpu.vector_load %arg12[%swap3A_975] {strides = array<i32>} : memref<64xi32, #tpu.memory_space<vmem>>, vector<16xi32>,
        tpu.vector_store %arg12[%swap3A_975], %min3A_974 {strides = array<i32>} : memref<64xi32, #tpu.memory_space<vmem>>, vector<16xi32>,
        %gather3A_977 = tpu.vector_load_idx %arg9[%min3A_900] : memref<64xf32, #tpu.memory_space<vmem>>[vector<16xi32>], vector<16xf32>,
        %gather3A_978 = tpu.vector_load_idx %arg10[%min3A_900] : memref<64xf32, #tpu.memory_space<vmem>>[vector<16xi32>], vector<16xf32>,
        %sub3A_979 = arith.subf %gather3A_977, %mul3A_865 : vector<16xf32>
        %sub3A_980 = arith.subf %gather3A_978, %mul3A_908 : vector<16xf32>
        %lt3A_981 = arith.constant 9.99999974E-6 : f32
        %lt3A_982 = vector.broadcast %lt3A_981 : f32 to vector<16xf32>
        %lt3A_983 = arith.cmpf olt, %sub3A_979, %lt3A_982 : vector<16xf32>
        %jit3A_984 = arith.constant 1.000000e+00 : f32
        %broadcast_in_dim3A_985 = vector.broadcast %jit3A_984 : f32 to vector<16xf32>
        %select_n3A_986 = arith.select %lt3A_983, %broadcast_in_dim3A_985, %sub3A_979 : vector<16xi1>, vector<16xf32>
        %div3A_987 = arith.divf %sub3A_980, %select_n3A_986 : vector<16xf32>
        %swap3A_988 = arith.constant 16 : index
        %swap3A_989 = tpu.vector_load %arg11[%swap3A_988] {strides = array<i32>} : memref<64xf32, #tpu.memory_space<vmem>>, vector<16xf32>,
        tpu.vector_store %arg11[%swap3A_988], %div3A_987 {strides = array<i32>} : memref<64xf32, #tpu.memory_space<vmem>>, vector<16xf32>,
        %mul3A_990 = arith.constant 1.270000e+02 : f32
        %mul3A_991 = vector.broadcast %mul3A_990 : f32 to vector<16xf32>
        %mul3A_992 = arith.mulf %mul3A_991, %mul3A_865 : vector<16xf32>
        %convert_element_type3A_993 = arith.fptosi %mul3A_992 : vector<16xf32> to vector<16xi32>
        %convert_element_type3A_994 = arith.sitofp %convert_element_type3A_993 : vector<16xi32> to vector<16xf32>
        %lt3A_995 = arith.cmpf olt, %convert_element_type3A_994, %mul3A_992 : vector<16xf32>
        %jit3A_996 = arith.constant 1 : i32
        %jit3A_997 = arith.constant 0 : i32
        %broadcast_in_dim3A_998 = vector.broadcast %jit3A_996 : i32 to vector<16xi32>
        %broadcast_in_dim3A_999 = vector.broadcast %jit3A_997 : i32 to vector<16xi32>
        %select_n3A_1000 = arith.select %lt3A_995, %broadcast_in_dim3A_998, %broadcast_in_dim3A_999 : vector<16xi1>, vector<16xi32>
        %add3A_1001 = arith.addi %convert_element_type3A_993, %select_n3A_1000 : vector<16xi32>
        %min3A_1002 = arith.constant 128 : i32
        %min3A_1003 = vector.broadcast %min3A_1002 : i32 to vector<16xi32>
        %min3A_1004 = arith.minsi %add3A_1001, %min3A_1003 : vector<16xi32>
        %swap3A_1005 = arith.constant 16 : index
        %swap3A_1006 = tpu.vector_load %arg12[%swap3A_1005] {strides = array<i32>} : memref<64xi32, #tpu.memory_space<vmem>>, vector<16xi32>,
        tpu.vector_store %arg12[%swap3A_1005], %min3A_1004 {strides = array<i32>} : memref<64xi32, #tpu.memory_space<vmem>>, vector<16xi32>,
        %gather3A_1007 = tpu.vector_load_idx %arg9[%min3A_919] : memref<64xf32, #tpu.memory_space<vmem>>[vector<16xi32>], vector<16xf32>,
        %gather3A_1008 = tpu.vector_load_idx %arg10[%min3A_919] : memref<64xf32, #tpu.memory_space<vmem>>[vector<16xi32>], vector<16xf32>,
        %sub3A_1009 = arith.subf %gather3A_1007, %mul3A_868 : vector<16xf32>
        %sub3A_1010 = arith.subf %gather3A_1008, %mul3A_927 : vector<16xf32>
        %lt3A_1011 = arith.constant 9.99999974E-6 : f32
        %lt3A_1012 = vector.broadcast %lt3A_1011 : f32 to vector<16xf32>
        %lt3A_1013 = arith.cmpf olt, %sub3A_1009, %lt3A_1012 : vector<16xf32>
        %jit3A_1014 = arith.constant 1.000000e+00 : f32
        %broadcast_in_dim3A_1015 = vector.broadcast %jit3A_1014 : f32 to vector<16xf32>
        %select_n3A_1016 = arith.select %lt3A_1013, %broadcast_in_dim3A_1015, %sub3A_1009 : vector<16xi1>, vector<16xf32>
        %div3A_1017 = arith.divf %sub3A_1010, %select_n3A_1016 : vector<16xf32>
        %swap3A_1018 = arith.constant 32 : index
        %swap3A_1019 = tpu.vector_load %arg11[%swap3A_1018] {strides = array<i32>} : memref<64xf32, #tpu.memory_space<vmem>>, vector<16xf32>,
        tpu.vector_store %arg11[%swap3A_1018], %div3A_1017 {strides = array<i32>} : memref<64xf32, #tpu.memory_space<vmem>>, vector<16xf32>,
        %mul3A_1020 = arith.constant 1.270000e+02 : f32
        %mul3A_1021 = vector.broadcast %mul3A_1020 : f32 to vector<16xf32>
        %mul3A_1022 = arith.mulf %mul3A_1021, %mul3A_868 : vector<16xf32>
        %convert_element_type3A_1023 = arith.fptosi %mul3A_1022 : vector<16xf32> to vector<16xi32>
        %convert_element_type3A_1024 = arith.sitofp %convert_element_type3A_1023 : vector<16xi32> to vector<16xf32>
        %lt3A_1025 = arith.cmpf olt, %convert_element_type3A_1024, %mul3A_1022 : vector<16xf32>
        %jit3A_1026 = arith.constant 1 : i32
        %jit3A_1027 = arith.constant 0 : i32
        %broadcast_in_dim3A_1028 = vector.broadcast %jit3A_1026 : i32 to vector<16xi32>
        %broadcast_in_dim3A_1029 = vector.broadcast %jit3A_1027 : i32 to vector<16xi32>
        %select_n3A_1030 = arith.select %lt3A_1025, %broadcast_in_dim3A_1028, %broadcast_in_dim3A_1029 : vector<16xi1>, vector<16xi32>
        %add3A_1031 = arith.addi %convert_element_type3A_1023, %select_n3A_1030 : vector<16xi32>
        %min3A_1032 = arith.constant 128 : i32
        %min3A_1033 = vector.broadcast %min3A_1032 : i32 to vector<16xi32>
        %min3A_1034 = arith.minsi %add3A_1031, %min3A_1033 : vector<16xi32>
        %swap3A_1035 = arith.constant 32 : index
        %swap3A_1036 = tpu.vector_load %arg12[%swap3A_1035] {strides = array<i32>} : memref<64xi32, #tpu.memory_space<vmem>>, vector<16xi32>,
        tpu.vector_store %arg12[%swap3A_1035], %min3A_1034 {strides = array<i32>} : memref<64xi32, #tpu.memory_space<vmem>>, vector<16xi32>,
        %gather3A_1037 = tpu.vector_load_idx %arg9[%min3A_938] : memref<64xf32, #tpu.memory_space<vmem>>[vector<16xi32>], vector<16xf32>,
        %gather3A_1038 = tpu.vector_load_idx %arg10[%min3A_938] : memref<64xf32, #tpu.memory_space<vmem>>[vector<16xi32>], vector<16xf32>,
        %sub3A_1039 = arith.subf %gather3A_1037, %mul3A_871 : vector<16xf32>
        %sub3A_1040 = arith.subf %gather3A_1038, %mul3A_946 : vector<16xf32>
        %lt3A_1041 = arith.constant 9.99999974E-6 : f32
        %lt3A_1042 = vector.broadcast %lt3A_1041 : f32 to vector<16xf32>
        %lt3A_1043 = arith.cmpf olt, %sub3A_1039, %lt3A_1042 : vector<16xf32>
        %jit3A_1044 = arith.constant 1.000000e+00 : f32
        %broadcast_in_dim3A_1045 = vector.broadcast %jit3A_1044 : f32 to vector<16xf32>
        %select_n3A_1046 = arith.select %lt3A_1043, %broadcast_in_dim3A_1045, %sub3A_1039 : vector<16xi1>, vector<16xf32>
        %div3A_1047 = arith.divf %sub3A_1040, %select_n3A_1046 : vector<16xf32>
        %ge3A = arith.constant 14 : i32
        %ge3A_1048 = vector.broadcast %ge3A : i32 to vector<16xi32>
        %ge3A_1049 = arith.cmpi sge, %iota3A, %ge3A_1048 : vector<16xi32>
        %jit3A_1050 = arith.constant 0.000000e+00 : f32
        %broadcast_in_dim3A_1051 = vector.broadcast %jit3A_1050 : f32 to vector<16xf32>
        %select_n3A_1052 = arith.select %ge3A_1049, %broadcast_in_dim3A_1051, %div3A_1047 : vector<16xi1>, vector<16xf32>
        %swap3A_1053 = arith.constant 48 : index
        %swap3A_1054 = tpu.vector_load %arg11[%swap3A_1053] {strides = array<i32>} : memref<64xf32, #tpu.memory_space<vmem>>, vector<16xf32>,
        tpu.vector_store %arg11[%swap3A_1053], %select_n3A_1052 {strides = array<i32>} : memref<64xf32, #tpu.memory_space<vmem>>, vector<16xf32>,
        %mul3A_1055 = arith.constant 1.270000e+02 : f32
        %mul3A_1056 = vector.broadcast %mul3A_1055 : f32 to vector<16xf32>
        %mul3A_1057 = arith.mulf %mul3A_1056, %mul3A_871 : vector<16xf32>
        %convert_element_type3A_1058 = arith.fptosi %mul3A_1057 : vector<16xf32> to vector<16xi32>
        %convert_element_type3A_1059 = arith.sitofp %convert_element_type3A_1058 : vector<16xi32> to vector<16xf32>
        %lt3A_1060 = arith.cmpf olt, %convert_element_type3A_1059, %mul3A_1057 : vector<16xf32>
        %jit3A_1061 = arith.constant 1 : i32
        %jit3A_1062 = arith.constant 0 : i32
        %broadcast_in_dim3A_1063 = vector.broadcast %jit3A_1061 : i32 to vector<16xi32>
        %broadcast_in_dim3A_1064 = vector.broadcast %jit3A_1062 : i32 to vector<16xi32>
        %select_n3A_1065 = arith.select %lt3A_1060, %broadcast_in_dim3A_1063, %broadcast_in_dim3A_1064 : vector<16xi1>, vector<16xi32>
        %add3A_1066 = arith.addi %convert_element_type3A_1058, %select_n3A_1065 : vector<16xi32>
        %min3A_1067 = arith.constant 128 : i32
        %min3A_1068 = vector.broadcast %min3A_1067 : i32 to vector<16xi32>
        %min3A_1069 = arith.minsi %add3A_1066, %min3A_1068 : vector<16xi32>
        %eq3A_1070 = arith.constant 15 : i32
        %eq3A_1071 = vector.broadcast %eq3A_1070 : i32 to vector<16xi32>
        %eq3A_1072 = arith.cmpi eq, %iota3A, %eq3A_1071 : vector<16xi32>
        %jit3A_1073 = arith.constant 999 : i32
        %broadcast_in_dim3A_1074 = vector.broadcast %jit3A_1073 : i32 to vector<16xi32>
        %select_n3A_1075 = arith.select %eq3A_1072, %broadcast_in_dim3A_1074, %min3A_1069 : vector<16xi1>, vector<16xi32>
        %swap3A_1076 = arith.constant 48 : index
        %swap3A_1077 = tpu.vector_load %arg12[%swap3A_1076] {strides = array<i32>} : memref<64xi32, #tpu.memory_space<vmem>>, vector<16xi32>,
        tpu.vector_store %arg12[%swap3A_1076], %select_n3A_1075 {strides = array<i32>} : memref<64xi32, #tpu.memory_space<vmem>>, vector<16xi32>,
        %gather3A_1078 = tpu.vector_load_idx %arg12[%min3A_881] : memref<64xi32, #tpu.memory_space<vmem>>[vector<16xi32>], vector<16xi32>,
        %lt3A_1079 = arith.cmpi slt, %min3A_974, %gather3A_1078 : vector<16xi32>
        %min3A_1080 = arith.constant 140 : i32
        %min3A_1081 = vector.broadcast %min3A_1080 : i32 to vector<16xi32>
        %min3A_1082 = arith.minsi %min3A_974, %min3A_1081 : vector<16xi32>
        %add3A_1083 = arith.constant 0 : i32
        %add3A_1084 = vector.broadcast %add3A_1083 : i32 to vector<16xi32>
        %add3A_1085 = arith.addi %iota3A, %add3A_1084 : vector<16xi32>
        tpu.vector_store_idx %arg14[%min3A_1082], %add3A_1085 masked %lt3A_1079 : memref<144xi32, #tpu.memory_space<vmem>>[vector<16xi32>], vector<16xi32>, vector<16xi1>
        %gather3A_1086 = tpu.vector_load_idx %arg12[%min3A_900] : memref<64xi32, #tpu.memory_space<vmem>>[vector<16xi32>], vector<16xi32>,
        %lt3A_1087 = arith.cmpi slt, %min3A_1004, %gather3A_1086 : vector<16xi32>
        %min3A_1088 = arith.constant 140 : i32
        %min3A_1089 = vector.broadcast %min3A_1088 : i32 to vector<16xi32>
        %min3A_1090 = arith.minsi %min3A_1004, %min3A_1089 : vector<16xi32>
        %add3A_1091 = arith.constant 16 : i32
        %add3A_1092 = vector.broadcast %add3A_1091 : i32 to vector<16xi32>
        %add3A_1093 = arith.addi %iota3A, %add3A_1092 : vector<16xi32>
        tpu.vector_store_idx %arg14[%min3A_1090], %add3A_1093 masked %lt3A_1087 : memref<144xi32, #tpu.memory_space<vmem>>[vector<16xi32>], vector<16xi32>, vector<16xi1>
        %gather3A_1094 = tpu.vector_load_idx %arg12[%min3A_919] : memref<64xi32, #tpu.memory_space<vmem>>[vector<16xi32>], vector<16xi32>,
        %lt3A_1095 = arith.cmpi slt, %min3A_1034, %gather3A_1094 : vector<16xi32>
        %min3A_1096 = arith.constant 140 : i32
        %min3A_1097 = vector.broadcast %min3A_1096 : i32 to vector<16xi32>
        %min3A_1098 = arith.minsi %min3A_1034, %min3A_1097 : vector<16xi32>
        %add3A_1099 = arith.constant 32 : i32
        %add3A_1100 = vector.broadcast %add3A_1099 : i32 to vector<16xi32>
        %add3A_1101 = arith.addi %iota3A, %add3A_1100 : vector<16xi32>
        tpu.vector_store_idx %arg14[%min3A_1098], %add3A_1101 masked %lt3A_1095 : memref<144xi32, #tpu.memory_space<vmem>>[vector<16xi32>], vector<16xi32>, vector<16xi1>
        %gather3A_1102 = tpu.vector_load_idx %arg12[%min3A_938] : memref<64xi32, #tpu.memory_space<vmem>>[vector<16xi32>], vector<16xi32>,
        %lt3A_1103 = arith.cmpi slt, %select_n3A_1075, %gather3A_1102 : vector<16xi32>
        %min3A_1104 = arith.constant 140 : i32
        %min3A_1105 = vector.broadcast %min3A_1104 : i32 to vector<16xi32>
        %min3A_1106 = arith.minsi %select_n3A_1075, %min3A_1105 : vector<16xi32>
        %add3A_1107 = arith.constant 48 : i32
        %add3A_1108 = vector.broadcast %add3A_1107 : i32 to vector<16xi32>
        %add3A_1109 = arith.addi %iota3A, %add3A_1108 : vector<16xi32>
        tpu.vector_store_idx %arg14[%min3A_1106], %add3A_1109 masked %lt3A_1103 : memref<144xi32, #tpu.memory_space<vmem>>[vector<16xi32>], vector<16xi32>, vector<16xi1>
        %add3A_1110 = arith.constant -1 : i32
        %add3A_1111 = vector.broadcast %add3A_1110 : i32 to vector<16xi32>
        %add3A_1112 = arith.addi %iota3A, %add3A_1111 : vector<16xi32>
        %max3A = arith.constant 0 : i32
        %max3A_1113 = vector.broadcast %max3A : i32 to vector<16xi32>
        %max3A_1114 = arith.maxsi %add3A_1112, %max3A_1113 : vector<16xi32>
        %gather3A_1115 = tpu.vector_load_idx %arg10[%max3A_1114] : memref<64xf32, #tpu.memory_space<vmem>>[vector<16xi32>], vector<16xf32>,
        %gather3A_1116 = tpu.vector_load_idx %arg9[%max3A_1114] : memref<64xf32, #tpu.memory_space<vmem>>[vector<16xi32>], vector<16xf32>,
        %sub3A_1117 = arith.subf %mul3A_889, %gather3A_1115 : vector<16xf32>
        %le3A = arith.constant 0.000000e+00 : f32
        %le3A_1118 = vector.broadcast %le3A : f32 to vector<16xf32>
        %le3A_1119 = arith.cmpf ole, %sub3A_1117, %le3A_1118 : vector<16xf32>
        %sub3A_1120 = arith.subf %get3A_884, %gather3A_1115 : vector<16xf32>
        %jit3A_1121 = arith.constant 1.000000e+00 : f32
        %broadcast_in_dim3A_1122 = vector.broadcast %jit3A_1121 : f32 to vector<16xf32>
        %select_n3A_1123 = arith.select %le3A_1119, %broadcast_in_dim3A_1122, %sub3A_1117 : vector<16xi1>, vector<16xf32>
        %div3A_1124 = arith.divf %sub3A_1120, %select_n3A_1123 : vector<16xf32>
        %jit3A_1125 = arith.constant 0.000000e+00 : f32
        %broadcast_in_dim3A_1126 = vector.broadcast %jit3A_1125 : f32 to vector<16xf32>
        %select_n3A_1127 = arith.select %le3A_1119, %broadcast_in_dim3A_1126, %div3A_1124 : vector<16xi1>, vector<16xf32>
        %sub3A_1128 = arith.subf %mul3A_862, %gather3A_1116 : vector<16xf32>
        %mul3A_1129 = arith.mulf %select_n3A_1127, %sub3A_1128 : vector<16xf32>
        %add3A_1130 = arith.addf %gather3A_1116, %mul3A_1129 : vector<16xf32>
        %mul3A_1131 = arith.constant 1.270000e+02 : f32
        %mul3A_1132 = vector.broadcast %mul3A_1131 : f32 to vector<16xf32>
        %mul3A_1133 = arith.mulf %mul3A_1132, %add3A_1130 : vector<16xf32>
        %convert_element_type3A_1134 = arith.fptosi %mul3A_1133 : vector<16xf32> to vector<16xi32>
        %convert_element_type3A_1135 = arith.sitofp %convert_element_type3A_1134 : vector<16xi32> to vector<16xf32>
        %lt3A_1136 = arith.cmpf olt, %convert_element_type3A_1135, %mul3A_1133 : vector<16xf32>
        %jit3A_1137 = arith.constant 1 : i32
        %jit3A_1138 = arith.constant 0 : i32
        %broadcast_in_dim3A_1139 = vector.broadcast %jit3A_1137 : i32 to vector<16xi32>
        %broadcast_in_dim3A_1140 = vector.broadcast %jit3A_1138 : i32 to vector<16xi32>
        %select_n3A_1141 = arith.select %lt3A_1136, %broadcast_in_dim3A_1139, %broadcast_in_dim3A_1140 : vector<16xi1>, vector<16xi32>
        %add3A_1142 = arith.addi %convert_element_type3A_1134, %select_n3A_1141 : vector<16xi32>
        %jit3A_1143 = arith.constant 0 : i32
        %jit3A_1144 = arith.constant 128 : i32
        %max3A_1145 = vector.broadcast %jit3A_1143 : i32 to vector<16xi32>
        %max3A_1146 = arith.maxsi %max3A_1145, %add3A_1142 : vector<16xi32>
        %min3A_1147 = vector.broadcast %jit3A_1144 : i32 to vector<16xi32>
        %min3A_1148 = arith.minsi %min3A_1147, %max3A_1146 : vector<16xi32>
        %eq3A_1149 = arith.constant 0 : i32
        %eq3A_1150 = vector.broadcast %eq3A_1149 : i32 to vector<16xi32>
        %eq3A_1151 = arith.cmpi eq, %iota3A, %eq3A_1150 : vector<16xi32>
        %jit3A_1152 = arith.constant 0 : i32
        %broadcast_in_dim3A_1153 = vector.broadcast %jit3A_1152 : i32 to vector<16xi32>
        %select_n3A_1154 = arith.select %eq3A_1151, %broadcast_in_dim3A_1153, %min3A_1148 : vector<16xi1>, vector<16xi32>
        %broadcast_in_dim3A_1155 = arith.constant true
        %broadcast_in_dim3A_1156 = vector.broadcast %broadcast_in_dim3A_1155 : i1 to vector<16xi1>
        %masked_cummax3A = arith.constant -2147483648 : i32
        %masked_cummax3A_1157 = vector.broadcast %masked_cummax3A : i32 to vector<16xi32>
        %masked_cummax3A_1158 = arith.xori %select_n3A_1154, %masked_cummax3A_1157 : vector<16xi32>
        %masked_cummax3A_1159 = tpu.scan <max>, %masked_cummax3A_1158 masked %broadcast_in_dim3A_1156 : vector<16xi32>, vector<16xi1> -> vector<16xi32>
        %masked_cummax3A_1160 = arith.xori %masked_cummax3A_1159, %masked_cummax3A_1157 : vector<16xi32>
        %lt3A_1161 = arith.constant 0 : i32
        %lt3A_1162 = vector.broadcast %lt3A_1161 : i32 to vector<16xi32>
        %lt3A_1163 = arith.cmpi slt, %broadcast_in_dim3A_3, %lt3A_1162 : vector<16xi32>
        %add3A_1164 = arith.constant 16 : i32
        %add3A_1165 = vector.broadcast %add3A_1164 : i32 to vector<16xi32>
        %add3A_1166 = arith.addi %broadcast_in_dim3A_3, %add3A_1165 : vector<16xi32>
        %select_n3A_1167 = arith.select %lt3A_1163, %add3A_1166, %broadcast_in_dim3A_3 : vector<16xi1>, vector<16xi32>
        %broadcast_in_dim3A_1168 = vector.shape_cast %select_n3A_1167 : vector<16xi32> to vector<16x1xi32>
        %gather3A_1169 = vector.shape_cast %broadcast_in_dim3A_1168 : vector<16x1xi32> to vector<16xi32>
        %gather3A_1170 = tpu.dynamic_gather %masked_cummax3A_1160[%gather3A_1169] in [0] : vector<16xi32>, vector<16xi32> -> vector<16xi32>
        %swap3A_1171 = arith.constant 0 : index
        %swap3A_1172 = tpu.vector_load %arg13[%swap3A_1171] {strides = array<i32>} : memref<64xi32, #tpu.memory_space<vmem>>, vector<16xi32>,
        tpu.vector_store %arg13[%swap3A_1171], %masked_cummax3A_1160 {strides = array<i32>} : memref<64xi32, #tpu.memory_space<vmem>>, vector<16xi32>,
        %add3A_1173 = arith.constant 15 : i32
        %add3A_1174 = vector.broadcast %add3A_1173 : i32 to vector<16xi32>
        %add3A_1175 = arith.addi %iota3A, %add3A_1174 : vector<16xi32>
        %max3A_1176 = arith.constant 0 : i32
        %max3A_1177 = vector.broadcast %max3A_1176 : i32 to vector<16xi32>
        %max3A_1178 = arith.maxsi %add3A_1175, %max3A_1177 : vector<16xi32>
        %gather3A_1179 = tpu.vector_load_idx %arg10[%max3A_1178] : memref<64xf32, #tpu.memory_space<vmem>>[vector<16xi32>], vector<16xf32>,
        %gather3A_1180 = tpu.vector_load_idx %arg9[%max3A_1178] : memref<64xf32, #tpu.memory_space<vmem>>[vector<16xi32>], vector<16xf32>,
        %sub3A_1181 = arith.subf %mul3A_908, %gather3A_1179 : vector<16xf32>
        %le3A_1182 = arith.constant 0.000000e+00 : f32
        %le3A_1183 = vector.broadcast %le3A_1182 : f32 to vector<16xf32>
        %le3A_1184 = arith.cmpf ole, %sub3A_1181, %le3A_1183 : vector<16xf32>
        %sub3A_1185 = arith.subf %get3A_903, %gather3A_1179 : vector<16xf32>
        %jit3A_1186 = arith.constant 1.000000e+00 : f32
        %broadcast_in_dim3A_1187 = vector.broadcast %jit3A_1186 : f32 to vector<16xf32>
        %select_n3A_1188 = arith.select %le3A_1184, %broadcast_in_dim3A_1187, %sub3A_1181 : vector<16xi1>, vector<16xf32>
        %div3A_1189 = arith.divf %sub3A_1185, %select_n3A_1188 : vector<16xf32>
        %jit3A_1190 = arith.constant 0.000000e+00 : f32
        %broadcast_in_dim3A_1191 = vector.broadcast %jit3A_1190 : f32 to vector<16xf32>
        %select_n3A_1192 = arith.select %le3A_1184, %broadcast_in_dim3A_1191, %div3A_1189 : vector<16xi1>, vector<16xf32>
        %sub3A_1193 = arith.subf %mul3A_865, %gather3A_1180 : vector<16xf32>
        %mul3A_1194 = arith.mulf %select_n3A_1192, %sub3A_1193 : vector<16xf32>
        %add3A_1195 = arith.addf %gather3A_1180, %mul3A_1194 : vector<16xf32>
        %mul3A_1196 = arith.constant 1.270000e+02 : f32
        %mul3A_1197 = vector.broadcast %mul3A_1196 : f32 to vector<16xf32>
        %mul3A_1198 = arith.mulf %mul3A_1197, %add3A_1195 : vector<16xf32>
        %convert_element_type3A_1199 = arith.fptosi %mul3A_1198 : vector<16xf32> to vector<16xi32>
        %convert_element_type3A_1200 = arith.sitofp %convert_element_type3A_1199 : vector<16xi32> to vector<16xf32>
        %lt3A_1201 = arith.cmpf olt, %convert_element_type3A_1200, %mul3A_1198 : vector<16xf32>
        %jit3A_1202 = arith.constant 1 : i32
        %jit3A_1203 = arith.constant 0 : i32
        %broadcast_in_dim3A_1204 = vector.broadcast %jit3A_1202 : i32 to vector<16xi32>
        %broadcast_in_dim3A_1205 = vector.broadcast %jit3A_1203 : i32 to vector<16xi32>
        %select_n3A_1206 = arith.select %lt3A_1201, %broadcast_in_dim3A_1204, %broadcast_in_dim3A_1205 : vector<16xi1>, vector<16xi32>
        %add3A_1207 = arith.addi %convert_element_type3A_1199, %select_n3A_1206 : vector<16xi32>
        %jit3A_1208 = arith.constant 0 : i32
        %jit3A_1209 = arith.constant 128 : i32
        %max3A_1210 = vector.broadcast %jit3A_1208 : i32 to vector<16xi32>
        %max3A_1211 = arith.maxsi %max3A_1210, %add3A_1207 : vector<16xi32>
        %min3A_1212 = vector.broadcast %jit3A_1209 : i32 to vector<16xi32>
        %min3A_1213 = arith.minsi %min3A_1212, %max3A_1211 : vector<16xi32>
        %broadcast_in_dim3A_1214 = arith.constant true
        %broadcast_in_dim3A_1215 = vector.broadcast %broadcast_in_dim3A_1214 : i1 to vector<16xi1>
        %masked_cummax3A_1216 = arith.constant -2147483648 : i32
        %masked_cummax3A_1217 = vector.broadcast %masked_cummax3A_1216 : i32 to vector<16xi32>
        %masked_cummax3A_1218 = arith.xori %min3A_1213, %masked_cummax3A_1217 : vector<16xi32>
        %masked_cummax3A_1219 = tpu.scan <max>, %masked_cummax3A_1218 masked %broadcast_in_dim3A_1215 : vector<16xi32>, vector<16xi1> -> vector<16xi32>
        %masked_cummax3A_1220 = arith.xori %masked_cummax3A_1219, %masked_cummax3A_1217 : vector<16xi32>
        %max3A_1221 = arith.maxsi %masked_cummax3A_1220, %gather3A_1170 : vector<16xi32>
        %lt3A_1222 = arith.constant 0 : i32
        %lt3A_1223 = vector.broadcast %lt3A_1222 : i32 to vector<16xi32>
        %lt3A_1224 = arith.cmpi slt, %broadcast_in_dim3A_3, %lt3A_1223 : vector<16xi32>
        %add3A_1225 = arith.constant 16 : i32
        %add3A_1226 = vector.broadcast %add3A_1225 : i32 to vector<16xi32>
        %add3A_1227 = arith.addi %broadcast_in_dim3A_3, %add3A_1226 : vector<16xi32>
        %select_n3A_1228 = arith.select %lt3A_1224, %add3A_1227, %broadcast_in_dim3A_3 : vector<16xi1>, vector<16xi32>
        %broadcast_in_dim3A_1229 = vector.shape_cast %select_n3A_1228 : vector<16xi32> to vector<16x1xi32>
        %gather3A_1230 = vector.shape_cast %broadcast_in_dim3A_1229 : vector<16x1xi32> to vector<16xi32>
        %gather3A_1231 = tpu.dynamic_gather %max3A_1221[%gather3A_1230] in [0] : vector<16xi32>, vector<16xi32> -> vector<16xi32>
        %swap3A_1232 = arith.constant 16 : index
        %swap3A_1233 = tpu.vector_load %arg13[%swap3A_1232] {strides = array<i32>} : memref<64xi32, #tpu.memory_space<vmem>>, vector<16xi32>,
        tpu.vector_store %arg13[%swap3A_1232], %max3A_1221 {strides = array<i32>} : memref<64xi32, #tpu.memory_space<vmem>>, vector<16xi32>,
        %add3A_1234 = arith.constant 31 : i32
        %add3A_1235 = vector.broadcast %add3A_1234 : i32 to vector<16xi32>
        %add3A_1236 = arith.addi %iota3A, %add3A_1235 : vector<16xi32>
        %max3A_1237 = arith.constant 0 : i32
        %max3A_1238 = vector.broadcast %max3A_1237 : i32 to vector<16xi32>
        %max3A_1239 = arith.maxsi %add3A_1236, %max3A_1238 : vector<16xi32>
        %gather3A_1240 = tpu.vector_load_idx %arg10[%max3A_1239] : memref<64xf32, #tpu.memory_space<vmem>>[vector<16xi32>], vector<16xf32>,
        %gather3A_1241 = tpu.vector_load_idx %arg9[%max3A_1239] : memref<64xf32, #tpu.memory_space<vmem>>[vector<16xi32>], vector<16xf32>,
        %sub3A_1242 = arith.subf %mul3A_927, %gather3A_1240 : vector<16xf32>
        %le3A_1243 = arith.constant 0.000000e+00 : f32
        %le3A_1244 = vector.broadcast %le3A_1243 : f32 to vector<16xf32>
        %le3A_1245 = arith.cmpf ole, %sub3A_1242, %le3A_1244 : vector<16xf32>
        %sub3A_1246 = arith.subf %get3A_922, %gather3A_1240 : vector<16xf32>
        %jit3A_1247 = arith.constant 1.000000e+00 : f32
        %broadcast_in_dim3A_1248 = vector.broadcast %jit3A_1247 : f32 to vector<16xf32>
        %select_n3A_1249 = arith.select %le3A_1245, %broadcast_in_dim3A_1248, %sub3A_1242 : vector<16xi1>, vector<16xf32>
        %div3A_1250 = arith.divf %sub3A_1246, %select_n3A_1249 : vector<16xf32>
        %jit3A_1251 = arith.constant 0.000000e+00 : f32
        %broadcast_in_dim3A_1252 = vector.broadcast %jit3A_1251 : f32 to vector<16xf32>
        %select_n3A_1253 = arith.select %le3A_1245, %broadcast_in_dim3A_1252, %div3A_1250 : vector<16xi1>, vector<16xf32>
        %sub3A_1254 = arith.subf %mul3A_868, %gather3A_1241 : vector<16xf32>
        %mul3A_1255 = arith.mulf %select_n3A_1253, %sub3A_1254 : vector<16xf32>
        %add3A_1256 = arith.addf %gather3A_1241, %mul3A_1255 : vector<16xf32>
        %mul3A_1257 = arith.constant 1.270000e+02 : f32
        %mul3A_1258 = vector.broadcast %mul3A_1257 : f32 to vector<16xf32>
        %mul3A_1259 = arith.mulf %mul3A_1258, %add3A_1256 : vector<16xf32>
        %convert_element_type3A_1260 = arith.fptosi %mul3A_1259 : vector<16xf32> to vector<16xi32>
        %convert_element_type3A_1261 = arith.sitofp %convert_element_type3A_1260 : vector<16xi32> to vector<16xf32>
        %lt3A_1262 = arith.cmpf olt, %convert_element_type3A_1261, %mul3A_1259 : vector<16xf32>
        %jit3A_1263 = arith.constant 1 : i32
        %jit3A_1264 = arith.constant 0 : i32
        %broadcast_in_dim3A_1265 = vector.broadcast %jit3A_1263 : i32 to vector<16xi32>
        %broadcast_in_dim3A_1266 = vector.broadcast %jit3A_1264 : i32 to vector<16xi32>
        %select_n3A_1267 = arith.select %lt3A_1262, %broadcast_in_dim3A_1265, %broadcast_in_dim3A_1266 : vector<16xi1>, vector<16xi32>
        %add3A_1268 = arith.addi %convert_element_type3A_1260, %select_n3A_1267 : vector<16xi32>
        %jit3A_1269 = arith.constant 0 : i32
        %jit3A_1270 = arith.constant 128 : i32
        %max3A_1271 = vector.broadcast %jit3A_1269 : i32 to vector<16xi32>
        %max3A_1272 = arith.maxsi %max3A_1271, %add3A_1268 : vector<16xi32>
        %min3A_1273 = vector.broadcast %jit3A_1270 : i32 to vector<16xi32>
        %min3A_1274 = arith.minsi %min3A_1273, %max3A_1272 : vector<16xi32>
        %broadcast_in_dim3A_1275 = arith.constant true
        %broadcast_in_dim3A_1276 = vector.broadcast %broadcast_in_dim3A_1275 : i1 to vector<16xi1>
        %masked_cummax3A_1277 = arith.constant -2147483648 : i32
        %masked_cummax3A_1278 = vector.broadcast %masked_cummax3A_1277 : i32 to vector<16xi32>
        %masked_cummax3A_1279 = arith.xori %min3A_1274, %masked_cummax3A_1278 : vector<16xi32>
        %masked_cummax3A_1280 = tpu.scan <max>, %masked_cummax3A_1279 masked %broadcast_in_dim3A_1276 : vector<16xi32>, vector<16xi1> -> vector<16xi32>
        %masked_cummax3A_1281 = arith.xori %masked_cummax3A_1280, %masked_cummax3A_1278 : vector<16xi32>
        %max3A_1282 = arith.maxsi %masked_cummax3A_1281, %gather3A_1231 : vector<16xi32>
        %lt3A_1283 = arith.constant 0 : i32
        %lt3A_1284 = vector.broadcast %lt3A_1283 : i32 to vector<16xi32>
        %lt3A_1285 = arith.cmpi slt, %broadcast_in_dim3A_3, %lt3A_1284 : vector<16xi32>
        %add3A_1286 = arith.constant 16 : i32
        %add3A_1287 = vector.broadcast %add3A_1286 : i32 to vector<16xi32>
        %add3A_1288 = arith.addi %broadcast_in_dim3A_3, %add3A_1287 : vector<16xi32>
        %select_n3A_1289 = arith.select %lt3A_1285, %add3A_1288, %broadcast_in_dim3A_3 : vector<16xi1>, vector<16xi32>
        %broadcast_in_dim3A_1290 = vector.shape_cast %select_n3A_1289 : vector<16xi32> to vector<16x1xi32>
        %gather3A_1291 = vector.shape_cast %broadcast_in_dim3A_1290 : vector<16x1xi32> to vector<16xi32>
        %gather3A_1292 = tpu.dynamic_gather %max3A_1282[%gather3A_1291] in [0] : vector<16xi32>, vector<16xi32> -> vector<16xi32>
        %swap3A_1293 = arith.constant 32 : index
        %swap3A_1294 = tpu.vector_load %arg13[%swap3A_1293] {strides = array<i32>} : memref<64xi32, #tpu.memory_space<vmem>>, vector<16xi32>,
        tpu.vector_store %arg13[%swap3A_1293], %max3A_1282 {strides = array<i32>} : memref<64xi32, #tpu.memory_space<vmem>>, vector<16xi32>,
        %add3A_1295 = arith.constant 47 : i32
        %add3A_1296 = vector.broadcast %add3A_1295 : i32 to vector<16xi32>
        %add3A_1297 = arith.addi %iota3A, %add3A_1296 : vector<16xi32>
        %max3A_1298 = arith.constant 0 : i32
        %max3A_1299 = vector.broadcast %max3A_1298 : i32 to vector<16xi32>
        %max3A_1300 = arith.maxsi %add3A_1297, %max3A_1299 : vector<16xi32>
        %gather3A_1301 = tpu.vector_load_idx %arg10[%max3A_1300] : memref<64xf32, #tpu.memory_space<vmem>>[vector<16xi32>], vector<16xf32>,
        %gather3A_1302 = tpu.vector_load_idx %arg9[%max3A_1300] : memref<64xf32, #tpu.memory_space<vmem>>[vector<16xi32>], vector<16xf32>,
        %sub3A_1303 = arith.subf %mul3A_946, %gather3A_1301 : vector<16xf32>
        %le3A_1304 = arith.constant 0.000000e+00 : f32
        %le3A_1305 = vector.broadcast %le3A_1304 : f32 to vector<16xf32>
        %le3A_1306 = arith.cmpf ole, %sub3A_1303, %le3A_1305 : vector<16xf32>
        %sub3A_1307 = arith.subf %get3A_941, %gather3A_1301 : vector<16xf32>
        %jit3A_1308 = arith.constant 1.000000e+00 : f32
        %broadcast_in_dim3A_1309 = vector.broadcast %jit3A_1308 : f32 to vector<16xf32>
        %select_n3A_1310 = arith.select %le3A_1306, %broadcast_in_dim3A_1309, %sub3A_1303 : vector<16xi1>, vector<16xf32>
        %div3A_1311 = arith.divf %sub3A_1307, %select_n3A_1310 : vector<16xf32>
        %jit3A_1312 = arith.constant 0.000000e+00 : f32
        %broadcast_in_dim3A_1313 = vector.broadcast %jit3A_1312 : f32 to vector<16xf32>
        %select_n3A_1314 = arith.select %le3A_1306, %broadcast_in_dim3A_1313, %div3A_1311 : vector<16xi1>, vector<16xf32>
        %sub3A_1315 = arith.subf %mul3A_871, %gather3A_1302 : vector<16xf32>
        %mul3A_1316 = arith.mulf %select_n3A_1314, %sub3A_1315 : vector<16xf32>
        %add3A_1317 = arith.addf %gather3A_1302, %mul3A_1316 : vector<16xf32>
        %mul3A_1318 = arith.constant 1.270000e+02 : f32
        %mul3A_1319 = vector.broadcast %mul3A_1318 : f32 to vector<16xf32>
        %mul3A_1320 = arith.mulf %mul3A_1319, %add3A_1317 : vector<16xf32>
        %convert_element_type3A_1321 = arith.fptosi %mul3A_1320 : vector<16xf32> to vector<16xi32>
        %convert_element_type3A_1322 = arith.sitofp %convert_element_type3A_1321 : vector<16xi32> to vector<16xf32>
        %lt3A_1323 = arith.cmpf olt, %convert_element_type3A_1322, %mul3A_1320 : vector<16xf32>
        %jit3A_1324 = arith.constant 1 : i32
        %jit3A_1325 = arith.constant 0 : i32
        %broadcast_in_dim3A_1326 = vector.broadcast %jit3A_1324 : i32 to vector<16xi32>
        %broadcast_in_dim3A_1327 = vector.broadcast %jit3A_1325 : i32 to vector<16xi32>
        %select_n3A_1328 = arith.select %lt3A_1323, %broadcast_in_dim3A_1326, %broadcast_in_dim3A_1327 : vector<16xi1>, vector<16xi32>
        %add3A_1329 = arith.addi %convert_element_type3A_1321, %select_n3A_1328 : vector<16xi32>
        %jit3A_1330 = arith.constant 0 : i32
        %jit3A_1331 = arith.constant 128 : i32
        %max3A_1332 = vector.broadcast %jit3A_1330 : i32 to vector<16xi32>
        %max3A_1333 = arith.maxsi %max3A_1332, %add3A_1329 : vector<16xi32>
        %min3A_1334 = vector.broadcast %jit3A_1331 : i32 to vector<16xi32>
        %min3A_1335 = arith.minsi %min3A_1334, %max3A_1333 : vector<16xi32>
        %eq3A_1336 = arith.constant 15 : i32
        %eq3A_1337 = vector.broadcast %eq3A_1336 : i32 to vector<16xi32>
        %eq3A_1338 = arith.cmpi eq, %iota3A, %eq3A_1337 : vector<16xi32>
        %jit3A_1339 = arith.constant 128 : i32
        %broadcast_in_dim3A_1340 = vector.broadcast %jit3A_1339 : i32 to vector<16xi32>
        %select_n3A_1341 = arith.select %eq3A_1338, %broadcast_in_dim3A_1340, %min3A_1335 : vector<16xi1>, vector<16xi32>
        %broadcast_in_dim3A_1342 = arith.constant true
        %broadcast_in_dim3A_1343 = vector.broadcast %broadcast_in_dim3A_1342 : i1 to vector<16xi1>
        %masked_cummax3A_1344 = arith.constant -2147483648 : i32
        %masked_cummax3A_1345 = vector.broadcast %masked_cummax3A_1344 : i32 to vector<16xi32>
        %masked_cummax3A_1346 = arith.xori %select_n3A_1341, %masked_cummax3A_1345 : vector<16xi32>
        %masked_cummax3A_1347 = tpu.scan <max>, %masked_cummax3A_1346 masked %broadcast_in_dim3A_1343 : vector<16xi32>, vector<16xi1> -> vector<16xi32>
        %masked_cummax3A_1348 = arith.xori %masked_cummax3A_1347, %masked_cummax3A_1345 : vector<16xi32>
        %max3A_1349 = arith.maxsi %masked_cummax3A_1348, %gather3A_1292 : vector<16xi32>
        %lt3A_1350 = arith.constant 0 : i32
        %lt3A_1351 = vector.broadcast %lt3A_1350 : i32 to vector<16xi32>
        %lt3A_1352 = arith.cmpi slt, %broadcast_in_dim3A_3, %lt3A_1351 : vector<16xi32>
        %add3A_1353 = arith.constant 16 : i32
        %add3A_1354 = vector.broadcast %add3A_1353 : i32 to vector<16xi32>
        %add3A_1355 = arith.addi %broadcast_in_dim3A_3, %add3A_1354 : vector<16xi32>
        %select_n3A_1356 = arith.select %lt3A_1352, %add3A_1355, %broadcast_in_dim3A_3 : vector<16xi1>, vector<16xi32>
        %broadcast_in_dim3A_1357 = vector.shape_cast %select_n3A_1356 : vector<16xi32> to vector<16x1xi32>
        %gather3A_1358 = vector.shape_cast %broadcast_in_dim3A_1357 : vector<16x1xi32> to vector<16xi32>
        %gather3A_1359 = tpu.dynamic_gather %max3A_1349[%gather3A_1358] in [0] : vector<16xi32>, vector<16xi32> -> vector<16xi32>
        %swap3A_1360 = arith.constant 48 : index
        %swap3A_1361 = tpu.vector_load %arg13[%swap3A_1360] {strides = array<i32>} : memref<64xi32, #tpu.memory_space<vmem>>, vector<16xi32>,
        tpu.vector_store %arg13[%swap3A_1360], %max3A_1349 {strides = array<i32>} : memref<64xi32, #tpu.memory_space<vmem>>, vector<16xi32>,
        %gather3A_1362 = tpu.vector_load_idx %arg13[%min3A_881] : memref<64xi32, #tpu.memory_space<vmem>>[vector<16xi32>], vector<16xi32>,
        %lt3A_1363 = arith.cmpi slt, %masked_cummax3A_1160, %gather3A_1362 : vector<16xi32>
        %min3A_1364 = arith.constant 140 : i32
        %min3A_1365 = vector.broadcast %min3A_1364 : i32 to vector<16xi32>
        %min3A_1366 = arith.minsi %masked_cummax3A_1160, %min3A_1365 : vector<16xi32>
        %add3A_1367 = arith.constant 0 : i32
        %add3A_1368 = vector.broadcast %add3A_1367 : i32 to vector<16xi32>
        %add3A_1369 = arith.addi %iota3A, %add3A_1368 : vector<16xi32>
        tpu.vector_store_idx %arg15[%min3A_1366], %add3A_1369 masked %lt3A_1363 : memref<144xi32, #tpu.memory_space<vmem>>[vector<16xi32>], vector<16xi32>, vector<16xi1>
        %add3A_1370 = arith.constant 0 : i32
        %add3A_1371 = vector.broadcast %add3A_1370 : i32 to vector<16xi32>
        %add3A_1372 = arith.addi %iota3A, %add3A_1371 : vector<16xi32>
        %add3A_1373 = arith.addi %add3A_1372, %masked_cummax3A_1160 : vector<16xi32>
        tpu.vector_store_idx %arg16[%add3A_1373, %broadcast_in_dim3A_775], %get3A_884 : memref<192x128xf32, #tpu.memory_space<vmem>>[vector<16xi32>, vector<16xi32>], vector<16xf32>,
        %gather3A_1374 = tpu.vector_load_idx %arg13[%min3A_900] : memref<64xi32, #tpu.memory_space<vmem>>[vector<16xi32>], vector<16xi32>,
        %lt3A_1375 = arith.cmpi slt, %max3A_1221, %gather3A_1374 : vector<16xi32>
        %min3A_1376 = arith.constant 140 : i32
        %min3A_1377 = vector.broadcast %min3A_1376 : i32 to vector<16xi32>
        %min3A_1378 = arith.minsi %max3A_1221, %min3A_1377 : vector<16xi32>
        %add3A_1379 = arith.constant 16 : i32
        %add3A_1380 = vector.broadcast %add3A_1379 : i32 to vector<16xi32>
        %add3A_1381 = arith.addi %iota3A, %add3A_1380 : vector<16xi32>
        tpu.vector_store_idx %arg15[%min3A_1378], %add3A_1381 masked %lt3A_1375 : memref<144xi32, #tpu.memory_space<vmem>>[vector<16xi32>], vector<16xi32>, vector<16xi1>
        %add3A_1382 = arith.constant 16 : i32
        %add3A_1383 = vector.broadcast %add3A_1382 : i32 to vector<16xi32>
        %add3A_1384 = arith.addi %iota3A, %add3A_1383 : vector<16xi32>
        %add3A_1385 = arith.addi %add3A_1384, %max3A_1221 : vector<16xi32>
        tpu.vector_store_idx %arg16[%add3A_1385, %broadcast_in_dim3A_775], %get3A_903 : memref<192x128xf32, #tpu.memory_space<vmem>>[vector<16xi32>, vector<16xi32>], vector<16xf32>,
        %gather3A_1386 = tpu.vector_load_idx %arg13[%min3A_919] : memref<64xi32, #tpu.memory_space<vmem>>[vector<16xi32>], vector<16xi32>,
        %lt3A_1387 = arith.cmpi slt, %max3A_1282, %gather3A_1386 : vector<16xi32>
        %min3A_1388 = arith.constant 140 : i32
        %min3A_1389 = vector.broadcast %min3A_1388 : i32 to vector<16xi32>
        %min3A_1390 = arith.minsi %max3A_1282, %min3A_1389 : vector<16xi32>
        %add3A_1391 = arith.constant 32 : i32
        %add3A_1392 = vector.broadcast %add3A_1391 : i32 to vector<16xi32>
        %add3A_1393 = arith.addi %iota3A, %add3A_1392 : vector<16xi32>
        tpu.vector_store_idx %arg15[%min3A_1390], %add3A_1393 masked %lt3A_1387 : memref<144xi32, #tpu.memory_space<vmem>>[vector<16xi32>], vector<16xi32>, vector<16xi1>
        %add3A_1394 = arith.constant 32 : i32
        %add3A_1395 = vector.broadcast %add3A_1394 : i32 to vector<16xi32>
        %add3A_1396 = arith.addi %iota3A, %add3A_1395 : vector<16xi32>
        %add3A_1397 = arith.addi %add3A_1396, %max3A_1282 : vector<16xi32>
        tpu.vector_store_idx %arg16[%add3A_1397, %broadcast_in_dim3A_775], %get3A_922 : memref<192x128xf32, #tpu.memory_space<vmem>>[vector<16xi32>, vector<16xi32>], vector<16xf32>,
        %gather3A_1398 = tpu.vector_load_idx %arg13[%min3A_938] : memref<64xi32, #tpu.memory_space<vmem>>[vector<16xi32>], vector<16xi32>,
        %lt3A_1399 = arith.cmpi slt, %max3A_1349, %gather3A_1398 : vector<16xi32>
        %eq3A_1400 = arith.constant 15 : i32
        %eq3A_1401 = vector.broadcast %eq3A_1400 : i32 to vector<16xi32>
        %eq3A_1402 = arith.cmpi eq, %iota3A, %eq3A_1401 : vector<16xi32>
        %or3A = arith.ori %lt3A_1399, %eq3A_1402 : vector<16xi1>
        %min3A_1403 = arith.constant 140 : i32
        %min3A_1404 = vector.broadcast %min3A_1403 : i32 to vector<16xi32>
        %min3A_1405 = arith.minsi %max3A_1349, %min3A_1404 : vector<16xi32>
        %add3A_1406 = arith.constant 48 : i32
        %add3A_1407 = vector.broadcast %add3A_1406 : i32 to vector<16xi32>
        %add3A_1408 = arith.addi %iota3A, %add3A_1407 : vector<16xi32>
        tpu.vector_store_idx %arg15[%min3A_1405], %add3A_1408 masked %or3A : memref<144xi32, #tpu.memory_space<vmem>>[vector<16xi32>], vector<16xi32>, vector<16xi1>
        %add3A_1409 = arith.constant 48 : i32
        %add3A_1410 = vector.broadcast %add3A_1409 : i32 to vector<16xi32>
        %add3A_1411 = arith.addi %iota3A, %add3A_1410 : vector<16xi32>
        %add3A_1412 = arith.addi %add3A_1411, %max3A_1349 : vector<16xi32>
        tpu.vector_store_idx %arg16[%add3A_1412, %broadcast_in_dim3A_775], %get3A_941 : memref<192x128xf32, #tpu.memory_space<vmem>>[vector<16xi32>, vector<16xi32>], vector<16xf32>,
        %get3A_1413 = arith.constant 0 : index
        %get3A_1414 = tpu.vector_load %arg14[%get3A_1413] {strides = array<i32>} : memref<144xi32, #tpu.memory_space<vmem>>, vector<16xi32>,
        %broadcast_in_dim3A_1415 = arith.constant true
        %broadcast_in_dim3A_1416 = vector.broadcast %broadcast_in_dim3A_1415 : i1 to vector<16xi1>
        %masked_cummax3A_1417 = arith.constant -2147483648 : i32
        %masked_cummax3A_1418 = vector.broadcast %masked_cummax3A_1417 : i32 to vector<16xi32>
        %masked_cummax3A_1419 = arith.xori %get3A_1414, %masked_cummax3A_1418 : vector<16xi32>
        %masked_cummax3A_1420 = tpu.scan <max>, %masked_cummax3A_1419 masked %broadcast_in_dim3A_1416 : vector<16xi32>, vector<16xi1> -> vector<16xi32>
        %masked_cummax3A_1421 = arith.xori %masked_cummax3A_1420, %masked_cummax3A_1418 : vector<16xi32>
        %lt3A_1422 = arith.constant 0 : i32
        %lt3A_1423 = vector.broadcast %lt3A_1422 : i32 to vector<16xi32>
        %lt3A_1424 = arith.cmpi slt, %broadcast_in_dim3A_3, %lt3A_1423 : vector<16xi32>
        %add3A_1425 = arith.constant 16 : i32
        %add3A_1426 = vector.broadcast %add3A_1425 : i32 to vector<16xi32>
        %add3A_1427 = arith.addi %broadcast_in_dim3A_3, %add3A_1426 : vector<16xi32>
        %select_n3A_1428 = arith.select %lt3A_1424, %add3A_1427, %broadcast_in_dim3A_3 : vector<16xi1>, vector<16xi32>
        %broadcast_in_dim3A_1429 = vector.shape_cast %select_n3A_1428 : vector<16xi32> to vector<16x1xi32>
        %gather3A_1430 = vector.shape_cast %broadcast_in_dim3A_1429 : vector<16x1xi32> to vector<16xi32>
        %gather3A_1431 = tpu.dynamic_gather %masked_cummax3A_1421[%gather3A_1430] in [0] : vector<16xi32>, vector<16xi32> -> vector<16xi32>
        %swap3A_1432 = arith.constant 0 : index
        %swap3A_1433 = tpu.vector_load %arg14[%swap3A_1432] {strides = array<i32>} : memref<144xi32, #tpu.memory_space<vmem>>, vector<16xi32>,
        tpu.vector_store %arg14[%swap3A_1432], %broadcast_in_dim3A_1 {strides = array<i32>} : memref<144xi32, #tpu.memory_space<vmem>>, vector<16xi32>,
        %get3A_1434 = arith.constant 0 : index
        %get3A_1435 = tpu.vector_load %arg15[%get3A_1434] {strides = array<i32>} : memref<144xi32, #tpu.memory_space<vmem>>, vector<16xi32>,
        %broadcast_in_dim3A_1436 = arith.constant true
        %broadcast_in_dim3A_1437 = vector.broadcast %broadcast_in_dim3A_1436 : i1 to vector<16xi1>
        %masked_cummax3A_1438 = arith.constant -2147483648 : i32
        %masked_cummax3A_1439 = vector.broadcast %masked_cummax3A_1438 : i32 to vector<16xi32>
        %masked_cummax3A_1440 = arith.xori %get3A_1435, %masked_cummax3A_1439 : vector<16xi32>
        %masked_cummax3A_1441 = tpu.scan <max>, %masked_cummax3A_1440 masked %broadcast_in_dim3A_1437 : vector<16xi32>, vector<16xi1> -> vector<16xi32>
        %masked_cummax3A_1442 = arith.xori %masked_cummax3A_1441, %masked_cummax3A_1439 : vector<16xi32>
        %lt3A_1443 = arith.constant 0 : i32
        %lt3A_1444 = vector.broadcast %lt3A_1443 : i32 to vector<16xi32>
        %lt3A_1445 = arith.cmpi slt, %broadcast_in_dim3A_3, %lt3A_1444 : vector<16xi32>
        %add3A_1446 = arith.constant 16 : i32
        %add3A_1447 = vector.broadcast %add3A_1446 : i32 to vector<16xi32>
        %add3A_1448 = arith.addi %broadcast_in_dim3A_3, %add3A_1447 : vector<16xi32>
        %select_n3A_1449 = arith.select %lt3A_1445, %add3A_1448, %broadcast_in_dim3A_3 : vector<16xi1>, vector<16xi32>
        %broadcast_in_dim3A_1450 = vector.shape_cast %select_n3A_1449 : vector<16xi32> to vector<16x1xi32>
        %gather3A_1451 = vector.shape_cast %broadcast_in_dim3A_1450 : vector<16x1xi32> to vector<16xi32>
        %gather3A_1452 = tpu.dynamic_gather %masked_cummax3A_1442[%gather3A_1451] in [0] : vector<16xi32>, vector<16xi32> -> vector<16xi32>
        %swap3A_1453 = arith.constant 0 : index
        %swap3A_1454 = tpu.vector_load %arg15[%swap3A_1453] {strides = array<i32>} : memref<144xi32, #tpu.memory_space<vmem>>, vector<16xi32>,
        tpu.vector_store %arg15[%swap3A_1453], %broadcast_in_dim3A_1 {strides = array<i32>} : memref<144xi32, #tpu.memory_space<vmem>>, vector<16xi32>,
        %gather3A_1455 = tpu.vector_load_idx %arg10[%masked_cummax3A_1421] : memref<64xf32, #tpu.memory_space<vmem>>[vector<16xi32>], vector<16xf32>,
        %gather3A_1456 = tpu.vector_load_idx %arg9[%masked_cummax3A_1421] : memref<64xf32, #tpu.memory_space<vmem>>[vector<16xi32>], vector<16xf32>,
        %gather3A_1457 = tpu.vector_load_idx %arg11[%masked_cummax3A_1421] : memref<64xf32, #tpu.memory_space<vmem>>[vector<16xi32>], vector<16xf32>,
        %get3A_1458 = arith.constant 0 : index
        %get3A_1459 = tpu.vector_load %arg8[%get3A_1458] {strides = array<i32>} : memref<128xf32, #tpu.memory_space<vmem>>, vector<16xf32>,
        %sub3A_1460 = arith.subf %get3A_1459, %gather3A_1456 : vector<16xf32>
        %mul3A_1461 = arith.mulf %sub3A_1460, %gather3A_1457 : vector<16xf32>
        %add3A_1462 = arith.addf %gather3A_1455, %mul3A_1461 : vector<16xf32>
        %add3A_1463 = arith.constant 1 : i32
        %add3A_1464 = vector.broadcast %add3A_1463 : i32 to vector<16xi32>
        %add3A_1465 = arith.addi %iota3A, %add3A_1464 : vector<16xi32>
        %add3A_1466 = arith.addi %add3A_1465, %masked_cummax3A_1442 : vector<16xi32>
        tpu.vector_store_idx %arg16[%add3A_1466, %broadcast_in_dim3A_775], %add3A_1462 : memref<192x128xf32, #tpu.memory_space<vmem>>[vector<16xi32>, vector<16xi32>], vector<16xf32>,
        %get3A_1467 = arith.constant 16 : index
        %get3A_1468 = tpu.vector_load %arg14[%get3A_1467] {strides = array<i32>} : memref<144xi32, #tpu.memory_space<vmem>>, vector<16xi32>,
        %broadcast_in_dim3A_1469 = arith.constant true
        %broadcast_in_dim3A_1470 = vector.broadcast %broadcast_in_dim3A_1469 : i1 to vector<16xi1>
        %masked_cummax3A_1471 = arith.constant -2147483648 : i32
        %masked_cummax3A_1472 = vector.broadcast %masked_cummax3A_1471 : i32 to vector<16xi32>
        %masked_cummax3A_1473 = arith.xori %get3A_1468, %masked_cummax3A_1472 : vector<16xi32>
        %masked_cummax3A_1474 = tpu.scan <max>, %masked_cummax3A_1473 masked %broadcast_in_dim3A_1470 : vector<16xi32>, vector<16xi1> -> vector<16xi32>
        %masked_cummax3A_1475 = arith.xori %masked_cummax3A_1474, %masked_cummax3A_1472 : vector<16xi32>
        %max3A_1476 = arith.maxsi %masked_cummax3A_1475, %gather3A_1431 : vector<16xi32>
        %lt3A_1477 = arith.constant 0 : i32
        %lt3A_1478 = vector.broadcast %lt3A_1477 : i32 to vector<16xi32>
        %lt3A_1479 = arith.cmpi slt, %broadcast_in_dim3A_3, %lt3A_1478 : vector<16xi32>
        %add3A_1480 = arith.constant 16 : i32
        %add3A_1481 = vector.broadcast %add3A_1480 : i32 to vector<16xi32>
        %add3A_1482 = arith.addi %broadcast_in_dim3A_3, %add3A_1481 : vector<16xi32>
        %select_n3A_1483 = arith.select %lt3A_1479, %add3A_1482, %broadcast_in_dim3A_3 : vector<16xi1>, vector<16xi32>
        %broadcast_in_dim3A_1484 = vector.shape_cast %select_n3A_1483 : vector<16xi32> to vector<16x1xi32>
        %gather3A_1485 = vector.shape_cast %broadcast_in_dim3A_1484 : vector<16x1xi32> to vector<16xi32>
        %gather3A_1486 = tpu.dynamic_gather %max3A_1476[%gather3A_1485] in [0] : vector<16xi32>, vector<16xi32> -> vector<16xi32>
        %swap3A_1487 = arith.constant 16 : index
        %swap3A_1488 = tpu.vector_load %arg14[%swap3A_1487] {strides = array<i32>} : memref<144xi32, #tpu.memory_space<vmem>>, vector<16xi32>,
        tpu.vector_store %arg14[%swap3A_1487], %broadcast_in_dim3A_1 {strides = array<i32>} : memref<144xi32, #tpu.memory_space<vmem>>, vector<16xi32>,
        %get3A_1489 = arith.constant 16 : index
        %get3A_1490 = tpu.vector_load %arg15[%get3A_1489] {strides = array<i32>} : memref<144xi32, #tpu.memory_space<vmem>>, vector<16xi32>,
        %broadcast_in_dim3A_1491 = arith.constant true
        %broadcast_in_dim3A_1492 = vector.broadcast %broadcast_in_dim3A_1491 : i1 to vector<16xi1>
        %masked_cummax3A_1493 = arith.constant -2147483648 : i32
        %masked_cummax3A_1494 = vector.broadcast %masked_cummax3A_1493 : i32 to vector<16xi32>
        %masked_cummax3A_1495 = arith.xori %get3A_1490, %masked_cummax3A_1494 : vector<16xi32>
        %masked_cummax3A_1496 = tpu.scan <max>, %masked_cummax3A_1495 masked %broadcast_in_dim3A_1492 : vector<16xi32>, vector<16xi1> -> vector<16xi32>
        %masked_cummax3A_1497 = arith.xori %masked_cummax3A_1496, %masked_cummax3A_1494 : vector<16xi32>
        %max3A_1498 = arith.maxsi %masked_cummax3A_1497, %gather3A_1452 : vector<16xi32>
        %lt3A_1499 = arith.constant 0 : i32
        %lt3A_1500 = vector.broadcast %lt3A_1499 : i32 to vector<16xi32>
        %lt3A_1501 = arith.cmpi slt, %broadcast_in_dim3A_3, %lt3A_1500 : vector<16xi32>
        %add3A_1502 = arith.constant 16 : i32
        %add3A_1503 = vector.broadcast %add3A_1502 : i32 to vector<16xi32>
        %add3A_1504 = arith.addi %broadcast_in_dim3A_3, %add3A_1503 : vector<16xi32>
        %select_n3A_1505 = arith.select %lt3A_1501, %add3A_1504, %broadcast_in_dim3A_3 : vector<16xi1>, vector<16xi32>
        %broadcast_in_dim3A_1506 = vector.shape_cast %select_n3A_1505 : vector<16xi32> to vector<16x1xi32>
        %gather3A_1507 = vector.shape_cast %broadcast_in_dim3A_1506 : vector<16x1xi32> to vector<16xi32>
        %gather3A_1508 = tpu.dynamic_gather %max3A_1498[%gather3A_1507] in [0] : vector<16xi32>, vector<16xi32> -> vector<16xi32>
        %swap3A_1509 = arith.constant 16 : index
        %swap3A_1510 = tpu.vector_load %arg15[%swap3A_1509] {strides = array<i32>} : memref<144xi32, #tpu.memory_space<vmem>>, vector<16xi32>,
        tpu.vector_store %arg15[%swap3A_1509], %broadcast_in_dim3A_1 {strides = array<i32>} : memref<144xi32, #tpu.memory_space<vmem>>, vector<16xi32>,
        %gather3A_1511 = tpu.vector_load_idx %arg10[%max3A_1476] : memref<64xf32, #tpu.memory_space<vmem>>[vector<16xi32>], vector<16xf32>,
        %gather3A_1512 = tpu.vector_load_idx %arg9[%max3A_1476] : memref<64xf32, #tpu.memory_space<vmem>>[vector<16xi32>], vector<16xf32>,
        %gather3A_1513 = tpu.vector_load_idx %arg11[%max3A_1476] : memref<64xf32, #tpu.memory_space<vmem>>[vector<16xi32>], vector<16xf32>,
        %get3A_1514 = arith.constant 16 : index
        %get3A_1515 = tpu.vector_load %arg8[%get3A_1514] {strides = array<i32>} : memref<128xf32, #tpu.memory_space<vmem>>, vector<16xf32>,
        %sub3A_1516 = arith.subf %get3A_1515, %gather3A_1512 : vector<16xf32>
        %mul3A_1517 = arith.mulf %sub3A_1516, %gather3A_1513 : vector<16xf32>
        %add3A_1518 = arith.addf %gather3A_1511, %mul3A_1517 : vector<16xf32>
        %add3A_1519 = arith.constant 17 : i32
        %add3A_1520 = vector.broadcast %add3A_1519 : i32 to vector<16xi32>
        %add3A_1521 = arith.addi %iota3A, %add3A_1520 : vector<16xi32>
        %add3A_1522 = arith.addi %add3A_1521, %max3A_1498 : vector<16xi32>
        tpu.vector_store_idx %arg16[%add3A_1522, %broadcast_in_dim3A_775], %add3A_1518 : memref<192x128xf32, #tpu.memory_space<vmem>>[vector<16xi32>, vector<16xi32>], vector<16xf32>,
        %get3A_1523 = arith.constant 32 : index
        %get3A_1524 = tpu.vector_load %arg14[%get3A_1523] {strides = array<i32>} : memref<144xi32, #tpu.memory_space<vmem>>, vector<16xi32>,
        %broadcast_in_dim3A_1525 = arith.constant true
        %broadcast_in_dim3A_1526 = vector.broadcast %broadcast_in_dim3A_1525 : i1 to vector<16xi1>
        %masked_cummax3A_1527 = arith.constant -2147483648 : i32
        %masked_cummax3A_1528 = vector.broadcast %masked_cummax3A_1527 : i32 to vector<16xi32>
        %masked_cummax3A_1529 = arith.xori %get3A_1524, %masked_cummax3A_1528 : vector<16xi32>
        %masked_cummax3A_1530 = tpu.scan <max>, %masked_cummax3A_1529 masked %broadcast_in_dim3A_1526 : vector<16xi32>, vector<16xi1> -> vector<16xi32>
        %masked_cummax3A_1531 = arith.xori %masked_cummax3A_1530, %masked_cummax3A_1528 : vector<16xi32>
        %max3A_1532 = arith.maxsi %masked_cummax3A_1531, %gather3A_1486 : vector<16xi32>
        %lt3A_1533 = arith.constant 0 : i32
        %lt3A_1534 = vector.broadcast %lt3A_1533 : i32 to vector<16xi32>
        %lt3A_1535 = arith.cmpi slt, %broadcast_in_dim3A_3, %lt3A_1534 : vector<16xi32>
        %add3A_1536 = arith.constant 16 : i32
        %add3A_1537 = vector.broadcast %add3A_1536 : i32 to vector<16xi32>
        %add3A_1538 = arith.addi %broadcast_in_dim3A_3, %add3A_1537 : vector<16xi32>
        %select_n3A_1539 = arith.select %lt3A_1535, %add3A_1538, %broadcast_in_dim3A_3 : vector<16xi1>, vector<16xi32>
        %broadcast_in_dim3A_1540 = vector.shape_cast %select_n3A_1539 : vector<16xi32> to vector<16x1xi32>
        %gather3A_1541 = vector.shape_cast %broadcast_in_dim3A_1540 : vector<16x1xi32> to vector<16xi32>
        %gather3A_1542 = tpu.dynamic_gather %max3A_1532[%gather3A_1541] in [0] : vector<16xi32>, vector<16xi32> -> vector<16xi32>
        %swap3A_1543 = arith.constant 32 : index
        %swap3A_1544 = tpu.vector_load %arg14[%swap3A_1543] {strides = array<i32>} : memref<144xi32, #tpu.memory_space<vmem>>, vector<16xi32>,
        tpu.vector_store %arg14[%swap3A_1543], %broadcast_in_dim3A_1 {strides = array<i32>} : memref<144xi32, #tpu.memory_space<vmem>>, vector<16xi32>,
        %get3A_1545 = arith.constant 32 : index
        %get3A_1546 = tpu.vector_load %arg15[%get3A_1545] {strides = array<i32>} : memref<144xi32, #tpu.memory_space<vmem>>, vector<16xi32>,
        %broadcast_in_dim3A_1547 = arith.constant true
        %broadcast_in_dim3A_1548 = vector.broadcast %broadcast_in_dim3A_1547 : i1 to vector<16xi1>
        %masked_cummax3A_1549 = arith.constant -2147483648 : i32
        %masked_cummax3A_1550 = vector.broadcast %masked_cummax3A_1549 : i32 to vector<16xi32>
        %masked_cummax3A_1551 = arith.xori %get3A_1546, %masked_cummax3A_1550 : vector<16xi32>
        %masked_cummax3A_1552 = tpu.scan <max>, %masked_cummax3A_1551 masked %broadcast_in_dim3A_1548 : vector<16xi32>, vector<16xi1> -> vector<16xi32>
        %masked_cummax3A_1553 = arith.xori %masked_cummax3A_1552, %masked_cummax3A_1550 : vector<16xi32>
        %max3A_1554 = arith.maxsi %masked_cummax3A_1553, %gather3A_1508 : vector<16xi32>
        %lt3A_1555 = arith.constant 0 : i32
        %lt3A_1556 = vector.broadcast %lt3A_1555 : i32 to vector<16xi32>
        %lt3A_1557 = arith.cmpi slt, %broadcast_in_dim3A_3, %lt3A_1556 : vector<16xi32>
        %add3A_1558 = arith.constant 16 : i32
        %add3A_1559 = vector.broadcast %add3A_1558 : i32 to vector<16xi32>
        %add3A_1560 = arith.addi %broadcast_in_dim3A_3, %add3A_1559 : vector<16xi32>
        %select_n3A_1561 = arith.select %lt3A_1557, %add3A_1560, %broadcast_in_dim3A_3 : vector<16xi1>, vector<16xi32>
        %broadcast_in_dim3A_1562 = vector.shape_cast %select_n3A_1561 : vector<16xi32> to vector<16x1xi32>
        %gather3A_1563 = vector.shape_cast %broadcast_in_dim3A_1562 : vector<16x1xi32> to vector<16xi32>
        %gather3A_1564 = tpu.dynamic_gather %max3A_1554[%gather3A_1563] in [0] : vector<16xi32>, vector<16xi32> -> vector<16xi32>
        %swap3A_1565 = arith.constant 32 : index
        %swap3A_1566 = tpu.vector_load %arg15[%swap3A_1565] {strides = array<i32>} : memref<144xi32, #tpu.memory_space<vmem>>, vector<16xi32>,
        tpu.vector_store %arg15[%swap3A_1565], %broadcast_in_dim3A_1 {strides = array<i32>} : memref<144xi32, #tpu.memory_space<vmem>>, vector<16xi32>,
        %gather3A_1567 = tpu.vector_load_idx %arg10[%max3A_1532] : memref<64xf32, #tpu.memory_space<vmem>>[vector<16xi32>], vector<16xf32>,
        %gather3A_1568 = tpu.vector_load_idx %arg9[%max3A_1532] : memref<64xf32, #tpu.memory_space<vmem>>[vector<16xi32>], vector<16xf32>,
        %gather3A_1569 = tpu.vector_load_idx %arg11[%max3A_1532] : memref<64xf32, #tpu.memory_space<vmem>>[vector<16xi32>], vector<16xf32>,
        %get3A_1570 = arith.constant 32 : index
        %get3A_1571 = tpu.vector_load %arg8[%get3A_1570] {strides = array<i32>} : memref<128xf32, #tpu.memory_space<vmem>>, vector<16xf32>,
        %sub3A_1572 = arith.subf %get3A_1571, %gather3A_1568 : vector<16xf32>
        %mul3A_1573 = arith.mulf %sub3A_1572, %gather3A_1569 : vector<16xf32>
        %add3A_1574 = arith.addf %gather3A_1567, %mul3A_1573 : vector<16xf32>
        %add3A_1575 = arith.constant 33 : i32
        %add3A_1576 = vector.broadcast %add3A_1575 : i32 to vector<16xi32>
        %add3A_1577 = arith.addi %iota3A, %add3A_1576 : vector<16xi32>
        %add3A_1578 = arith.addi %add3A_1577, %max3A_1554 : vector<16xi32>
        tpu.vector_store_idx %arg16[%add3A_1578, %broadcast_in_dim3A_775], %add3A_1574 : memref<192x128xf32, #tpu.memory_space<vmem>>[vector<16xi32>, vector<16xi32>], vector<16xf32>,
        %get3A_1579 = arith.constant 48 : index
        %get3A_1580 = tpu.vector_load %arg14[%get3A_1579] {strides = array<i32>} : memref<144xi32, #tpu.memory_space<vmem>>, vector<16xi32>,
        %broadcast_in_dim3A_1581 = arith.constant true
        %broadcast_in_dim3A_1582 = vector.broadcast %broadcast_in_dim3A_1581 : i1 to vector<16xi1>
        %masked_cummax3A_1583 = arith.constant -2147483648 : i32
        %masked_cummax3A_1584 = vector.broadcast %masked_cummax3A_1583 : i32 to vector<16xi32>
        %masked_cummax3A_1585 = arith.xori %get3A_1580, %masked_cummax3A_1584 : vector<16xi32>
        %masked_cummax3A_1586 = tpu.scan <max>, %masked_cummax3A_1585 masked %broadcast_in_dim3A_1582 : vector<16xi32>, vector<16xi1> -> vector<16xi32>
        %masked_cummax3A_1587 = arith.xori %masked_cummax3A_1586, %masked_cummax3A_1584 : vector<16xi32>
        %max3A_1588 = arith.maxsi %masked_cummax3A_1587, %gather3A_1542 : vector<16xi32>
        %lt3A_1589 = arith.constant 0 : i32
        %lt3A_1590 = vector.broadcast %lt3A_1589 : i32 to vector<16xi32>
        %lt3A_1591 = arith.cmpi slt, %broadcast_in_dim3A_3, %lt3A_1590 : vector<16xi32>
        %add3A_1592 = arith.constant 16 : i32
        %add3A_1593 = vector.broadcast %add3A_1592 : i32 to vector<16xi32>
        %add3A_1594 = arith.addi %broadcast_in_dim3A_3, %add3A_1593 : vector<16xi32>
        %select_n3A_1595 = arith.select %lt3A_1591, %add3A_1594, %broadcast_in_dim3A_3 : vector<16xi1>, vector<16xi32>
        %broadcast_in_dim3A_1596 = vector.shape_cast %select_n3A_1595 : vector<16xi32> to vector<16x1xi32>
        %gather3A_1597 = vector.shape_cast %broadcast_in_dim3A_1596 : vector<16x1xi32> to vector<16xi32>
        %gather3A_1598 = tpu.dynamic_gather %max3A_1588[%gather3A_1597] in [0] : vector<16xi32>, vector<16xi32> -> vector<16xi32>
        %swap3A_1599 = arith.constant 48 : index
        %swap3A_1600 = tpu.vector_load %arg14[%swap3A_1599] {strides = array<i32>} : memref<144xi32, #tpu.memory_space<vmem>>, vector<16xi32>,
        tpu.vector_store %arg14[%swap3A_1599], %broadcast_in_dim3A_1 {strides = array<i32>} : memref<144xi32, #tpu.memory_space<vmem>>, vector<16xi32>,
        %get3A_1601 = arith.constant 48 : index
        %get3A_1602 = tpu.vector_load %arg15[%get3A_1601] {strides = array<i32>} : memref<144xi32, #tpu.memory_space<vmem>>, vector<16xi32>,
        %broadcast_in_dim3A_1603 = arith.constant true
        %broadcast_in_dim3A_1604 = vector.broadcast %broadcast_in_dim3A_1603 : i1 to vector<16xi1>
        %masked_cummax3A_1605 = arith.constant -2147483648 : i32
        %masked_cummax3A_1606 = vector.broadcast %masked_cummax3A_1605 : i32 to vector<16xi32>
        %masked_cummax3A_1607 = arith.xori %get3A_1602, %masked_cummax3A_1606 : vector<16xi32>
        %masked_cummax3A_1608 = tpu.scan <max>, %masked_cummax3A_1607 masked %broadcast_in_dim3A_1604 : vector<16xi32>, vector<16xi1> -> vector<16xi32>
        %masked_cummax3A_1609 = arith.xori %masked_cummax3A_1608, %masked_cummax3A_1606 : vector<16xi32>
        %max3A_1610 = arith.maxsi %masked_cummax3A_1609, %gather3A_1564 : vector<16xi32>
        %lt3A_1611 = arith.constant 0 : i32
        %lt3A_1612 = vector.broadcast %lt3A_1611 : i32 to vector<16xi32>
        %lt3A_1613 = arith.cmpi slt, %broadcast_in_dim3A_3, %lt3A_1612 : vector<16xi32>
        %add3A_1614 = arith.constant 16 : i32
        %add3A_1615 = vector.broadcast %add3A_1614 : i32 to vector<16xi32>
        %add3A_1616 = arith.addi %broadcast_in_dim3A_3, %add3A_1615 : vector<16xi32>
        %select_n3A_1617 = arith.select %lt3A_1613, %add3A_1616, %broadcast_in_dim3A_3 : vector<16xi1>, vector<16xi32>
        %broadcast_in_dim3A_1618 = vector.shape_cast %select_n3A_1617 : vector<16xi32> to vector<16x1xi32>
        %gather3A_1619 = vector.shape_cast %broadcast_in_dim3A_1618 : vector<16x1xi32> to vector<16xi32>
        %gather3A_1620 = tpu.dynamic_gather %max3A_1610[%gather3A_1619] in [0] : vector<16xi32>, vector<16xi32> -> vector<16xi32>
        %swap3A_1621 = arith.constant 48 : index
        %swap3A_1622 = tpu.vector_load %arg15[%swap3A_1621] {strides = array<i32>} : memref<144xi32, #tpu.memory_space<vmem>>, vector<16xi32>,
        tpu.vector_store %arg15[%swap3A_1621], %broadcast_in_dim3A_1 {strides = array<i32>} : memref<144xi32, #tpu.memory_space<vmem>>, vector<16xi32>,
        %gather3A_1623 = tpu.vector_load_idx %arg10[%max3A_1588] : memref<64xf32, #tpu.memory_space<vmem>>[vector<16xi32>], vector<16xf32>,
        %gather3A_1624 = tpu.vector_load_idx %arg9[%max3A_1588] : memref<64xf32, #tpu.memory_space<vmem>>[vector<16xi32>], vector<16xf32>,
        %gather3A_1625 = tpu.vector_load_idx %arg11[%max3A_1588] : memref<64xf32, #tpu.memory_space<vmem>>[vector<16xi32>], vector<16xf32>,
        %get3A_1626 = arith.constant 48 : index
        %get3A_1627 = tpu.vector_load %arg8[%get3A_1626] {strides = array<i32>} : memref<128xf32, #tpu.memory_space<vmem>>, vector<16xf32>,
        %sub3A_1628 = arith.subf %get3A_1627, %gather3A_1624 : vector<16xf32>
        %mul3A_1629 = arith.mulf %sub3A_1628, %gather3A_1625 : vector<16xf32>
        %add3A_1630 = arith.addf %gather3A_1623, %mul3A_1629 : vector<16xf32>
        %add3A_1631 = arith.constant 49 : i32
        %add3A_1632 = vector.broadcast %add3A_1631 : i32 to vector<16xi32>
        %add3A_1633 = arith.addi %iota3A, %add3A_1632 : vector<16xi32>
        %add3A_1634 = arith.addi %add3A_1633, %max3A_1610 : vector<16xi32>
        tpu.vector_store_idx %arg16[%add3A_1634, %broadcast_in_dim3A_775], %add3A_1630 : memref<192x128xf32, #tpu.memory_space<vmem>>[vector<16xi32>, vector<16xi32>], vector<16xf32>,
        %get3A_1635 = arith.constant 64 : index
        %get3A_1636 = tpu.vector_load %arg14[%get3A_1635] {strides = array<i32>} : memref<144xi32, #tpu.memory_space<vmem>>, vector<16xi32>,
        %broadcast_in_dim3A_1637 = arith.constant true
        %broadcast_in_dim3A_1638 = vector.broadcast %broadcast_in_dim3A_1637 : i1 to vector<16xi1>
        %masked_cummax3A_1639 = arith.constant -2147483648 : i32
        %masked_cummax3A_1640 = vector.broadcast %masked_cummax3A_1639 : i32 to vector<16xi32>
        %masked_cummax3A_1641 = arith.xori %get3A_1636, %masked_cummax3A_1640 : vector<16xi32>
        %masked_cummax3A_1642 = tpu.scan <max>, %masked_cummax3A_1641 masked %broadcast_in_dim3A_1638 : vector<16xi32>, vector<16xi1> -> vector<16xi32>
        %masked_cummax3A_1643 = arith.xori %masked_cummax3A_1642, %masked_cummax3A_1640 : vector<16xi32>
        %max3A_1644 = arith.maxsi %masked_cummax3A_1643, %gather3A_1598 : vector<16xi32>
        %lt3A_1645 = arith.constant 0 : i32
        %lt3A_1646 = vector.broadcast %lt3A_1645 : i32 to vector<16xi32>
        %lt3A_1647 = arith.cmpi slt, %broadcast_in_dim3A_3, %lt3A_1646 : vector<16xi32>
        %add3A_1648 = arith.constant 16 : i32
        %add3A_1649 = vector.broadcast %add3A_1648 : i32 to vector<16xi32>
        %add3A_1650 = arith.addi %broadcast_in_dim3A_3, %add3A_1649 : vector<16xi32>
        %select_n3A_1651 = arith.select %lt3A_1647, %add3A_1650, %broadcast_in_dim3A_3 : vector<16xi1>, vector<16xi32>
        %broadcast_in_dim3A_1652 = vector.shape_cast %select_n3A_1651 : vector<16xi32> to vector<16x1xi32>
        %gather3A_1653 = vector.shape_cast %broadcast_in_dim3A_1652 : vector<16x1xi32> to vector<16xi32>
        %gather3A_1654 = tpu.dynamic_gather %max3A_1644[%gather3A_1653] in [0] : vector<16xi32>, vector<16xi32> -> vector<16xi32>
        %swap3A_1655 = arith.constant 64 : index
        %swap3A_1656 = tpu.vector_load %arg14[%swap3A_1655] {strides = array<i32>} : memref<144xi32, #tpu.memory_space<vmem>>, vector<16xi32>,
        tpu.vector_store %arg14[%swap3A_1655], %broadcast_in_dim3A_1 {strides = array<i32>} : memref<144xi32, #tpu.memory_space<vmem>>, vector<16xi32>,
        %get3A_1657 = arith.constant 64 : index
        %get3A_1658 = tpu.vector_load %arg15[%get3A_1657] {strides = array<i32>} : memref<144xi32, #tpu.memory_space<vmem>>, vector<16xi32>,
        %broadcast_in_dim3A_1659 = arith.constant true
        %broadcast_in_dim3A_1660 = vector.broadcast %broadcast_in_dim3A_1659 : i1 to vector<16xi1>
        %masked_cummax3A_1661 = arith.constant -2147483648 : i32
        %masked_cummax3A_1662 = vector.broadcast %masked_cummax3A_1661 : i32 to vector<16xi32>
        %masked_cummax3A_1663 = arith.xori %get3A_1658, %masked_cummax3A_1662 : vector<16xi32>
        %masked_cummax3A_1664 = tpu.scan <max>, %masked_cummax3A_1663 masked %broadcast_in_dim3A_1660 : vector<16xi32>, vector<16xi1> -> vector<16xi32>
        %masked_cummax3A_1665 = arith.xori %masked_cummax3A_1664, %masked_cummax3A_1662 : vector<16xi32>
        %max3A_1666 = arith.maxsi %masked_cummax3A_1665, %gather3A_1620 : vector<16xi32>
        %lt3A_1667 = arith.constant 0 : i32
        %lt3A_1668 = vector.broadcast %lt3A_1667 : i32 to vector<16xi32>
        %lt3A_1669 = arith.cmpi slt, %broadcast_in_dim3A_3, %lt3A_1668 : vector<16xi32>
        %add3A_1670 = arith.constant 16 : i32
        %add3A_1671 = vector.broadcast %add3A_1670 : i32 to vector<16xi32>
        %add3A_1672 = arith.addi %broadcast_in_dim3A_3, %add3A_1671 : vector<16xi32>
        %select_n3A_1673 = arith.select %lt3A_1669, %add3A_1672, %broadcast_in_dim3A_3 : vector<16xi1>, vector<16xi32>
        %broadcast_in_dim3A_1674 = vector.shape_cast %select_n3A_1673 : vector<16xi32> to vector<16x1xi32>
        %gather3A_1675 = vector.shape_cast %broadcast_in_dim3A_1674 : vector<16x1xi32> to vector<16xi32>
        %gather3A_1676 = tpu.dynamic_gather %max3A_1666[%gather3A_1675] in [0] : vector<16xi32>, vector<16xi32> -> vector<16xi32>
        %swap3A_1677 = arith.constant 64 : index
        %swap3A_1678 = tpu.vector_load %arg15[%swap3A_1677] {strides = array<i32>} : memref<144xi32, #tpu.memory_space<vmem>>, vector<16xi32>,
        tpu.vector_store %arg15[%swap3A_1677], %broadcast_in_dim3A_1 {strides = array<i32>} : memref<144xi32, #tpu.memory_space<vmem>>, vector<16xi32>,
        %gather3A_1679 = tpu.vector_load_idx %arg10[%max3A_1644] : memref<64xf32, #tpu.memory_space<vmem>>[vector<16xi32>], vector<16xf32>,
        %gather3A_1680 = tpu.vector_load_idx %arg9[%max3A_1644] : memref<64xf32, #tpu.memory_space<vmem>>[vector<16xi32>], vector<16xf32>,
        %gather3A_1681 = tpu.vector_load_idx %arg11[%max3A_1644] : memref<64xf32, #tpu.memory_space<vmem>>[vector<16xi32>], vector<16xf32>,
        %get3A_1682 = arith.constant 64 : index
        %get3A_1683 = tpu.vector_load %arg8[%get3A_1682] {strides = array<i32>} : memref<128xf32, #tpu.memory_space<vmem>>, vector<16xf32>,
        %sub3A_1684 = arith.subf %get3A_1683, %gather3A_1680 : vector<16xf32>
        %mul3A_1685 = arith.mulf %sub3A_1684, %gather3A_1681 : vector<16xf32>
        %add3A_1686 = arith.addf %gather3A_1679, %mul3A_1685 : vector<16xf32>
        %add3A_1687 = arith.constant 65 : i32
        %add3A_1688 = vector.broadcast %add3A_1687 : i32 to vector<16xi32>
        %add3A_1689 = arith.addi %iota3A, %add3A_1688 : vector<16xi32>
        %add3A_1690 = arith.addi %add3A_1689, %max3A_1666 : vector<16xi32>
        tpu.vector_store_idx %arg16[%add3A_1690, %broadcast_in_dim3A_775], %add3A_1686 : memref<192x128xf32, #tpu.memory_space<vmem>>[vector<16xi32>, vector<16xi32>], vector<16xf32>,
        %get3A_1691 = arith.constant 80 : index
        %get3A_1692 = tpu.vector_load %arg14[%get3A_1691] {strides = array<i32>} : memref<144xi32, #tpu.memory_space<vmem>>, vector<16xi32>,
        %broadcast_in_dim3A_1693 = arith.constant true
        %broadcast_in_dim3A_1694 = vector.broadcast %broadcast_in_dim3A_1693 : i1 to vector<16xi1>
        %masked_cummax3A_1695 = arith.constant -2147483648 : i32
        %masked_cummax3A_1696 = vector.broadcast %masked_cummax3A_1695 : i32 to vector<16xi32>
        %masked_cummax3A_1697 = arith.xori %get3A_1692, %masked_cummax3A_1696 : vector<16xi32>
        %masked_cummax3A_1698 = tpu.scan <max>, %masked_cummax3A_1697 masked %broadcast_in_dim3A_1694 : vector<16xi32>, vector<16xi1> -> vector<16xi32>
        %masked_cummax3A_1699 = arith.xori %masked_cummax3A_1698, %masked_cummax3A_1696 : vector<16xi32>
        %max3A_1700 = arith.maxsi %masked_cummax3A_1699, %gather3A_1654 : vector<16xi32>
        %lt3A_1701 = arith.constant 0 : i32
        %lt3A_1702 = vector.broadcast %lt3A_1701 : i32 to vector<16xi32>
        %lt3A_1703 = arith.cmpi slt, %broadcast_in_dim3A_3, %lt3A_1702 : vector<16xi32>
        %add3A_1704 = arith.constant 16 : i32
        %add3A_1705 = vector.broadcast %add3A_1704 : i32 to vector<16xi32>
        %add3A_1706 = arith.addi %broadcast_in_dim3A_3, %add3A_1705 : vector<16xi32>
        %select_n3A_1707 = arith.select %lt3A_1703, %add3A_1706, %broadcast_in_dim3A_3 : vector<16xi1>, vector<16xi32>
        %broadcast_in_dim3A_1708 = vector.shape_cast %select_n3A_1707 : vector<16xi32> to vector<16x1xi32>
        %gather3A_1709 = vector.shape_cast %broadcast_in_dim3A_1708 : vector<16x1xi32> to vector<16xi32>
        %gather3A_1710 = tpu.dynamic_gather %max3A_1700[%gather3A_1709] in [0] : vector<16xi32>, vector<16xi32> -> vector<16xi32>
        %swap3A_1711 = arith.constant 80 : index
        %swap3A_1712 = tpu.vector_load %arg14[%swap3A_1711] {strides = array<i32>} : memref<144xi32, #tpu.memory_space<vmem>>, vector<16xi32>,
        tpu.vector_store %arg14[%swap3A_1711], %broadcast_in_dim3A_1 {strides = array<i32>} : memref<144xi32, #tpu.memory_space<vmem>>, vector<16xi32>,
        %get3A_1713 = arith.constant 80 : index
        %get3A_1714 = tpu.vector_load %arg15[%get3A_1713] {strides = array<i32>} : memref<144xi32, #tpu.memory_space<vmem>>, vector<16xi32>,
        %broadcast_in_dim3A_1715 = arith.constant true
        %broadcast_in_dim3A_1716 = vector.broadcast %broadcast_in_dim3A_1715 : i1 to vector<16xi1>
        %masked_cummax3A_1717 = arith.constant -2147483648 : i32
        %masked_cummax3A_1718 = vector.broadcast %masked_cummax3A_1717 : i32 to vector<16xi32>
        %masked_cummax3A_1719 = arith.xori %get3A_1714, %masked_cummax3A_1718 : vector<16xi32>
        %masked_cummax3A_1720 = tpu.scan <max>, %masked_cummax3A_1719 masked %broadcast_in_dim3A_1716 : vector<16xi32>, vector<16xi1> -> vector<16xi32>
        %masked_cummax3A_1721 = arith.xori %masked_cummax3A_1720, %masked_cummax3A_1718 : vector<16xi32>
        %max3A_1722 = arith.maxsi %masked_cummax3A_1721, %gather3A_1676 : vector<16xi32>
        %lt3A_1723 = arith.constant 0 : i32
        %lt3A_1724 = vector.broadcast %lt3A_1723 : i32 to vector<16xi32>
        %lt3A_1725 = arith.cmpi slt, %broadcast_in_dim3A_3, %lt3A_1724 : vector<16xi32>
        %add3A_1726 = arith.constant 16 : i32
        %add3A_1727 = vector.broadcast %add3A_1726 : i32 to vector<16xi32>
        %add3A_1728 = arith.addi %broadcast_in_dim3A_3, %add3A_1727 : vector<16xi32>
        %select_n3A_1729 = arith.select %lt3A_1725, %add3A_1728, %broadcast_in_dim3A_3 : vector<16xi1>, vector<16xi32>
        %broadcast_in_dim3A_1730 = vector.shape_cast %select_n3A_1729 : vector<16xi32> to vector<16x1xi32>
        %gather3A_1731 = vector.shape_cast %broadcast_in_dim3A_1730 : vector<16x1xi32> to vector<16xi32>
        %gather3A_1732 = tpu.dynamic_gather %max3A_1722[%gather3A_1731] in [0] : vector<16xi32>, vector<16xi32> -> vector<16xi32>
        %swap3A_1733 = arith.constant 80 : index
        %swap3A_1734 = tpu.vector_load %arg15[%swap3A_1733] {strides = array<i32>} : memref<144xi32, #tpu.memory_space<vmem>>, vector<16xi32>,
        tpu.vector_store %arg15[%swap3A_1733], %broadcast_in_dim3A_1 {strides = array<i32>} : memref<144xi32, #tpu.memory_space<vmem>>, vector<16xi32>,
        %gather3A_1735 = tpu.vector_load_idx %arg10[%max3A_1700] : memref<64xf32, #tpu.memory_space<vmem>>[vector<16xi32>], vector<16xf32>,
        %gather3A_1736 = tpu.vector_load_idx %arg9[%max3A_1700] : memref<64xf32, #tpu.memory_space<vmem>>[vector<16xi32>], vector<16xf32>,
        %gather3A_1737 = tpu.vector_load_idx %arg11[%max3A_1700] : memref<64xf32, #tpu.memory_space<vmem>>[vector<16xi32>], vector<16xf32>,
        %get3A_1738 = arith.constant 80 : index
        %get3A_1739 = tpu.vector_load %arg8[%get3A_1738] {strides = array<i32>} : memref<128xf32, #tpu.memory_space<vmem>>, vector<16xf32>,
        %sub3A_1740 = arith.subf %get3A_1739, %gather3A_1736 : vector<16xf32>
        %mul3A_1741 = arith.mulf %sub3A_1740, %gather3A_1737 : vector<16xf32>
        %add3A_1742 = arith.addf %gather3A_1735, %mul3A_1741 : vector<16xf32>
        %add3A_1743 = arith.constant 81 : i32
        %add3A_1744 = vector.broadcast %add3A_1743 : i32 to vector<16xi32>
        %add3A_1745 = arith.addi %iota3A, %add3A_1744 : vector<16xi32>
        %add3A_1746 = arith.addi %add3A_1745, %max3A_1722 : vector<16xi32>
        tpu.vector_store_idx %arg16[%add3A_1746, %broadcast_in_dim3A_775], %add3A_1742 : memref<192x128xf32, #tpu.memory_space<vmem>>[vector<16xi32>, vector<16xi32>], vector<16xf32>,
        %get3A_1747 = arith.constant 96 : index
        %get3A_1748 = tpu.vector_load %arg14[%get3A_1747] {strides = array<i32>} : memref<144xi32, #tpu.memory_space<vmem>>, vector<16xi32>,
        %broadcast_in_dim3A_1749 = arith.constant true
        %broadcast_in_dim3A_1750 = vector.broadcast %broadcast_in_dim3A_1749 : i1 to vector<16xi1>
        %masked_cummax3A_1751 = arith.constant -2147483648 : i32
        %masked_cummax3A_1752 = vector.broadcast %masked_cummax3A_1751 : i32 to vector<16xi32>
        %masked_cummax3A_1753 = arith.xori %get3A_1748, %masked_cummax3A_1752 : vector<16xi32>
        %masked_cummax3A_1754 = tpu.scan <max>, %masked_cummax3A_1753 masked %broadcast_in_dim3A_1750 : vector<16xi32>, vector<16xi1> -> vector<16xi32>
        %masked_cummax3A_1755 = arith.xori %masked_cummax3A_1754, %masked_cummax3A_1752 : vector<16xi32>
        %max3A_1756 = arith.maxsi %masked_cummax3A_1755, %gather3A_1710 : vector<16xi32>
        %lt3A_1757 = arith.constant 0 : i32
        %lt3A_1758 = vector.broadcast %lt3A_1757 : i32 to vector<16xi32>
        %lt3A_1759 = arith.cmpi slt, %broadcast_in_dim3A_3, %lt3A_1758 : vector<16xi32>
        %add3A_1760 = arith.constant 16 : i32
        %add3A_1761 = vector.broadcast %add3A_1760 : i32 to vector<16xi32>
        %add3A_1762 = arith.addi %broadcast_in_dim3A_3, %add3A_1761 : vector<16xi32>
        %select_n3A_1763 = arith.select %lt3A_1759, %add3A_1762, %broadcast_in_dim3A_3 : vector<16xi1>, vector<16xi32>
        %broadcast_in_dim3A_1764 = vector.shape_cast %select_n3A_1763 : vector<16xi32> to vector<16x1xi32>
        %gather3A_1765 = vector.shape_cast %broadcast_in_dim3A_1764 : vector<16x1xi32> to vector<16xi32>
        %gather3A_1766 = tpu.dynamic_gather %max3A_1756[%gather3A_1765] in [0] : vector<16xi32>, vector<16xi32> -> vector<16xi32>
        %swap3A_1767 = arith.constant 96 : index
        %swap3A_1768 = tpu.vector_load %arg14[%swap3A_1767] {strides = array<i32>} : memref<144xi32, #tpu.memory_space<vmem>>, vector<16xi32>,
        tpu.vector_store %arg14[%swap3A_1767], %broadcast_in_dim3A_1 {strides = array<i32>} : memref<144xi32, #tpu.memory_space<vmem>>, vector<16xi32>,
        %get3A_1769 = arith.constant 96 : index
        %get3A_1770 = tpu.vector_load %arg15[%get3A_1769] {strides = array<i32>} : memref<144xi32, #tpu.memory_space<vmem>>, vector<16xi32>,
        %broadcast_in_dim3A_1771 = arith.constant true
        %broadcast_in_dim3A_1772 = vector.broadcast %broadcast_in_dim3A_1771 : i1 to vector<16xi1>
        %masked_cummax3A_1773 = arith.constant -2147483648 : i32
        %masked_cummax3A_1774 = vector.broadcast %masked_cummax3A_1773 : i32 to vector<16xi32>
        %masked_cummax3A_1775 = arith.xori %get3A_1770, %masked_cummax3A_1774 : vector<16xi32>
        %masked_cummax3A_1776 = tpu.scan <max>, %masked_cummax3A_1775 masked %broadcast_in_dim3A_1772 : vector<16xi32>, vector<16xi1> -> vector<16xi32>
        %masked_cummax3A_1777 = arith.xori %masked_cummax3A_1776, %masked_cummax3A_1774 : vector<16xi32>
        %max3A_1778 = arith.maxsi %masked_cummax3A_1777, %gather3A_1732 : vector<16xi32>
        %lt3A_1779 = arith.constant 0 : i32
        %lt3A_1780 = vector.broadcast %lt3A_1779 : i32 to vector<16xi32>
        %lt3A_1781 = arith.cmpi slt, %broadcast_in_dim3A_3, %lt3A_1780 : vector<16xi32>
        %add3A_1782 = arith.constant 16 : i32
        %add3A_1783 = vector.broadcast %add3A_1782 : i32 to vector<16xi32>
        %add3A_1784 = arith.addi %broadcast_in_dim3A_3, %add3A_1783 : vector<16xi32>
        %select_n3A_1785 = arith.select %lt3A_1781, %add3A_1784, %broadcast_in_dim3A_3 : vector<16xi1>, vector<16xi32>
        %broadcast_in_dim3A_1786 = vector.shape_cast %select_n3A_1785 : vector<16xi32> to vector<16x1xi32>
        %gather3A_1787 = vector.shape_cast %broadcast_in_dim3A_1786 : vector<16x1xi32> to vector<16xi32>
        %gather3A_1788 = tpu.dynamic_gather %max3A_1778[%gather3A_1787] in [0] : vector<16xi32>, vector<16xi32> -> vector<16xi32>
        %swap3A_1789 = arith.constant 96 : index
        %swap3A_1790 = tpu.vector_load %arg15[%swap3A_1789] {strides = array<i32>} : memref<144xi32, #tpu.memory_space<vmem>>, vector<16xi32>,
        tpu.vector_store %arg15[%swap3A_1789], %broadcast_in_dim3A_1 {strides = array<i32>} : memref<144xi32, #tpu.memory_space<vmem>>, vector<16xi32>,
        %gather3A_1791 = tpu.vector_load_idx %arg10[%max3A_1756] : memref<64xf32, #tpu.memory_space<vmem>>[vector<16xi32>], vector<16xf32>,
        %gather3A_1792 = tpu.vector_load_idx %arg9[%max3A_1756] : memref<64xf32, #tpu.memory_space<vmem>>[vector<16xi32>], vector<16xf32>,
        %gather3A_1793 = tpu.vector_load_idx %arg11[%max3A_1756] : memref<64xf32, #tpu.memory_space<vmem>>[vector<16xi32>], vector<16xf32>,
        %get3A_1794 = arith.constant 96 : index
        %get3A_1795 = tpu.vector_load %arg8[%get3A_1794] {strides = array<i32>} : memref<128xf32, #tpu.memory_space<vmem>>, vector<16xf32>,
        %sub3A_1796 = arith.subf %get3A_1795, %gather3A_1792 : vector<16xf32>
        %mul3A_1797 = arith.mulf %sub3A_1796, %gather3A_1793 : vector<16xf32>
        %add3A_1798 = arith.addf %gather3A_1791, %mul3A_1797 : vector<16xf32>
        %add3A_1799 = arith.constant 97 : i32
        %add3A_1800 = vector.broadcast %add3A_1799 : i32 to vector<16xi32>
        %add3A_1801 = arith.addi %iota3A, %add3A_1800 : vector<16xi32>
        %add3A_1802 = arith.addi %add3A_1801, %max3A_1778 : vector<16xi32>
        tpu.vector_store_idx %arg16[%add3A_1802, %broadcast_in_dim3A_775], %add3A_1798 : memref<192x128xf32, #tpu.memory_space<vmem>>[vector<16xi32>, vector<16xi32>], vector<16xf32>,
        %get3A_1803 = arith.constant 112 : index
        %get3A_1804 = tpu.vector_load %arg14[%get3A_1803] {strides = array<i32>} : memref<144xi32, #tpu.memory_space<vmem>>, vector<16xi32>,
        %broadcast_in_dim3A_1805 = arith.constant true
        %broadcast_in_dim3A_1806 = vector.broadcast %broadcast_in_dim3A_1805 : i1 to vector<16xi1>
        %masked_cummax3A_1807 = arith.constant -2147483648 : i32
        %masked_cummax3A_1808 = vector.broadcast %masked_cummax3A_1807 : i32 to vector<16xi32>
        %masked_cummax3A_1809 = arith.xori %get3A_1804, %masked_cummax3A_1808 : vector<16xi32>
        %masked_cummax3A_1810 = tpu.scan <max>, %masked_cummax3A_1809 masked %broadcast_in_dim3A_1806 : vector<16xi32>, vector<16xi1> -> vector<16xi32>
        %masked_cummax3A_1811 = arith.xori %masked_cummax3A_1810, %masked_cummax3A_1808 : vector<16xi32>
        %max3A_1812 = arith.maxsi %masked_cummax3A_1811, %gather3A_1766 : vector<16xi32>
        %lt3A_1813 = arith.constant 0 : i32
        %lt3A_1814 = vector.broadcast %lt3A_1813 : i32 to vector<16xi32>
        %lt3A_1815 = arith.cmpi slt, %broadcast_in_dim3A_3, %lt3A_1814 : vector<16xi32>
        %add3A_1816 = arith.constant 16 : i32
        %add3A_1817 = vector.broadcast %add3A_1816 : i32 to vector<16xi32>
        %add3A_1818 = arith.addi %broadcast_in_dim3A_3, %add3A_1817 : vector<16xi32>
        %select_n3A_1819 = arith.select %lt3A_1815, %add3A_1818, %broadcast_in_dim3A_3 : vector<16xi1>, vector<16xi32>
        %broadcast_in_dim3A_1820 = vector.shape_cast %select_n3A_1819 : vector<16xi32> to vector<16x1xi32>
        %gather3A_1821 = vector.shape_cast %broadcast_in_dim3A_1820 : vector<16x1xi32> to vector<16xi32>
        %gather3A_1822 = tpu.dynamic_gather %max3A_1812[%gather3A_1821] in [0] : vector<16xi32>, vector<16xi32> -> vector<16xi32>
        %swap3A_1823 = arith.constant 112 : index
        %swap3A_1824 = tpu.vector_load %arg14[%swap3A_1823] {strides = array<i32>} : memref<144xi32, #tpu.memory_space<vmem>>, vector<16xi32>,
        tpu.vector_store %arg14[%swap3A_1823], %broadcast_in_dim3A_1 {strides = array<i32>} : memref<144xi32, #tpu.memory_space<vmem>>, vector<16xi32>,
        %get3A_1825 = arith.constant 112 : index
        %get3A_1826 = tpu.vector_load %arg15[%get3A_1825] {strides = array<i32>} : memref<144xi32, #tpu.memory_space<vmem>>, vector<16xi32>,
        %broadcast_in_dim3A_1827 = arith.constant true
        %broadcast_in_dim3A_1828 = vector.broadcast %broadcast_in_dim3A_1827 : i1 to vector<16xi1>
        %masked_cummax3A_1829 = arith.constant -2147483648 : i32
        %masked_cummax3A_1830 = vector.broadcast %masked_cummax3A_1829 : i32 to vector<16xi32>
        %masked_cummax3A_1831 = arith.xori %get3A_1826, %masked_cummax3A_1830 : vector<16xi32>
        %masked_cummax3A_1832 = tpu.scan <max>, %masked_cummax3A_1831 masked %broadcast_in_dim3A_1828 : vector<16xi32>, vector<16xi1> -> vector<16xi32>
        %masked_cummax3A_1833 = arith.xori %masked_cummax3A_1832, %masked_cummax3A_1830 : vector<16xi32>
        %max3A_1834 = arith.maxsi %masked_cummax3A_1833, %gather3A_1788 : vector<16xi32>
        %lt3A_1835 = arith.constant 0 : i32
        %lt3A_1836 = vector.broadcast %lt3A_1835 : i32 to vector<16xi32>
        %lt3A_1837 = arith.cmpi slt, %broadcast_in_dim3A_3, %lt3A_1836 : vector<16xi32>
        %add3A_1838 = arith.constant 16 : i32
        %add3A_1839 = vector.broadcast %add3A_1838 : i32 to vector<16xi32>
        %add3A_1840 = arith.addi %broadcast_in_dim3A_3, %add3A_1839 : vector<16xi32>
        %select_n3A_1841 = arith.select %lt3A_1837, %add3A_1840, %broadcast_in_dim3A_3 : vector<16xi1>, vector<16xi32>
        %broadcast_in_dim3A_1842 = vector.shape_cast %select_n3A_1841 : vector<16xi32> to vector<16x1xi32>
        %gather3A_1843 = vector.shape_cast %broadcast_in_dim3A_1842 : vector<16x1xi32> to vector<16xi32>
        %gather3A_1844 = tpu.dynamic_gather %max3A_1834[%gather3A_1843] in [0] : vector<16xi32>, vector<16xi32> -> vector<16xi32>
        %swap3A_1845 = arith.constant 112 : index
        %swap3A_1846 = tpu.vector_load %arg15[%swap3A_1845] {strides = array<i32>} : memref<144xi32, #tpu.memory_space<vmem>>, vector<16xi32>,
        tpu.vector_store %arg15[%swap3A_1845], %broadcast_in_dim3A_1 {strides = array<i32>} : memref<144xi32, #tpu.memory_space<vmem>>, vector<16xi32>,
        %gather3A_1847 = tpu.vector_load_idx %arg10[%max3A_1812] : memref<64xf32, #tpu.memory_space<vmem>>[vector<16xi32>], vector<16xf32>,
        %gather3A_1848 = tpu.vector_load_idx %arg9[%max3A_1812] : memref<64xf32, #tpu.memory_space<vmem>>[vector<16xi32>], vector<16xf32>,
        %gather3A_1849 = tpu.vector_load_idx %arg11[%max3A_1812] : memref<64xf32, #tpu.memory_space<vmem>>[vector<16xi32>], vector<16xf32>,
        %get3A_1850 = arith.constant 112 : index
        %get3A_1851 = tpu.vector_load %arg8[%get3A_1850] {strides = array<i32>} : memref<128xf32, #tpu.memory_space<vmem>>, vector<16xf32>,
        %sub3A_1852 = arith.subf %get3A_1851, %gather3A_1848 : vector<16xf32>
        %mul3A_1853 = arith.mulf %sub3A_1852, %gather3A_1849 : vector<16xf32>
        %add3A_1854 = arith.addf %gather3A_1847, %mul3A_1853 : vector<16xf32>
        %add3A_1855 = arith.constant 113 : i32
        %add3A_1856 = vector.broadcast %add3A_1855 : i32 to vector<16xi32>
        %add3A_1857 = arith.addi %iota3A, %add3A_1856 : vector<16xi32>
        %add3A_1858 = arith.addi %add3A_1857, %max3A_1834 : vector<16xi32>
        tpu.vector_store_idx %arg16[%add3A_1858, %broadcast_in_dim3A_775], %add3A_1854 : memref<192x128xf32, #tpu.memory_space<vmem>>[vector<16xi32>, vector<16xi32>], vector<16xf32>,
        %swap3A_1859 = arith.constant 128 : index
        %swap3A_1860 = tpu.vector_load %arg14[%swap3A_1859] {strides = array<i32>} : memref<144xi32, #tpu.memory_space<vmem>>, vector<16xi32>,
        tpu.vector_store %arg14[%swap3A_1859], %broadcast_in_dim3A_1 {strides = array<i32>} : memref<144xi32, #tpu.memory_space<vmem>>, vector<16xi32>,
        %swap3A_1861 = arith.constant 128 : index
        %swap3A_1862 = tpu.vector_load %arg15[%swap3A_1861] {strides = array<i32>} : memref<144xi32, #tpu.memory_space<vmem>>, vector<16xi32>,
        tpu.vector_store %arg15[%swap3A_1861], %broadcast_in_dim3A_1 {strides = array<i32>} : memref<144xi32, #tpu.memory_space<vmem>>, vector<16xi32>,
      }
      %scan3A_55 = arith.constant 128 : i32
      %dma_start3A = arith.constant 0 : i32
      %dma_start3A_56 = arith.constant 0 : i32
      %dma_start3A_57 = arith.constant 0 : i32
      %dma_start3A_58 = tpu.memref_slice %arg16[%dma_start3A_56, %dma_start3A_57] : memref<192x128xf32, #tpu.memory_space<vmem>> -> memref<8x128xf32, #tpu.memory_space<vmem>>
      %dma_start3A_59 = arith.constant 0 : i32
      %dma_start3A_60 = arith.constant 0 : i32
      %dma_start3A_61 = tpu.memref_slice %arg5[%dma_start3A, %add3A_47, %dma_start3A_59, %dma_start3A_60] : memref<24x512x8x128xf32, #tpu.memory_space<hbm>> -> memref<1x1x8x128xf32, #tpu.memory_space<hbm>>
      %dma_start3A_62 = tpu.memref_squeeze %dma_start3A_61 : memref<1x1x8x128xf32, #tpu.memory_space<hbm>> -> memref<8x128xf32, #tpu.memory_space<hbm>>
      %dma_start3A_63 = arith.constant 0 : i32
      %dma_start3A_64 = arith.constant 0 : i32
      %dma_start3A_65 = tpu.memref_slice %arg5[%dma_start3A, %add3A_47, %dma_start3A_63, %dma_start3A_64] : memref<24x512x8x128xf32, #tpu.memory_space<hbm>> -> memref<1x1x8x128xf32, #tpu.memory_space<hbm>>
      %dma_start3A_66 = tpu.memref_squeeze %dma_start3A_65 : memref<1x1x8x128xf32, #tpu.memory_space<hbm>> -> memref<8x128xf32, #tpu.memory_space<hbm>>
      %dma_start3A_67 = arith.constant 0 : i32
      %dma_start3A_68 = arith.constant 0 : i32
      %dma_start3A_69 = tpu.memref_slice %arg16[%dma_start3A_67, %dma_start3A_68] : memref<192x128xf32, #tpu.memory_space<vmem>> -> memref<8x128xf32, #tpu.memory_space<vmem>>
      tpu.enqueue_dma source(%dma_start3A_69 : memref<8x128xf32, #tpu.memory_space<vmem>>) target(%dma_start3A_66 : memref<8x128xf32, #tpu.memory_space<hbm>>) target_semaphore(%arg17 : memref<!tpu.dma_semaphore, #tpu.memory_space<semaphore_mem>>)
      %dma_start3A_70 = arith.constant 1 : i32
      %dma_start3A_71 = arith.constant 8 : i32
      %dma_start3A_72 = arith.constant 0 : i32
      %dma_start3A_73 = tpu.memref_slice %arg16[%dma_start3A_71, %dma_start3A_72] : memref<192x128xf32, #tpu.memory_space<vmem>> -> memref<8x128xf32, #tpu.memory_space<vmem>>
      %dma_start3A_74 = arith.constant 0 : i32
      %dma_start3A_75 = arith.constant 0 : i32
      %dma_start3A_76 = tpu.memref_slice %arg5[%dma_start3A_70, %add3A_47, %dma_start3A_74, %dma_start3A_75] : memref<24x512x8x128xf32, #tpu.memory_space<hbm>> -> memref<1x1x8x128xf32, #tpu.memory_space<hbm>>
      %dma_start3A_77 = tpu.memref_squeeze %dma_start3A_76 : memref<1x1x8x128xf32, #tpu.memory_space<hbm>> -> memref<8x128xf32, #tpu.memory_space<hbm>>
      %dma_start3A_78 = arith.constant 0 : i32
      %dma_start3A_79 = arith.constant 0 : i32
      %dma_start3A_80 = tpu.memref_slice %arg5[%dma_start3A_70, %add3A_47, %dma_start3A_78, %dma_start3A_79] : memref<24x512x8x128xf32, #tpu.memory_space<hbm>> -> memref<1x1x8x128xf32, #tpu.memory_space<hbm>>
      %dma_start3A_81 = tpu.memref_squeeze %dma_start3A_80 : memref<1x1x8x128xf32, #tpu.memory_space<hbm>> -> memref<8x128xf32, #tpu.memory_space<hbm>>
      %dma_start3A_82 = arith.constant 8 : i32
      %dma_start3A_83 = arith.constant 0 : i32
      %dma_start3A_84 = tpu.memref_slice %arg16[%dma_start3A_82, %dma_start3A_83] : memref<192x128xf32, #tpu.memory_space<vmem>> -> memref<8x128xf32, #tpu.memory_space<vmem>>
      tpu.enqueue_dma source(%dma_start3A_84 : memref<8x128xf32, #tpu.memory_space<vmem>>) target(%dma_start3A_81 : memref<8x128xf32, #tpu.memory_space<hbm>>) target_semaphore(%arg17 : memref<!tpu.dma_semaphore, #tpu.memory_space<semaphore_mem>>)
      %dma_start3A_85 = arith.constant 2 : i32
      %dma_start3A_86 = arith.constant 16 : i32
      %dma_start3A_87 = arith.constant 0 : i32
      %dma_start3A_88 = tpu.memref_slice %arg16[%dma_start3A_86, %dma_start3A_87] : memref<192x128xf32, #tpu.memory_space<vmem>> -> memref<8x128xf32, #tpu.memory_space<vmem>>
      %dma_start3A_89 = arith.constant 0 : i32
      %dma_start3A_90 = arith.constant 0 : i32
      %dma_start3A_91 = tpu.memref_slice %arg5[%dma_start3A_85, %add3A_47, %dma_start3A_89, %dma_start3A_90] : memref<24x512x8x128xf32, #tpu.memory_space<hbm>> -> memref<1x1x8x128xf32, #tpu.memory_space<hbm>>
      %dma_start3A_92 = tpu.memref_squeeze %dma_start3A_91 : memref<1x1x8x128xf32, #tpu.memory_space<hbm>> -> memref<8x128xf32, #tpu.memory_space<hbm>>
      %dma_start3A_93 = arith.constant 0 : i32
      %dma_start3A_94 = arith.constant 0 : i32
      %dma_start3A_95 = tpu.memref_slice %arg5[%dma_start3A_85, %add3A_47, %dma_start3A_93, %dma_start3A_94] : memref<24x512x8x128xf32, #tpu.memory_space<hbm>> -> memref<1x1x8x128xf32, #tpu.memory_space<hbm>>
      %dma_start3A_96 = tpu.memref_squeeze %dma_start3A_95 : memref<1x1x8x128xf32, #tpu.memory_space<hbm>> -> memref<8x128xf32, #tpu.memory_space<hbm>>
      %dma_start3A_97 = arith.constant 16 : i32
      %dma_start3A_98 = arith.constant 0 : i32
      %dma_start3A_99 = tpu.memref_slice %arg16[%dma_start3A_97, %dma_start3A_98] : memref<192x128xf32, #tpu.memory_space<vmem>> -> memref<8x128xf32, #tpu.memory_space<vmem>>
      tpu.enqueue_dma source(%dma_start3A_99 : memref<8x128xf32, #tpu.memory_space<vmem>>) target(%dma_start3A_96 : memref<8x128xf32, #tpu.memory_space<hbm>>) target_semaphore(%arg17 : memref<!tpu.dma_semaphore, #tpu.memory_space<semaphore_mem>>)
      %dma_start3A_100 = arith.constant 3 : i32
      %dma_start3A_101 = arith.constant 24 : i32
      %dma_start3A_102 = arith.constant 0 : i32
      %dma_start3A_103 = tpu.memref_slice %arg16[%dma_start3A_101, %dma_start3A_102] : memref<192x128xf32, #tpu.memory_space<vmem>> -> memref<8x128xf32, #tpu.memory_space<vmem>>
      %dma_start3A_104 = arith.constant 0 : i32
      %dma_start3A_105 = arith.constant 0 : i32
      %dma_start3A_106 = tpu.memref_slice %arg5[%dma_start3A_100, %add3A_47, %dma_start3A_104, %dma_start3A_105] : memref<24x512x8x128xf32, #tpu.memory_space<hbm>> -> memref<1x1x8x128xf32, #tpu.memory_space<hbm>>
      %dma_start3A_107 = tpu.memref_squeeze %dma_start3A_106 : memref<1x1x8x128xf32, #tpu.memory_space<hbm>> -> memref<8x128xf32, #tpu.memory_space<hbm>>
      %dma_start3A_108 = arith.constant 0 : i32
      %dma_start3A_109 = arith.constant 0 : i32
      %dma_start3A_110 = tpu.memref_slice %arg5[%dma_start3A_100, %add3A_47, %dma_start3A_108, %dma_start3A_109] : memref<24x512x8x128xf32, #tpu.memory_space<hbm>> -> memref<1x1x8x128xf32, #tpu.memory_space<hbm>>
      %dma_start3A_111 = tpu.memref_squeeze %dma_start3A_110 : memref<1x1x8x128xf32, #tpu.memory_space<hbm>> -> memref<8x128xf32, #tpu.memory_space<hbm>>
      %dma_start3A_112 = arith.constant 24 : i32
      %dma_start3A_113 = arith.constant 0 : i32
      %dma_start3A_114 = tpu.memref_slice %arg16[%dma_start3A_112, %dma_start3A_113] : memref<192x128xf32, #tpu.memory_space<vmem>> -> memref<8x128xf32, #tpu.memory_space<vmem>>
      tpu.enqueue_dma source(%dma_start3A_114 : memref<8x128xf32, #tpu.memory_space<vmem>>) target(%dma_start3A_111 : memref<8x128xf32, #tpu.memory_space<hbm>>) target_semaphore(%arg17 : memref<!tpu.dma_semaphore, #tpu.memory_space<semaphore_mem>>)
      %dma_start3A_115 = arith.constant 4 : i32
      %dma_start3A_116 = arith.constant 32 : i32
      %dma_start3A_117 = arith.constant 0 : i32
      %dma_start3A_118 = tpu.memref_slice %arg16[%dma_start3A_116, %dma_start3A_117] : memref<192x128xf32, #tpu.memory_space<vmem>> -> memref<8x128xf32, #tpu.memory_space<vmem>>
      %dma_start3A_119 = arith.constant 0 : i32
      %dma_start3A_120 = arith.constant 0 : i32
      %dma_start3A_121 = tpu.memref_slice %arg5[%dma_start3A_115, %add3A_47, %dma_start3A_119, %dma_start3A_120] : memref<24x512x8x128xf32, #tpu.memory_space<hbm>> -> memref<1x1x8x128xf32, #tpu.memory_space<hbm>>
      %dma_start3A_122 = tpu.memref_squeeze %dma_start3A_121 : memref<1x1x8x128xf32, #tpu.memory_space<hbm>> -> memref<8x128xf32, #tpu.memory_space<hbm>>
      %dma_start3A_123 = arith.constant 0 : i32
      %dma_start3A_124 = arith.constant 0 : i32
      %dma_start3A_125 = tpu.memref_slice %arg5[%dma_start3A_115, %add3A_47, %dma_start3A_123, %dma_start3A_124] : memref<24x512x8x128xf32, #tpu.memory_space<hbm>> -> memref<1x1x8x128xf32, #tpu.memory_space<hbm>>
      %dma_start3A_126 = tpu.memref_squeeze %dma_start3A_125 : memref<1x1x8x128xf32, #tpu.memory_space<hbm>> -> memref<8x128xf32, #tpu.memory_space<hbm>>
      %dma_start3A_127 = arith.constant 32 : i32
      %dma_start3A_128 = arith.constant 0 : i32
      %dma_start3A_129 = tpu.memref_slice %arg16[%dma_start3A_127, %dma_start3A_128] : memref<192x128xf32, #tpu.memory_space<vmem>> -> memref<8x128xf32, #tpu.memory_space<vmem>>
      tpu.enqueue_dma source(%dma_start3A_129 : memref<8x128xf32, #tpu.memory_space<vmem>>) target(%dma_start3A_126 : memref<8x128xf32, #tpu.memory_space<hbm>>) target_semaphore(%arg17 : memref<!tpu.dma_semaphore, #tpu.memory_space<semaphore_mem>>)
      %dma_start3A_130 = arith.constant 5 : i32
      %dma_start3A_131 = arith.constant 40 : i32
      %dma_start3A_132 = arith.constant 0 : i32
      %dma_start3A_133 = tpu.memref_slice %arg16[%dma_start3A_131, %dma_start3A_132] : memref<192x128xf32, #tpu.memory_space<vmem>> -> memref<8x128xf32, #tpu.memory_space<vmem>>
      %dma_start3A_134 = arith.constant 0 : i32
      %dma_start3A_135 = arith.constant 0 : i32
      %dma_start3A_136 = tpu.memref_slice %arg5[%dma_start3A_130, %add3A_47, %dma_start3A_134, %dma_start3A_135] : memref<24x512x8x128xf32, #tpu.memory_space<hbm>> -> memref<1x1x8x128xf32, #tpu.memory_space<hbm>>
      %dma_start3A_137 = tpu.memref_squeeze %dma_start3A_136 : memref<1x1x8x128xf32, #tpu.memory_space<hbm>> -> memref<8x128xf32, #tpu.memory_space<hbm>>
      %dma_start3A_138 = arith.constant 0 : i32
      %dma_start3A_139 = arith.constant 0 : i32
      %dma_start3A_140 = tpu.memref_slice %arg5[%dma_start3A_130, %add3A_47, %dma_start3A_138, %dma_start3A_139] : memref<24x512x8x128xf32, #tpu.memory_space<hbm>> -> memref<1x1x8x128xf32, #tpu.memory_space<hbm>>
      %dma_start3A_141 = tpu.memref_squeeze %dma_start3A_140 : memref<1x1x8x128xf32, #tpu.memory_space<hbm>> -> memref<8x128xf32, #tpu.memory_space<hbm>>
      %dma_start3A_142 = arith.constant 40 : i32
      %dma_start3A_143 = arith.constant 0 : i32
      %dma_start3A_144 = tpu.memref_slice %arg16[%dma_start3A_142, %dma_start3A_143] : memref<192x128xf32, #tpu.memory_space<vmem>> -> memref<8x128xf32, #tpu.memory_space<vmem>>
      tpu.enqueue_dma source(%dma_start3A_144 : memref<8x128xf32, #tpu.memory_space<vmem>>) target(%dma_start3A_141 : memref<8x128xf32, #tpu.memory_space<hbm>>) target_semaphore(%arg17 : memref<!tpu.dma_semaphore, #tpu.memory_space<semaphore_mem>>)
      %dma_start3A_145 = arith.constant 6 : i32
      %dma_start3A_146 = arith.constant 48 : i32
      %dma_start3A_147 = arith.constant 0 : i32
      %dma_start3A_148 = tpu.memref_slice %arg16[%dma_start3A_146, %dma_start3A_147] : memref<192x128xf32, #tpu.memory_space<vmem>> -> memref<8x128xf32, #tpu.memory_space<vmem>>
      %dma_start3A_149 = arith.constant 0 : i32
      %dma_start3A_150 = arith.constant 0 : i32
      %dma_start3A_151 = tpu.memref_slice %arg5[%dma_start3A_145, %add3A_47, %dma_start3A_149, %dma_start3A_150] : memref<24x512x8x128xf32, #tpu.memory_space<hbm>> -> memref<1x1x8x128xf32, #tpu.memory_space<hbm>>
      %dma_start3A_152 = tpu.memref_squeeze %dma_start3A_151 : memref<1x1x8x128xf32, #tpu.memory_space<hbm>> -> memref<8x128xf32, #tpu.memory_space<hbm>>
      %dma_start3A_153 = arith.constant 0 : i32
      %dma_start3A_154 = arith.constant 0 : i32
      %dma_start3A_155 = tpu.memref_slice %arg5[%dma_start3A_145, %add3A_47, %dma_start3A_153, %dma_start3A_154] : memref<24x512x8x128xf32, #tpu.memory_space<hbm>> -> memref<1x1x8x128xf32, #tpu.memory_space<hbm>>
      %dma_start3A_156 = tpu.memref_squeeze %dma_start3A_155 : memref<1x1x8x128xf32, #tpu.memory_space<hbm>> -> memref<8x128xf32, #tpu.memory_space<hbm>>
      %dma_start3A_157 = arith.constant 48 : i32
      %dma_start3A_158 = arith.constant 0 : i32
      %dma_start3A_159 = tpu.memref_slice %arg16[%dma_start3A_157, %dma_start3A_158] : memref<192x128xf32, #tpu.memory_space<vmem>> -> memref<8x128xf32, #tpu.memory_space<vmem>>
      tpu.enqueue_dma source(%dma_start3A_159 : memref<8x128xf32, #tpu.memory_space<vmem>>) target(%dma_start3A_156 : memref<8x128xf32, #tpu.memory_space<hbm>>) target_semaphore(%arg17 : memref<!tpu.dma_semaphore, #tpu.memory_space<semaphore_mem>>)
      %dma_start3A_160 = arith.constant 7 : i32
      %dma_start3A_161 = arith.constant 56 : i32
      %dma_start3A_162 = arith.constant 0 : i32
      %dma_start3A_163 = tpu.memref_slice %arg16[%dma_start3A_161, %dma_start3A_162] : memref<192x128xf32, #tpu.memory_space<vmem>> -> memref<8x128xf32, #tpu.memory_space<vmem>>
      %dma_start3A_164 = arith.constant 0 : i32
      %dma_start3A_165 = arith.constant 0 : i32
      %dma_start3A_166 = tpu.memref_slice %arg5[%dma_start3A_160, %add3A_47, %dma_start3A_164, %dma_start3A_165] : memref<24x512x8x128xf32, #tpu.memory_space<hbm>> -> memref<1x1x8x128xf32, #tpu.memory_space<hbm>>
      %dma_start3A_167 = tpu.memref_squeeze %dma_start3A_166 : memref<1x1x8x128xf32, #tpu.memory_space<hbm>> -> memref<8x128xf32, #tpu.memory_space<hbm>>
      %dma_start3A_168 = arith.constant 0 : i32
      %dma_start3A_169 = arith.constant 0 : i32
      %dma_start3A_170 = tpu.memref_slice %arg5[%dma_start3A_160, %add3A_47, %dma_start3A_168, %dma_start3A_169] : memref<24x512x8x128xf32, #tpu.memory_space<hbm>> -> memref<1x1x8x128xf32, #tpu.memory_space<hbm>>
      %dma_start3A_171 = tpu.memref_squeeze %dma_start3A_170 : memref<1x1x8x128xf32, #tpu.memory_space<hbm>> -> memref<8x128xf32, #tpu.memory_space<hbm>>
      %dma_start3A_172 = arith.constant 56 : i32
      %dma_start3A_173 = arith.constant 0 : i32
      %dma_start3A_174 = tpu.memref_slice %arg16[%dma_start3A_172, %dma_start3A_173] : memref<192x128xf32, #tpu.memory_space<vmem>> -> memref<8x128xf32, #tpu.memory_space<vmem>>
      tpu.enqueue_dma source(%dma_start3A_174 : memref<8x128xf32, #tpu.memory_space<vmem>>) target(%dma_start3A_171 : memref<8x128xf32, #tpu.memory_space<hbm>>) target_semaphore(%arg17 : memref<!tpu.dma_semaphore, #tpu.memory_space<semaphore_mem>>)
      %dma_start3A_175 = arith.constant 8 : i32
      %dma_start3A_176 = arith.constant 64 : i32
      %dma_start3A_177 = arith.constant 0 : i32
      %dma_start3A_178 = tpu.memref_slice %arg16[%dma_start3A_176, %dma_start3A_177] : memref<192x128xf32, #tpu.memory_space<vmem>> -> memref<8x128xf32, #tpu.memory_space<vmem>>
      %dma_start3A_179 = arith.constant 0 : i32
      %dma_start3A_180 = arith.constant 0 : i32
      %dma_start3A_181 = tpu.memref_slice %arg5[%dma_start3A_175, %add3A_47, %dma_start3A_179, %dma_start3A_180] : memref<24x512x8x128xf32, #tpu.memory_space<hbm>> -> memref<1x1x8x128xf32, #tpu.memory_space<hbm>>
      %dma_start3A_182 = tpu.memref_squeeze %dma_start3A_181 : memref<1x1x8x128xf32, #tpu.memory_space<hbm>> -> memref<8x128xf32, #tpu.memory_space<hbm>>
      %dma_start3A_183 = arith.constant 0 : i32
      %dma_start3A_184 = arith.constant 0 : i32
      %dma_start3A_185 = tpu.memref_slice %arg5[%dma_start3A_175, %add3A_47, %dma_start3A_183, %dma_start3A_184] : memref<24x512x8x128xf32, #tpu.memory_space<hbm>> -> memref<1x1x8x128xf32, #tpu.memory_space<hbm>>
      %dma_start3A_186 = tpu.memref_squeeze %dma_start3A_185 : memref<1x1x8x128xf32, #tpu.memory_space<hbm>> -> memref<8x128xf32, #tpu.memory_space<hbm>>
      %dma_start3A_187 = arith.constant 64 : i32
      %dma_start3A_188 = arith.constant 0 : i32
      %dma_start3A_189 = tpu.memref_slice %arg16[%dma_start3A_187, %dma_start3A_188] : memref<192x128xf32, #tpu.memory_space<vmem>> -> memref<8x128xf32, #tpu.memory_space<vmem>>
      tpu.enqueue_dma source(%dma_start3A_189 : memref<8x128xf32, #tpu.memory_space<vmem>>) target(%dma_start3A_186 : memref<8x128xf32, #tpu.memory_space<hbm>>) target_semaphore(%arg17 : memref<!tpu.dma_semaphore, #tpu.memory_space<semaphore_mem>>)
      %dma_start3A_190 = arith.constant 9 : i32
      %dma_start3A_191 = arith.constant 72 : i32
      %dma_start3A_192 = arith.constant 0 : i32
      %dma_start3A_193 = tpu.memref_slice %arg16[%dma_start3A_191, %dma_start3A_192] : memref<192x128xf32, #tpu.memory_space<vmem>> -> memref<8x128xf32, #tpu.memory_space<vmem>>
      %dma_start3A_194 = arith.constant 0 : i32
      %dma_start3A_195 = arith.constant 0 : i32
      %dma_start3A_196 = tpu.memref_slice %arg5[%dma_start3A_190, %add3A_47, %dma_start3A_194, %dma_start3A_195] : memref<24x512x8x128xf32, #tpu.memory_space<hbm>> -> memref<1x1x8x128xf32, #tpu.memory_space<hbm>>
      %dma_start3A_197 = tpu.memref_squeeze %dma_start3A_196 : memref<1x1x8x128xf32, #tpu.memory_space<hbm>> -> memref<8x128xf32, #tpu.memory_space<hbm>>
      %dma_start3A_198 = arith.constant 0 : i32
      %dma_start3A_199 = arith.constant 0 : i32
      %dma_start3A_200 = tpu.memref_slice %arg5[%dma_start3A_190, %add3A_47, %dma_start3A_198, %dma_start3A_199] : memref<24x512x8x128xf32, #tpu.memory_space<hbm>> -> memref<1x1x8x128xf32, #tpu.memory_space<hbm>>
      %dma_start3A_201 = tpu.memref_squeeze %dma_start3A_200 : memref<1x1x8x128xf32, #tpu.memory_space<hbm>> -> memref<8x128xf32, #tpu.memory_space<hbm>>
      %dma_start3A_202 = arith.constant 72 : i32
      %dma_start3A_203 = arith.constant 0 : i32
      %dma_start3A_204 = tpu.memref_slice %arg16[%dma_start3A_202, %dma_start3A_203] : memref<192x128xf32, #tpu.memory_space<vmem>> -> memref<8x128xf32, #tpu.memory_space<vmem>>
      tpu.enqueue_dma source(%dma_start3A_204 : memref<8x128xf32, #tpu.memory_space<vmem>>) target(%dma_start3A_201 : memref<8x128xf32, #tpu.memory_space<hbm>>) target_semaphore(%arg17 : memref<!tpu.dma_semaphore, #tpu.memory_space<semaphore_mem>>)
      %dma_start3A_205 = arith.constant 10 : i32
      %dma_start3A_206 = arith.constant 80 : i32
      %dma_start3A_207 = arith.constant 0 : i32
      %dma_start3A_208 = tpu.memref_slice %arg16[%dma_start3A_206, %dma_start3A_207] : memref<192x128xf32, #tpu.memory_space<vmem>> -> memref<8x128xf32, #tpu.memory_space<vmem>>
      %dma_start3A_209 = arith.constant 0 : i32
      %dma_start3A_210 = arith.constant 0 : i32
      %dma_start3A_211 = tpu.memref_slice %arg5[%dma_start3A_205, %add3A_47, %dma_start3A_209, %dma_start3A_210] : memref<24x512x8x128xf32, #tpu.memory_space<hbm>> -> memref<1x1x8x128xf32, #tpu.memory_space<hbm>>
      %dma_start3A_212 = tpu.memref_squeeze %dma_start3A_211 : memref<1x1x8x128xf32, #tpu.memory_space<hbm>> -> memref<8x128xf32, #tpu.memory_space<hbm>>
      %dma_start3A_213 = arith.constant 0 : i32
      %dma_start3A_214 = arith.constant 0 : i32
      %dma_start3A_215 = tpu.memref_slice %arg5[%dma_start3A_205, %add3A_47, %dma_start3A_213, %dma_start3A_214] : memref<24x512x8x128xf32, #tpu.memory_space<hbm>> -> memref<1x1x8x128xf32, #tpu.memory_space<hbm>>
      %dma_start3A_216 = tpu.memref_squeeze %dma_start3A_215 : memref<1x1x8x128xf32, #tpu.memory_space<hbm>> -> memref<8x128xf32, #tpu.memory_space<hbm>>
      %dma_start3A_217 = arith.constant 80 : i32
      %dma_start3A_218 = arith.constant 0 : i32
      %dma_start3A_219 = tpu.memref_slice %arg16[%dma_start3A_217, %dma_start3A_218] : memref<192x128xf32, #tpu.memory_space<vmem>> -> memref<8x128xf32, #tpu.memory_space<vmem>>
      tpu.enqueue_dma source(%dma_start3A_219 : memref<8x128xf32, #tpu.memory_space<vmem>>) target(%dma_start3A_216 : memref<8x128xf32, #tpu.memory_space<hbm>>) target_semaphore(%arg17 : memref<!tpu.dma_semaphore, #tpu.memory_space<semaphore_mem>>)
      %dma_start3A_220 = arith.constant 11 : i32
      %dma_start3A_221 = arith.constant 88 : i32
      %dma_start3A_222 = arith.constant 0 : i32
      %dma_start3A_223 = tpu.memref_slice %arg16[%dma_start3A_221, %dma_start3A_222] : memref<192x128xf32, #tpu.memory_space<vmem>> -> memref<8x128xf32, #tpu.memory_space<vmem>>
      %dma_start3A_224 = arith.constant 0 : i32
      %dma_start3A_225 = arith.constant 0 : i32
      %dma_start3A_226 = tpu.memref_slice %arg5[%dma_start3A_220, %add3A_47, %dma_start3A_224, %dma_start3A_225] : memref<24x512x8x128xf32, #tpu.memory_space<hbm>> -> memref<1x1x8x128xf32, #tpu.memory_space<hbm>>
      %dma_start3A_227 = tpu.memref_squeeze %dma_start3A_226 : memref<1x1x8x128xf32, #tpu.memory_space<hbm>> -> memref<8x128xf32, #tpu.memory_space<hbm>>
      %dma_start3A_228 = arith.constant 0 : i32
      %dma_start3A_229 = arith.constant 0 : i32
      %dma_start3A_230 = tpu.memref_slice %arg5[%dma_start3A_220, %add3A_47, %dma_start3A_228, %dma_start3A_229] : memref<24x512x8x128xf32, #tpu.memory_space<hbm>> -> memref<1x1x8x128xf32, #tpu.memory_space<hbm>>
      %dma_start3A_231 = tpu.memref_squeeze %dma_start3A_230 : memref<1x1x8x128xf32, #tpu.memory_space<hbm>> -> memref<8x128xf32, #tpu.memory_space<hbm>>
      %dma_start3A_232 = arith.constant 88 : i32
      %dma_start3A_233 = arith.constant 0 : i32
      %dma_start3A_234 = tpu.memref_slice %arg16[%dma_start3A_232, %dma_start3A_233] : memref<192x128xf32, #tpu.memory_space<vmem>> -> memref<8x128xf32, #tpu.memory_space<vmem>>
      tpu.enqueue_dma source(%dma_start3A_234 : memref<8x128xf32, #tpu.memory_space<vmem>>) target(%dma_start3A_231 : memref<8x128xf32, #tpu.memory_space<hbm>>) target_semaphore(%arg17 : memref<!tpu.dma_semaphore, #tpu.memory_space<semaphore_mem>>)
      %dma_start3A_235 = arith.constant 12 : i32
      %dma_start3A_236 = arith.constant 96 : i32
      %dma_start3A_237 = arith.constant 0 : i32
      %dma_start3A_238 = tpu.memref_slice %arg16[%dma_start3A_236, %dma_start3A_237] : memref<192x128xf32, #tpu.memory_space<vmem>> -> memref<8x128xf32, #tpu.memory_space<vmem>>
      %dma_start3A_239 = arith.constant 0 : i32
      %dma_start3A_240 = arith.constant 0 : i32
      %dma_start3A_241 = tpu.memref_slice %arg5[%dma_start3A_235, %add3A_47, %dma_start3A_239, %dma_start3A_240] : memref<24x512x8x128xf32, #tpu.memory_space<hbm>> -> memref<1x1x8x128xf32, #tpu.memory_space<hbm>>
      %dma_start3A_242 = tpu.memref_squeeze %dma_start3A_241 : memref<1x1x8x128xf32, #tpu.memory_space<hbm>> -> memref<8x128xf32, #tpu.memory_space<hbm>>
      %dma_start3A_243 = arith.constant 0 : i32
      %dma_start3A_244 = arith.constant 0 : i32
      %dma_start3A_245 = tpu.memref_slice %arg5[%dma_start3A_235, %add3A_47, %dma_start3A_243, %dma_start3A_244] : memref<24x512x8x128xf32, #tpu.memory_space<hbm>> -> memref<1x1x8x128xf32, #tpu.memory_space<hbm>>
      %dma_start3A_246 = tpu.memref_squeeze %dma_start3A_245 : memref<1x1x8x128xf32, #tpu.memory_space<hbm>> -> memref<8x128xf32, #tpu.memory_space<hbm>>
      %dma_start3A_247 = arith.constant 96 : i32
      %dma_start3A_248 = arith.constant 0 : i32
      %dma_start3A_249 = tpu.memref_slice %arg16[%dma_start3A_247, %dma_start3A_248] : memref<192x128xf32, #tpu.memory_space<vmem>> -> memref<8x128xf32, #tpu.memory_space<vmem>>
      tpu.enqueue_dma source(%dma_start3A_249 : memref<8x128xf32, #tpu.memory_space<vmem>>) target(%dma_start3A_246 : memref<8x128xf32, #tpu.memory_space<hbm>>) target_semaphore(%arg17 : memref<!tpu.dma_semaphore, #tpu.memory_space<semaphore_mem>>)
      %dma_start3A_250 = arith.constant 13 : i32
      %dma_start3A_251 = arith.constant 104 : i32
      %dma_start3A_252 = arith.constant 0 : i32
      %dma_start3A_253 = tpu.memref_slice %arg16[%dma_start3A_251, %dma_start3A_252] : memref<192x128xf32, #tpu.memory_space<vmem>> -> memref<8x128xf32, #tpu.memory_space<vmem>>
      %dma_start3A_254 = arith.constant 0 : i32
      %dma_start3A_255 = arith.constant 0 : i32
      %dma_start3A_256 = tpu.memref_slice %arg5[%dma_start3A_250, %add3A_47, %dma_start3A_254, %dma_start3A_255] : memref<24x512x8x128xf32, #tpu.memory_space<hbm>> -> memref<1x1x8x128xf32, #tpu.memory_space<hbm>>
      %dma_start3A_257 = tpu.memref_squeeze %dma_start3A_256 : memref<1x1x8x128xf32, #tpu.memory_space<hbm>> -> memref<8x128xf32, #tpu.memory_space<hbm>>
      %dma_start3A_258 = arith.constant 0 : i32
      %dma_start3A_259 = arith.constant 0 : i32
      %dma_start3A_260 = tpu.memref_slice %arg5[%dma_start3A_250, %add3A_47, %dma_start3A_258, %dma_start3A_259] : memref<24x512x8x128xf32, #tpu.memory_space<hbm>> -> memref<1x1x8x128xf32, #tpu.memory_space<hbm>>
      %dma_start3A_261 = tpu.memref_squeeze %dma_start3A_260 : memref<1x1x8x128xf32, #tpu.memory_space<hbm>> -> memref<8x128xf32, #tpu.memory_space<hbm>>
      %dma_start3A_262 = arith.constant 104 : i32
      %dma_start3A_263 = arith.constant 0 : i32
      %dma_start3A_264 = tpu.memref_slice %arg16[%dma_start3A_262, %dma_start3A_263] : memref<192x128xf32, #tpu.memory_space<vmem>> -> memref<8x128xf32, #tpu.memory_space<vmem>>
      tpu.enqueue_dma source(%dma_start3A_264 : memref<8x128xf32, #tpu.memory_space<vmem>>) target(%dma_start3A_261 : memref<8x128xf32, #tpu.memory_space<hbm>>) target_semaphore(%arg17 : memref<!tpu.dma_semaphore, #tpu.memory_space<semaphore_mem>>)
      %dma_start3A_265 = arith.constant 14 : i32
      %dma_start3A_266 = arith.constant 112 : i32
      %dma_start3A_267 = arith.constant 0 : i32
      %dma_start3A_268 = tpu.memref_slice %arg16[%dma_start3A_266, %dma_start3A_267] : memref<192x128xf32, #tpu.memory_space<vmem>> -> memref<8x128xf32, #tpu.memory_space<vmem>>
      %dma_start3A_269 = arith.constant 0 : i32
      %dma_start3A_270 = arith.constant 0 : i32
      %dma_start3A_271 = tpu.memref_slice %arg5[%dma_start3A_265, %add3A_47, %dma_start3A_269, %dma_start3A_270] : memref<24x512x8x128xf32, #tpu.memory_space<hbm>> -> memref<1x1x8x128xf32, #tpu.memory_space<hbm>>
      %dma_start3A_272 = tpu.memref_squeeze %dma_start3A_271 : memref<1x1x8x128xf32, #tpu.memory_space<hbm>> -> memref<8x128xf32, #tpu.memory_space<hbm>>
      %dma_start3A_273 = arith.constant 0 : i32
      %dma_start3A_274 = arith.constant 0 : i32
      %dma_start3A_275 = tpu.memref_slice %arg5[%dma_start3A_265, %add3A_47, %dma_start3A_273, %dma_start3A_274] : memref<24x512x8x128xf32, #tpu.memory_space<hbm>> -> memref<1x1x8x128xf32, #tpu.memory_space<hbm>>
      %dma_start3A_276 = tpu.memref_squeeze %dma_start3A_275 : memref<1x1x8x128xf32, #tpu.memory_space<hbm>> -> memref<8x128xf32, #tpu.memory_space<hbm>>
      %dma_start3A_277 = arith.constant 112 : i32
      %dma_start3A_278 = arith.constant 0 : i32
      %dma_start3A_279 = tpu.memref_slice %arg16[%dma_start3A_277, %dma_start3A_278] : memref<192x128xf32, #tpu.memory_space<vmem>> -> memref<8x128xf32, #tpu.memory_space<vmem>>
      tpu.enqueue_dma source(%dma_start3A_279 : memref<8x128xf32, #tpu.memory_space<vmem>>) target(%dma_start3A_276 : memref<8x128xf32, #tpu.memory_space<hbm>>) target_semaphore(%arg17 : memref<!tpu.dma_semaphore, #tpu.memory_space<semaphore_mem>>)
      %dma_start3A_280 = arith.constant 15 : i32
      %dma_start3A_281 = arith.constant 120 : i32
      %dma_start3A_282 = arith.constant 0 : i32
      %dma_start3A_283 = tpu.memref_slice %arg16[%dma_start3A_281, %dma_start3A_282] : memref<192x128xf32, #tpu.memory_space<vmem>> -> memref<8x128xf32, #tpu.memory_space<vmem>>
      %dma_start3A_284 = arith.constant 0 : i32
      %dma_start3A_285 = arith.constant 0 : i32
      %dma_start3A_286 = tpu.memref_slice %arg5[%dma_start3A_280, %add3A_47, %dma_start3A_284, %dma_start3A_285] : memref<24x512x8x128xf32, #tpu.memory_space<hbm>> -> memref<1x1x8x128xf32, #tpu.memory_space<hbm>>
      %dma_start3A_287 = tpu.memref_squeeze %dma_start3A_286 : memref<1x1x8x128xf32, #tpu.memory_space<hbm>> -> memref<8x128xf32, #tpu.memory_space<hbm>>
      %dma_start3A_288 = arith.constant 0 : i32
      %dma_start3A_289 = arith.constant 0 : i32
      %dma_start3A_290 = tpu.memref_slice %arg5[%dma_start3A_280, %add3A_47, %dma_start3A_288, %dma_start3A_289] : memref<24x512x8x128xf32, #tpu.memory_space<hbm>> -> memref<1x1x8x128xf32, #tpu.memory_space<hbm>>
      %dma_start3A_291 = tpu.memref_squeeze %dma_start3A_290 : memref<1x1x8x128xf32, #tpu.memory_space<hbm>> -> memref<8x128xf32, #tpu.memory_space<hbm>>
      %dma_start3A_292 = arith.constant 120 : i32
      %dma_start3A_293 = arith.constant 0 : i32
      %dma_start3A_294 = tpu.memref_slice %arg16[%dma_start3A_292, %dma_start3A_293] : memref<192x128xf32, #tpu.memory_space<vmem>> -> memref<8x128xf32, #tpu.memory_space<vmem>>
      tpu.enqueue_dma source(%dma_start3A_294 : memref<8x128xf32, #tpu.memory_space<vmem>>) target(%dma_start3A_291 : memref<8x128xf32, #tpu.memory_space<hbm>>) target_semaphore(%arg17 : memref<!tpu.dma_semaphore, #tpu.memory_space<semaphore_mem>>)
      %dma_start3A_295 = arith.constant 16 : i32
      %dma_start3A_296 = arith.constant 128 : i32
      %dma_start3A_297 = arith.constant 0 : i32
      %dma_start3A_298 = tpu.memref_slice %arg16[%dma_start3A_296, %dma_start3A_297] : memref<192x128xf32, #tpu.memory_space<vmem>> -> memref<8x128xf32, #tpu.memory_space<vmem>>
      %dma_start3A_299 = arith.constant 0 : i32
      %dma_start3A_300 = arith.constant 0 : i32
      %dma_start3A_301 = tpu.memref_slice %arg5[%dma_start3A_295, %add3A_47, %dma_start3A_299, %dma_start3A_300] : memref<24x512x8x128xf32, #tpu.memory_space<hbm>> -> memref<1x1x8x128xf32, #tpu.memory_space<hbm>>
      %dma_start3A_302 = tpu.memref_squeeze %dma_start3A_301 : memref<1x1x8x128xf32, #tpu.memory_space<hbm>> -> memref<8x128xf32, #tpu.memory_space<hbm>>
      %dma_start3A_303 = arith.constant 0 : i32
      %dma_start3A_304 = arith.constant 0 : i32
      %dma_start3A_305 = tpu.memref_slice %arg5[%dma_start3A_295, %add3A_47, %dma_start3A_303, %dma_start3A_304] : memref<24x512x8x128xf32, #tpu.memory_space<hbm>> -> memref<1x1x8x128xf32, #tpu.memory_space<hbm>>
      %dma_start3A_306 = tpu.memref_squeeze %dma_start3A_305 : memref<1x1x8x128xf32, #tpu.memory_space<hbm>> -> memref<8x128xf32, #tpu.memory_space<hbm>>
      %dma_start3A_307 = arith.constant 128 : i32
      %dma_start3A_308 = arith.constant 0 : i32
      %dma_start3A_309 = tpu.memref_slice %arg16[%dma_start3A_307, %dma_start3A_308] : memref<192x128xf32, #tpu.memory_space<vmem>> -> memref<8x128xf32, #tpu.memory_space<vmem>>
      tpu.enqueue_dma source(%dma_start3A_309 : memref<8x128xf32, #tpu.memory_space<vmem>>) target(%dma_start3A_306 : memref<8x128xf32, #tpu.memory_space<hbm>>) target_semaphore(%arg17 : memref<!tpu.dma_semaphore, #tpu.memory_space<semaphore_mem>>)
      %dma_start3A_310 = arith.constant 17 : i32
      %dma_start3A_311 = arith.constant 136 : i32
      %dma_start3A_312 = arith.constant 0 : i32
      %dma_start3A_313 = tpu.memref_slice %arg16[%dma_start3A_311, %dma_start3A_312] : memref<192x128xf32, #tpu.memory_space<vmem>> -> memref<8x128xf32, #tpu.memory_space<vmem>>
      %dma_start3A_314 = arith.constant 0 : i32
      %dma_start3A_315 = arith.constant 0 : i32
      %dma_start3A_316 = tpu.memref_slice %arg5[%dma_start3A_310, %add3A_47, %dma_start3A_314, %dma_start3A_315] : memref<24x512x8x128xf32, #tpu.memory_space<hbm>> -> memref<1x1x8x128xf32, #tpu.memory_space<hbm>>
      %dma_start3A_317 = tpu.memref_squeeze %dma_start3A_316 : memref<1x1x8x128xf32, #tpu.memory_space<hbm>> -> memref<8x128xf32, #tpu.memory_space<hbm>>
      %dma_start3A_318 = arith.constant 0 : i32
      %dma_start3A_319 = arith.constant 0 : i32
      %dma_start3A_320 = tpu.memref_slice %arg5[%dma_start3A_310, %add3A_47, %dma_start3A_318, %dma_start3A_319] : memref<24x512x8x128xf32, #tpu.memory_space<hbm>> -> memref<1x1x8x128xf32, #tpu.memory_space<hbm>>
      %dma_start3A_321 = tpu.memref_squeeze %dma_start3A_320 : memref<1x1x8x128xf32, #tpu.memory_space<hbm>> -> memref<8x128xf32, #tpu.memory_space<hbm>>
      %dma_start3A_322 = arith.constant 136 : i32
      %dma_start3A_323 = arith.constant 0 : i32
      %dma_start3A_324 = tpu.memref_slice %arg16[%dma_start3A_322, %dma_start3A_323] : memref<192x128xf32, #tpu.memory_space<vmem>> -> memref<8x128xf32, #tpu.memory_space<vmem>>
      tpu.enqueue_dma source(%dma_start3A_324 : memref<8x128xf32, #tpu.memory_space<vmem>>) target(%dma_start3A_321 : memref<8x128xf32, #tpu.memory_space<hbm>>) target_semaphore(%arg17 : memref<!tpu.dma_semaphore, #tpu.memory_space<semaphore_mem>>)
      %dma_start3A_325 = arith.constant 18 : i32
      %dma_start3A_326 = arith.constant 144 : i32
      %dma_start3A_327 = arith.constant 0 : i32
      %dma_start3A_328 = tpu.memref_slice %arg16[%dma_start3A_326, %dma_start3A_327] : memref<192x128xf32, #tpu.memory_space<vmem>> -> memref<8x128xf32, #tpu.memory_space<vmem>>
      %dma_start3A_329 = arith.constant 0 : i32
      %dma_start3A_330 = arith.constant 0 : i32
      %dma_start3A_331 = tpu.memref_slice %arg5[%dma_start3A_325, %add3A_47, %dma_start3A_329, %dma_start3A_330] : memref<24x512x8x128xf32, #tpu.memory_space<hbm>> -> memref<1x1x8x128xf32, #tpu.memory_space<hbm>>
      %dma_start3A_332 = tpu.memref_squeeze %dma_start3A_331 : memref<1x1x8x128xf32, #tpu.memory_space<hbm>> -> memref<8x128xf32, #tpu.memory_space<hbm>>
      %dma_start3A_333 = arith.constant 0 : i32
      %dma_start3A_334 = arith.constant 0 : i32
      %dma_start3A_335 = tpu.memref_slice %arg5[%dma_start3A_325, %add3A_47, %dma_start3A_333, %dma_start3A_334] : memref<24x512x8x128xf32, #tpu.memory_space<hbm>> -> memref<1x1x8x128xf32, #tpu.memory_space<hbm>>
      %dma_start3A_336 = tpu.memref_squeeze %dma_start3A_335 : memref<1x1x8x128xf32, #tpu.memory_space<hbm>> -> memref<8x128xf32, #tpu.memory_space<hbm>>
      %dma_start3A_337 = arith.constant 144 : i32
      %dma_start3A_338 = arith.constant 0 : i32
      %dma_start3A_339 = tpu.memref_slice %arg16[%dma_start3A_337, %dma_start3A_338] : memref<192x128xf32, #tpu.memory_space<vmem>> -> memref<8x128xf32, #tpu.memory_space<vmem>>
      tpu.enqueue_dma source(%dma_start3A_339 : memref<8x128xf32, #tpu.memory_space<vmem>>) target(%dma_start3A_336 : memref<8x128xf32, #tpu.memory_space<hbm>>) target_semaphore(%arg17 : memref<!tpu.dma_semaphore, #tpu.memory_space<semaphore_mem>>)
      %dma_start3A_340 = arith.constant 19 : i32
      %dma_start3A_341 = arith.constant 152 : i32
      %dma_start3A_342 = arith.constant 0 : i32
      %dma_start3A_343 = tpu.memref_slice %arg16[%dma_start3A_341, %dma_start3A_342] : memref<192x128xf32, #tpu.memory_space<vmem>> -> memref<8x128xf32, #tpu.memory_space<vmem>>
      %dma_start3A_344 = arith.constant 0 : i32
      %dma_start3A_345 = arith.constant 0 : i32
      %dma_start3A_346 = tpu.memref_slice %arg5[%dma_start3A_340, %add3A_47, %dma_start3A_344, %dma_start3A_345] : memref<24x512x8x128xf32, #tpu.memory_space<hbm>> -> memref<1x1x8x128xf32, #tpu.memory_space<hbm>>
      %dma_start3A_347 = tpu.memref_squeeze %dma_start3A_346 : memref<1x1x8x128xf32, #tpu.memory_space<hbm>> -> memref<8x128xf32, #tpu.memory_space<hbm>>
      %dma_start3A_348 = arith.constant 0 : i32
      %dma_start3A_349 = arith.constant 0 : i32
      %dma_start3A_350 = tpu.memref_slice %arg5[%dma_start3A_340, %add3A_47, %dma_start3A_348, %dma_start3A_349] : memref<24x512x8x128xf32, #tpu.memory_space<hbm>> -> memref<1x1x8x128xf32, #tpu.memory_space<hbm>>
      %dma_start3A_351 = tpu.memref_squeeze %dma_start3A_350 : memref<1x1x8x128xf32, #tpu.memory_space<hbm>> -> memref<8x128xf32, #tpu.memory_space<hbm>>
      %dma_start3A_352 = arith.constant 152 : i32
      %dma_start3A_353 = arith.constant 0 : i32
      %dma_start3A_354 = tpu.memref_slice %arg16[%dma_start3A_352, %dma_start3A_353] : memref<192x128xf32, #tpu.memory_space<vmem>> -> memref<8x128xf32, #tpu.memory_space<vmem>>
      tpu.enqueue_dma source(%dma_start3A_354 : memref<8x128xf32, #tpu.memory_space<vmem>>) target(%dma_start3A_351 : memref<8x128xf32, #tpu.memory_space<hbm>>) target_semaphore(%arg17 : memref<!tpu.dma_semaphore, #tpu.memory_space<semaphore_mem>>)
      %dma_start3A_355 = arith.constant 20 : i32
      %dma_start3A_356 = arith.constant 160 : i32
      %dma_start3A_357 = arith.constant 0 : i32
      %dma_start3A_358 = tpu.memref_slice %arg16[%dma_start3A_356, %dma_start3A_357] : memref<192x128xf32, #tpu.memory_space<vmem>> -> memref<8x128xf32, #tpu.memory_space<vmem>>
      %dma_start3A_359 = arith.constant 0 : i32
      %dma_start3A_360 = arith.constant 0 : i32
      %dma_start3A_361 = tpu.memref_slice %arg5[%dma_start3A_355, %add3A_47, %dma_start3A_359, %dma_start3A_360] : memref<24x512x8x128xf32, #tpu.memory_space<hbm>> -> memref<1x1x8x128xf32, #tpu.memory_space<hbm>>
      %dma_start3A_362 = tpu.memref_squeeze %dma_start3A_361 : memref<1x1x8x128xf32, #tpu.memory_space<hbm>> -> memref<8x128xf32, #tpu.memory_space<hbm>>
      %dma_start3A_363 = arith.constant 0 : i32
      %dma_start3A_364 = arith.constant 0 : i32
      %dma_start3A_365 = tpu.memref_slice %arg5[%dma_start3A_355, %add3A_47, %dma_start3A_363, %dma_start3A_364] : memref<24x512x8x128xf32, #tpu.memory_space<hbm>> -> memref<1x1x8x128xf32, #tpu.memory_space<hbm>>
      %dma_start3A_366 = tpu.memref_squeeze %dma_start3A_365 : memref<1x1x8x128xf32, #tpu.memory_space<hbm>> -> memref<8x128xf32, #tpu.memory_space<hbm>>
      %dma_start3A_367 = arith.constant 160 : i32
      %dma_start3A_368 = arith.constant 0 : i32
      %dma_start3A_369 = tpu.memref_slice %arg16[%dma_start3A_367, %dma_start3A_368] : memref<192x128xf32, #tpu.memory_space<vmem>> -> memref<8x128xf32, #tpu.memory_space<vmem>>
      tpu.enqueue_dma source(%dma_start3A_369 : memref<8x128xf32, #tpu.memory_space<vmem>>) target(%dma_start3A_366 : memref<8x128xf32, #tpu.memory_space<hbm>>) target_semaphore(%arg17 : memref<!tpu.dma_semaphore, #tpu.memory_space<semaphore_mem>>)
      %dma_start3A_370 = arith.constant 21 : i32
      %dma_start3A_371 = arith.constant 168 : i32
      %dma_start3A_372 = arith.constant 0 : i32
      %dma_start3A_373 = tpu.memref_slice %arg16[%dma_start3A_371, %dma_start3A_372] : memref<192x128xf32, #tpu.memory_space<vmem>> -> memref<8x128xf32, #tpu.memory_space<vmem>>
      %dma_start3A_374 = arith.constant 0 : i32
      %dma_start3A_375 = arith.constant 0 : i32
      %dma_start3A_376 = tpu.memref_slice %arg5[%dma_start3A_370, %add3A_47, %dma_start3A_374, %dma_start3A_375] : memref<24x512x8x128xf32, #tpu.memory_space<hbm>> -> memref<1x1x8x128xf32, #tpu.memory_space<hbm>>
      %dma_start3A_377 = tpu.memref_squeeze %dma_start3A_376 : memref<1x1x8x128xf32, #tpu.memory_space<hbm>> -> memref<8x128xf32, #tpu.memory_space<hbm>>
      %dma_start3A_378 = arith.constant 0 : i32
      %dma_start3A_379 = arith.constant 0 : i32
      %dma_start3A_380 = tpu.memref_slice %arg5[%dma_start3A_370, %add3A_47, %dma_start3A_378, %dma_start3A_379] : memref<24x512x8x128xf32, #tpu.memory_space<hbm>> -> memref<1x1x8x128xf32, #tpu.memory_space<hbm>>
      %dma_start3A_381 = tpu.memref_squeeze %dma_start3A_380 : memref<1x1x8x128xf32, #tpu.memory_space<hbm>> -> memref<8x128xf32, #tpu.memory_space<hbm>>
      %dma_start3A_382 = arith.constant 168 : i32
      %dma_start3A_383 = arith.constant 0 : i32
      %dma_start3A_384 = tpu.memref_slice %arg16[%dma_start3A_382, %dma_start3A_383] : memref<192x128xf32, #tpu.memory_space<vmem>> -> memref<8x128xf32, #tpu.memory_space<vmem>>
      tpu.enqueue_dma source(%dma_start3A_384 : memref<8x128xf32, #tpu.memory_space<vmem>>) target(%dma_start3A_381 : memref<8x128xf32, #tpu.memory_space<hbm>>) target_semaphore(%arg17 : memref<!tpu.dma_semaphore, #tpu.memory_space<semaphore_mem>>)
      %dma_start3A_385 = arith.constant 22 : i32
      %dma_start3A_386 = arith.constant 176 : i32
      %dma_start3A_387 = arith.constant 0 : i32
      %dma_start3A_388 = tpu.memref_slice %arg16[%dma_start3A_386, %dma_start3A_387] : memref<192x128xf32, #tpu.memory_space<vmem>> -> memref<8x128xf32, #tpu.memory_space<vmem>>
      %dma_start3A_389 = arith.constant 0 : i32
      %dma_start3A_390 = arith.constant 0 : i32
      %dma_start3A_391 = tpu.memref_slice %arg5[%dma_start3A_385, %add3A_47, %dma_start3A_389, %dma_start3A_390] : memref<24x512x8x128xf32, #tpu.memory_space<hbm>> -> memref<1x1x8x128xf32, #tpu.memory_space<hbm>>
      %dma_start3A_392 = tpu.memref_squeeze %dma_start3A_391 : memref<1x1x8x128xf32, #tpu.memory_space<hbm>> -> memref<8x128xf32, #tpu.memory_space<hbm>>
      %dma_start3A_393 = arith.constant 0 : i32
      %dma_start3A_394 = arith.constant 0 : i32
      %dma_start3A_395 = tpu.memref_slice %arg5[%dma_start3A_385, %add3A_47, %dma_start3A_393, %dma_start3A_394] : memref<24x512x8x128xf32, #tpu.memory_space<hbm>> -> memref<1x1x8x128xf32, #tpu.memory_space<hbm>>
      %dma_start3A_396 = tpu.memref_squeeze %dma_start3A_395 : memref<1x1x8x128xf32, #tpu.memory_space<hbm>> -> memref<8x128xf32, #tpu.memory_space<hbm>>
      %dma_start3A_397 = arith.constant 176 : i32
      %dma_start3A_398 = arith.constant 0 : i32
      %dma_start3A_399 = tpu.memref_slice %arg16[%dma_start3A_397, %dma_start3A_398] : memref<192x128xf32, #tpu.memory_space<vmem>> -> memref<8x128xf32, #tpu.memory_space<vmem>>
      tpu.enqueue_dma source(%dma_start3A_399 : memref<8x128xf32, #tpu.memory_space<vmem>>) target(%dma_start3A_396 : memref<8x128xf32, #tpu.memory_space<hbm>>) target_semaphore(%arg17 : memref<!tpu.dma_semaphore, #tpu.memory_space<semaphore_mem>>)
      %dma_start3A_400 = arith.constant 23 : i32
      %dma_start3A_401 = arith.constant 184 : i32
      %dma_start3A_402 = arith.constant 0 : i32
      %dma_start3A_403 = tpu.memref_slice %arg16[%dma_start3A_401, %dma_start3A_402] : memref<192x128xf32, #tpu.memory_space<vmem>> -> memref<8x128xf32, #tpu.memory_space<vmem>>
      %dma_start3A_404 = arith.constant 0 : i32
      %dma_start3A_405 = arith.constant 0 : i32
      %dma_start3A_406 = tpu.memref_slice %arg5[%dma_start3A_400, %add3A_47, %dma_start3A_404, %dma_start3A_405] : memref<24x512x8x128xf32, #tpu.memory_space<hbm>> -> memref<1x1x8x128xf32, #tpu.memory_space<hbm>>
      %dma_start3A_407 = tpu.memref_squeeze %dma_start3A_406 : memref<1x1x8x128xf32, #tpu.memory_space<hbm>> -> memref<8x128xf32, #tpu.memory_space<hbm>>
      %dma_start3A_408 = arith.constant 0 : i32
      %dma_start3A_409 = arith.constant 0 : i32
      %dma_start3A_410 = tpu.memref_slice %arg5[%dma_start3A_400, %add3A_47, %dma_start3A_408, %dma_start3A_409] : memref<24x512x8x128xf32, #tpu.memory_space<hbm>> -> memref<1x1x8x128xf32, #tpu.memory_space<hbm>>
      %dma_start3A_411 = tpu.memref_squeeze %dma_start3A_410 : memref<1x1x8x128xf32, #tpu.memory_space<hbm>> -> memref<8x128xf32, #tpu.memory_space<hbm>>
      %dma_start3A_412 = arith.constant 184 : i32
      %dma_start3A_413 = arith.constant 0 : i32
      %dma_start3A_414 = tpu.memref_slice %arg16[%dma_start3A_412, %dma_start3A_413] : memref<192x128xf32, #tpu.memory_space<vmem>> -> memref<8x128xf32, #tpu.memory_space<vmem>>
      tpu.enqueue_dma source(%dma_start3A_414 : memref<8x128xf32, #tpu.memory_space<vmem>>) target(%dma_start3A_411 : memref<8x128xf32, #tpu.memory_space<hbm>>) target_semaphore(%arg17 : memref<!tpu.dma_semaphore, #tpu.memory_space<semaphore_mem>>)
      %dma_wait3A = arith.constant 0 : i32
      %dma_wait3A_415 = arith.constant 0 : i32
      %dma_wait3A_416 = arith.constant 0 : i32
      %dma_wait3A_417 = tpu.memref_slice %arg16[%dma_wait3A_415, %dma_wait3A_416] : memref<192x128xf32, #tpu.memory_space<vmem>> -> memref<8x128xf32, #tpu.memory_space<vmem>>
      %dma_wait3A_418 = arith.constant 0 : i32
      %dma_wait3A_419 = arith.constant 0 : i32
      %dma_wait3A_420 = tpu.memref_slice %arg5[%dma_wait3A, %add3A_47, %dma_wait3A_418, %dma_wait3A_419] : memref<24x512x8x128xf32, #tpu.memory_space<hbm>> -> memref<1x1x8x128xf32, #tpu.memory_space<hbm>>
      %dma_wait3A_421 = tpu.memref_squeeze %dma_wait3A_420 : memref<1x1x8x128xf32, #tpu.memory_space<hbm>> -> memref<8x128xf32, #tpu.memory_space<hbm>>
      %dma_wait3A_422 = arith.constant 0 : i32
      %dma_wait3A_423 = arith.constant 0 : i32
      %dma_wait3A_424 = tpu.memref_slice %arg5[%dma_wait3A, %add3A_47, %dma_wait3A_422, %dma_wait3A_423] : memref<24x512x8x128xf32, #tpu.memory_space<hbm>> -> memref<1x1x8x128xf32, #tpu.memory_space<hbm>>
      %dma_wait3A_425 = tpu.memref_squeeze %dma_wait3A_424 : memref<1x1x8x128xf32, #tpu.memory_space<hbm>> -> memref<8x128xf32, #tpu.memory_space<hbm>>
      %dma_wait3A_426 = arith.constant 0 : i32
      %dma_wait3A_427 = arith.constant 0 : i32
      %dma_wait3A_428 = tpu.memref_slice %arg16[%dma_wait3A_426, %dma_wait3A_427] : memref<192x128xf32, #tpu.memory_space<vmem>> -> memref<8x128xf32, #tpu.memory_space<vmem>>
      tpu.wait_dma2 semaphore(%arg17 : memref<!tpu.dma_semaphore, #tpu.memory_space<semaphore_mem>>) src(%dma_wait3A_428 : memref<8x128xf32, #tpu.memory_space<vmem>>) dst(%dma_wait3A_425 : memref<8x128xf32, #tpu.memory_space<hbm>>)
      %dma_wait3A_429 = arith.constant 1 : i32
      %dma_wait3A_430 = arith.constant 8 : i32
      %dma_wait3A_431 = arith.constant 0 : i32
      %dma_wait3A_432 = tpu.memref_slice %arg16[%dma_wait3A_430, %dma_wait3A_431] : memref<192x128xf32, #tpu.memory_space<vmem>> -> memref<8x128xf32, #tpu.memory_space<vmem>>
      %dma_wait3A_433 = arith.constant 0 : i32
      %dma_wait3A_434 = arith.constant 0 : i32
      %dma_wait3A_435 = tpu.memref_slice %arg5[%dma_wait3A_429, %add3A_47, %dma_wait3A_433, %dma_wait3A_434] : memref<24x512x8x128xf32, #tpu.memory_space<hbm>> -> memref<1x1x8x128xf32, #tpu.memory_space<hbm>>
      %dma_wait3A_436 = tpu.memref_squeeze %dma_wait3A_435 : memref<1x1x8x128xf32, #tpu.memory_space<hbm>> -> memref<8x128xf32, #tpu.memory_space<hbm>>
      %dma_wait3A_437 = arith.constant 0 : i32
      %dma_wait3A_438 = arith.constant 0 : i32
      %dma_wait3A_439 = tpu.memref_slice %arg5[%dma_wait3A_429, %add3A_47, %dma_wait3A_437, %dma_wait3A_438] : memref<24x512x8x128xf32, #tpu.memory_space<hbm>> -> memref<1x1x8x128xf32, #tpu.memory_space<hbm>>
      %dma_wait3A_440 = tpu.memref_squeeze %dma_wait3A_439 : memref<1x1x8x128xf32, #tpu.memory_space<hbm>> -> memref<8x128xf32, #tpu.memory_space<hbm>>
      %dma_wait3A_441 = arith.constant 8 : i32
      %dma_wait3A_442 = arith.constant 0 : i32
      %dma_wait3A_443 = tpu.memref_slice %arg16[%dma_wait3A_441, %dma_wait3A_442] : memref<192x128xf32, #tpu.memory_space<vmem>> -> memref<8x128xf32, #tpu.memory_space<vmem>>
      tpu.wait_dma2 semaphore(%arg17 : memref<!tpu.dma_semaphore, #tpu.memory_space<semaphore_mem>>) src(%dma_wait3A_443 : memref<8x128xf32, #tpu.memory_space<vmem>>) dst(%dma_wait3A_440 : memref<8x128xf32, #tpu.memory_space<hbm>>)
      %dma_wait3A_444 = arith.constant 2 : i32
      %dma_wait3A_445 = arith.constant 16 : i32
      %dma_wait3A_446 = arith.constant 0 : i32
      %dma_wait3A_447 = tpu.memref_slice %arg16[%dma_wait3A_445, %dma_wait3A_446] : memref<192x128xf32, #tpu.memory_space<vmem>> -> memref<8x128xf32, #tpu.memory_space<vmem>>
      %dma_wait3A_448 = arith.constant 0 : i32
      %dma_wait3A_449 = arith.constant 0 : i32
      %dma_wait3A_450 = tpu.memref_slice %arg5[%dma_wait3A_444, %add3A_47, %dma_wait3A_448, %dma_wait3A_449] : memref<24x512x8x128xf32, #tpu.memory_space<hbm>> -> memref<1x1x8x128xf32, #tpu.memory_space<hbm>>
      %dma_wait3A_451 = tpu.memref_squeeze %dma_wait3A_450 : memref<1x1x8x128xf32, #tpu.memory_space<hbm>> -> memref<8x128xf32, #tpu.memory_space<hbm>>
      %dma_wait3A_452 = arith.constant 0 : i32
      %dma_wait3A_453 = arith.constant 0 : i32
      %dma_wait3A_454 = tpu.memref_slice %arg5[%dma_wait3A_444, %add3A_47, %dma_wait3A_452, %dma_wait3A_453] : memref<24x512x8x128xf32, #tpu.memory_space<hbm>> -> memref<1x1x8x128xf32, #tpu.memory_space<hbm>>
      %dma_wait3A_455 = tpu.memref_squeeze %dma_wait3A_454 : memref<1x1x8x128xf32, #tpu.memory_space<hbm>> -> memref<8x128xf32, #tpu.memory_space<hbm>>
      %dma_wait3A_456 = arith.constant 16 : i32
      %dma_wait3A_457 = arith.constant 0 : i32
      %dma_wait3A_458 = tpu.memref_slice %arg16[%dma_wait3A_456, %dma_wait3A_457] : memref<192x128xf32, #tpu.memory_space<vmem>> -> memref<8x128xf32, #tpu.memory_space<vmem>>
      tpu.wait_dma2 semaphore(%arg17 : memref<!tpu.dma_semaphore, #tpu.memory_space<semaphore_mem>>) src(%dma_wait3A_458 : memref<8x128xf32, #tpu.memory_space<vmem>>) dst(%dma_wait3A_455 : memref<8x128xf32, #tpu.memory_space<hbm>>)
      %dma_wait3A_459 = arith.constant 3 : i32
      %dma_wait3A_460 = arith.constant 24 : i32
      %dma_wait3A_461 = arith.constant 0 : i32
      %dma_wait3A_462 = tpu.memref_slice %arg16[%dma_wait3A_460, %dma_wait3A_461] : memref<192x128xf32, #tpu.memory_space<vmem>> -> memref<8x128xf32, #tpu.memory_space<vmem>>
      %dma_wait3A_463 = arith.constant 0 : i32
      %dma_wait3A_464 = arith.constant 0 : i32
      %dma_wait3A_465 = tpu.memref_slice %arg5[%dma_wait3A_459, %add3A_47, %dma_wait3A_463, %dma_wait3A_464] : memref<24x512x8x128xf32, #tpu.memory_space<hbm>> -> memref<1x1x8x128xf32, #tpu.memory_space<hbm>>
      %dma_wait3A_466 = tpu.memref_squeeze %dma_wait3A_465 : memref<1x1x8x128xf32, #tpu.memory_space<hbm>> -> memref<8x128xf32, #tpu.memory_space<hbm>>
      %dma_wait3A_467 = arith.constant 0 : i32
      %dma_wait3A_468 = arith.constant 0 : i32
      %dma_wait3A_469 = tpu.memref_slice %arg5[%dma_wait3A_459, %add3A_47, %dma_wait3A_467, %dma_wait3A_468] : memref<24x512x8x128xf32, #tpu.memory_space<hbm>> -> memref<1x1x8x128xf32, #tpu.memory_space<hbm>>
      %dma_wait3A_470 = tpu.memref_squeeze %dma_wait3A_469 : memref<1x1x8x128xf32, #tpu.memory_space<hbm>> -> memref<8x128xf32, #tpu.memory_space<hbm>>
      %dma_wait3A_471 = arith.constant 24 : i32
      %dma_wait3A_472 = arith.constant 0 : i32
      %dma_wait3A_473 = tpu.memref_slice %arg16[%dma_wait3A_471, %dma_wait3A_472] : memref<192x128xf32, #tpu.memory_space<vmem>> -> memref<8x128xf32, #tpu.memory_space<vmem>>
      tpu.wait_dma2 semaphore(%arg17 : memref<!tpu.dma_semaphore, #tpu.memory_space<semaphore_mem>>) src(%dma_wait3A_473 : memref<8x128xf32, #tpu.memory_space<vmem>>) dst(%dma_wait3A_470 : memref<8x128xf32, #tpu.memory_space<hbm>>)
      %dma_wait3A_474 = arith.constant 4 : i32
      %dma_wait3A_475 = arith.constant 32 : i32
      %dma_wait3A_476 = arith.constant 0 : i32
      %dma_wait3A_477 = tpu.memref_slice %arg16[%dma_wait3A_475, %dma_wait3A_476] : memref<192x128xf32, #tpu.memory_space<vmem>> -> memref<8x128xf32, #tpu.memory_space<vmem>>
      %dma_wait3A_478 = arith.constant 0 : i32
      %dma_wait3A_479 = arith.constant 0 : i32
      %dma_wait3A_480 = tpu.memref_slice %arg5[%dma_wait3A_474, %add3A_47, %dma_wait3A_478, %dma_wait3A_479] : memref<24x512x8x128xf32, #tpu.memory_space<hbm>> -> memref<1x1x8x128xf32, #tpu.memory_space<hbm>>
      %dma_wait3A_481 = tpu.memref_squeeze %dma_wait3A_480 : memref<1x1x8x128xf32, #tpu.memory_space<hbm>> -> memref<8x128xf32, #tpu.memory_space<hbm>>
      %dma_wait3A_482 = arith.constant 0 : i32
      %dma_wait3A_483 = arith.constant 0 : i32
      %dma_wait3A_484 = tpu.memref_slice %arg5[%dma_wait3A_474, %add3A_47, %dma_wait3A_482, %dma_wait3A_483] : memref<24x512x8x128xf32, #tpu.memory_space<hbm>> -> memref<1x1x8x128xf32, #tpu.memory_space<hbm>>
      %dma_wait3A_485 = tpu.memref_squeeze %dma_wait3A_484 : memref<1x1x8x128xf32, #tpu.memory_space<hbm>> -> memref<8x128xf32, #tpu.memory_space<hbm>>
      %dma_wait3A_486 = arith.constant 32 : i32
      %dma_wait3A_487 = arith.constant 0 : i32
      %dma_wait3A_488 = tpu.memref_slice %arg16[%dma_wait3A_486, %dma_wait3A_487] : memref<192x128xf32, #tpu.memory_space<vmem>> -> memref<8x128xf32, #tpu.memory_space<vmem>>
      tpu.wait_dma2 semaphore(%arg17 : memref<!tpu.dma_semaphore, #tpu.memory_space<semaphore_mem>>) src(%dma_wait3A_488 : memref<8x128xf32, #tpu.memory_space<vmem>>) dst(%dma_wait3A_485 : memref<8x128xf32, #tpu.memory_space<hbm>>)
      %dma_wait3A_489 = arith.constant 5 : i32
      %dma_wait3A_490 = arith.constant 40 : i32
      %dma_wait3A_491 = arith.constant 0 : i32
      %dma_wait3A_492 = tpu.memref_slice %arg16[%dma_wait3A_490, %dma_wait3A_491] : memref<192x128xf32, #tpu.memory_space<vmem>> -> memref<8x128xf32, #tpu.memory_space<vmem>>
      %dma_wait3A_493 = arith.constant 0 : i32
      %dma_wait3A_494 = arith.constant 0 : i32
      %dma_wait3A_495 = tpu.memref_slice %arg5[%dma_wait3A_489, %add3A_47, %dma_wait3A_493, %dma_wait3A_494] : memref<24x512x8x128xf32, #tpu.memory_space<hbm>> -> memref<1x1x8x128xf32, #tpu.memory_space<hbm>>
      %dma_wait3A_496 = tpu.memref_squeeze %dma_wait3A_495 : memref<1x1x8x128xf32, #tpu.memory_space<hbm>> -> memref<8x128xf32, #tpu.memory_space<hbm>>
      %dma_wait3A_497 = arith.constant 0 : i32
      %dma_wait3A_498 = arith.constant 0 : i32
      %dma_wait3A_499 = tpu.memref_slice %arg5[%dma_wait3A_489, %add3A_47, %dma_wait3A_497, %dma_wait3A_498] : memref<24x512x8x128xf32, #tpu.memory_space<hbm>> -> memref<1x1x8x128xf32, #tpu.memory_space<hbm>>
      %dma_wait3A_500 = tpu.memref_squeeze %dma_wait3A_499 : memref<1x1x8x128xf32, #tpu.memory_space<hbm>> -> memref<8x128xf32, #tpu.memory_space<hbm>>
      %dma_wait3A_501 = arith.constant 40 : i32
      %dma_wait3A_502 = arith.constant 0 : i32
      %dma_wait3A_503 = tpu.memref_slice %arg16[%dma_wait3A_501, %dma_wait3A_502] : memref<192x128xf32, #tpu.memory_space<vmem>> -> memref<8x128xf32, #tpu.memory_space<vmem>>
      tpu.wait_dma2 semaphore(%arg17 : memref<!tpu.dma_semaphore, #tpu.memory_space<semaphore_mem>>) src(%dma_wait3A_503 : memref<8x128xf32, #tpu.memory_space<vmem>>) dst(%dma_wait3A_500 : memref<8x128xf32, #tpu.memory_space<hbm>>)
      %dma_wait3A_504 = arith.constant 6 : i32
      %dma_wait3A_505 = arith.constant 48 : i32
      %dma_wait3A_506 = arith.constant 0 : i32
      %dma_wait3A_507 = tpu.memref_slice %arg16[%dma_wait3A_505, %dma_wait3A_506] : memref<192x128xf32, #tpu.memory_space<vmem>> -> memref<8x128xf32, #tpu.memory_space<vmem>>
      %dma_wait3A_508 = arith.constant 0 : i32
      %dma_wait3A_509 = arith.constant 0 : i32
      %dma_wait3A_510 = tpu.memref_slice %arg5[%dma_wait3A_504, %add3A_47, %dma_wait3A_508, %dma_wait3A_509] : memref<24x512x8x128xf32, #tpu.memory_space<hbm>> -> memref<1x1x8x128xf32, #tpu.memory_space<hbm>>
      %dma_wait3A_511 = tpu.memref_squeeze %dma_wait3A_510 : memref<1x1x8x128xf32, #tpu.memory_space<hbm>> -> memref<8x128xf32, #tpu.memory_space<hbm>>
      %dma_wait3A_512 = arith.constant 0 : i32
      %dma_wait3A_513 = arith.constant 0 : i32
      %dma_wait3A_514 = tpu.memref_slice %arg5[%dma_wait3A_504, %add3A_47, %dma_wait3A_512, %dma_wait3A_513] : memref<24x512x8x128xf32, #tpu.memory_space<hbm>> -> memref<1x1x8x128xf32, #tpu.memory_space<hbm>>
      %dma_wait3A_515 = tpu.memref_squeeze %dma_wait3A_514 : memref<1x1x8x128xf32, #tpu.memory_space<hbm>> -> memref<8x128xf32, #tpu.memory_space<hbm>>
      %dma_wait3A_516 = arith.constant 48 : i32
      %dma_wait3A_517 = arith.constant 0 : i32
      %dma_wait3A_518 = tpu.memref_slice %arg16[%dma_wait3A_516, %dma_wait3A_517] : memref<192x128xf32, #tpu.memory_space<vmem>> -> memref<8x128xf32, #tpu.memory_space<vmem>>
      tpu.wait_dma2 semaphore(%arg17 : memref<!tpu.dma_semaphore, #tpu.memory_space<semaphore_mem>>) src(%dma_wait3A_518 : memref<8x128xf32, #tpu.memory_space<vmem>>) dst(%dma_wait3A_515 : memref<8x128xf32, #tpu.memory_space<hbm>>)
      %dma_wait3A_519 = arith.constant 7 : i32
      %dma_wait3A_520 = arith.constant 56 : i32
      %dma_wait3A_521 = arith.constant 0 : i32
      %dma_wait3A_522 = tpu.memref_slice %arg16[%dma_wait3A_520, %dma_wait3A_521] : memref<192x128xf32, #tpu.memory_space<vmem>> -> memref<8x128xf32, #tpu.memory_space<vmem>>
      %dma_wait3A_523 = arith.constant 0 : i32
      %dma_wait3A_524 = arith.constant 0 : i32
      %dma_wait3A_525 = tpu.memref_slice %arg5[%dma_wait3A_519, %add3A_47, %dma_wait3A_523, %dma_wait3A_524] : memref<24x512x8x128xf32, #tpu.memory_space<hbm>> -> memref<1x1x8x128xf32, #tpu.memory_space<hbm>>
      %dma_wait3A_526 = tpu.memref_squeeze %dma_wait3A_525 : memref<1x1x8x128xf32, #tpu.memory_space<hbm>> -> memref<8x128xf32, #tpu.memory_space<hbm>>
      %dma_wait3A_527 = arith.constant 0 : i32
      %dma_wait3A_528 = arith.constant 0 : i32
      %dma_wait3A_529 = tpu.memref_slice %arg5[%dma_wait3A_519, %add3A_47, %dma_wait3A_527, %dma_wait3A_528] : memref<24x512x8x128xf32, #tpu.memory_space<hbm>> -> memref<1x1x8x128xf32, #tpu.memory_space<hbm>>
      %dma_wait3A_530 = tpu.memref_squeeze %dma_wait3A_529 : memref<1x1x8x128xf32, #tpu.memory_space<hbm>> -> memref<8x128xf32, #tpu.memory_space<hbm>>
      %dma_wait3A_531 = arith.constant 56 : i32
      %dma_wait3A_532 = arith.constant 0 : i32
      %dma_wait3A_533 = tpu.memref_slice %arg16[%dma_wait3A_531, %dma_wait3A_532] : memref<192x128xf32, #tpu.memory_space<vmem>> -> memref<8x128xf32, #tpu.memory_space<vmem>>
      tpu.wait_dma2 semaphore(%arg17 : memref<!tpu.dma_semaphore, #tpu.memory_space<semaphore_mem>>) src(%dma_wait3A_533 : memref<8x128xf32, #tpu.memory_space<vmem>>) dst(%dma_wait3A_530 : memref<8x128xf32, #tpu.memory_space<hbm>>)
      %dma_wait3A_534 = arith.constant 8 : i32
      %dma_wait3A_535 = arith.constant 64 : i32
      %dma_wait3A_536 = arith.constant 0 : i32
      %dma_wait3A_537 = tpu.memref_slice %arg16[%dma_wait3A_535, %dma_wait3A_536] : memref<192x128xf32, #tpu.memory_space<vmem>> -> memref<8x128xf32, #tpu.memory_space<vmem>>
      %dma_wait3A_538 = arith.constant 0 : i32
      %dma_wait3A_539 = arith.constant 0 : i32
      %dma_wait3A_540 = tpu.memref_slice %arg5[%dma_wait3A_534, %add3A_47, %dma_wait3A_538, %dma_wait3A_539] : memref<24x512x8x128xf32, #tpu.memory_space<hbm>> -> memref<1x1x8x128xf32, #tpu.memory_space<hbm>>
      %dma_wait3A_541 = tpu.memref_squeeze %dma_wait3A_540 : memref<1x1x8x128xf32, #tpu.memory_space<hbm>> -> memref<8x128xf32, #tpu.memory_space<hbm>>
      %dma_wait3A_542 = arith.constant 0 : i32
      %dma_wait3A_543 = arith.constant 0 : i32
      %dma_wait3A_544 = tpu.memref_slice %arg5[%dma_wait3A_534, %add3A_47, %dma_wait3A_542, %dma_wait3A_543] : memref<24x512x8x128xf32, #tpu.memory_space<hbm>> -> memref<1x1x8x128xf32, #tpu.memory_space<hbm>>
      %dma_wait3A_545 = tpu.memref_squeeze %dma_wait3A_544 : memref<1x1x8x128xf32, #tpu.memory_space<hbm>> -> memref<8x128xf32, #tpu.memory_space<hbm>>
      %dma_wait3A_546 = arith.constant 64 : i32
      %dma_wait3A_547 = arith.constant 0 : i32
      %dma_wait3A_548 = tpu.memref_slice %arg16[%dma_wait3A_546, %dma_wait3A_547] : memref<192x128xf32, #tpu.memory_space<vmem>> -> memref<8x128xf32, #tpu.memory_space<vmem>>
      tpu.wait_dma2 semaphore(%arg17 : memref<!tpu.dma_semaphore, #tpu.memory_space<semaphore_mem>>) src(%dma_wait3A_548 : memref<8x128xf32, #tpu.memory_space<vmem>>) dst(%dma_wait3A_545 : memref<8x128xf32, #tpu.memory_space<hbm>>)
      %dma_wait3A_549 = arith.constant 9 : i32
      %dma_wait3A_550 = arith.constant 72 : i32
      %dma_wait3A_551 = arith.constant 0 : i32
      %dma_wait3A_552 = tpu.memref_slice %arg16[%dma_wait3A_550, %dma_wait3A_551] : memref<192x128xf32, #tpu.memory_space<vmem>> -> memref<8x128xf32, #tpu.memory_space<vmem>>
      %dma_wait3A_553 = arith.constant 0 : i32
      %dma_wait3A_554 = arith.constant 0 : i32
      %dma_wait3A_555 = tpu.memref_slice %arg5[%dma_wait3A_549, %add3A_47, %dma_wait3A_553, %dma_wait3A_554] : memref<24x512x8x128xf32, #tpu.memory_space<hbm>> -> memref<1x1x8x128xf32, #tpu.memory_space<hbm>>
      %dma_wait3A_556 = tpu.memref_squeeze %dma_wait3A_555 : memref<1x1x8x128xf32, #tpu.memory_space<hbm>> -> memref<8x128xf32, #tpu.memory_space<hbm>>
      %dma_wait3A_557 = arith.constant 0 : i32
      %dma_wait3A_558 = arith.constant 0 : i32
      %dma_wait3A_559 = tpu.memref_slice %arg5[%dma_wait3A_549, %add3A_47, %dma_wait3A_557, %dma_wait3A_558] : memref<24x512x8x128xf32, #tpu.memory_space<hbm>> -> memref<1x1x8x128xf32, #tpu.memory_space<hbm>>
      %dma_wait3A_560 = tpu.memref_squeeze %dma_wait3A_559 : memref<1x1x8x128xf32, #tpu.memory_space<hbm>> -> memref<8x128xf32, #tpu.memory_space<hbm>>
      %dma_wait3A_561 = arith.constant 72 : i32
      %dma_wait3A_562 = arith.constant 0 : i32
      %dma_wait3A_563 = tpu.memref_slice %arg16[%dma_wait3A_561, %dma_wait3A_562] : memref<192x128xf32, #tpu.memory_space<vmem>> -> memref<8x128xf32, #tpu.memory_space<vmem>>
      tpu.wait_dma2 semaphore(%arg17 : memref<!tpu.dma_semaphore, #tpu.memory_space<semaphore_mem>>) src(%dma_wait3A_563 : memref<8x128xf32, #tpu.memory_space<vmem>>) dst(%dma_wait3A_560 : memref<8x128xf32, #tpu.memory_space<hbm>>)
      %dma_wait3A_564 = arith.constant 10 : i32
      %dma_wait3A_565 = arith.constant 80 : i32
      %dma_wait3A_566 = arith.constant 0 : i32
      %dma_wait3A_567 = tpu.memref_slice %arg16[%dma_wait3A_565, %dma_wait3A_566] : memref<192x128xf32, #tpu.memory_space<vmem>> -> memref<8x128xf32, #tpu.memory_space<vmem>>
      %dma_wait3A_568 = arith.constant 0 : i32
      %dma_wait3A_569 = arith.constant 0 : i32
      %dma_wait3A_570 = tpu.memref_slice %arg5[%dma_wait3A_564, %add3A_47, %dma_wait3A_568, %dma_wait3A_569] : memref<24x512x8x128xf32, #tpu.memory_space<hbm>> -> memref<1x1x8x128xf32, #tpu.memory_space<hbm>>
      %dma_wait3A_571 = tpu.memref_squeeze %dma_wait3A_570 : memref<1x1x8x128xf32, #tpu.memory_space<hbm>> -> memref<8x128xf32, #tpu.memory_space<hbm>>
      %dma_wait3A_572 = arith.constant 0 : i32
      %dma_wait3A_573 = arith.constant 0 : i32
      %dma_wait3A_574 = tpu.memref_slice %arg5[%dma_wait3A_564, %add3A_47, %dma_wait3A_572, %dma_wait3A_573] : memref<24x512x8x128xf32, #tpu.memory_space<hbm>> -> memref<1x1x8x128xf32, #tpu.memory_space<hbm>>
      %dma_wait3A_575 = tpu.memref_squeeze %dma_wait3A_574 : memref<1x1x8x128xf32, #tpu.memory_space<hbm>> -> memref<8x128xf32, #tpu.memory_space<hbm>>
      %dma_wait3A_576 = arith.constant 80 : i32
      %dma_wait3A_577 = arith.constant 0 : i32
      %dma_wait3A_578 = tpu.memref_slice %arg16[%dma_wait3A_576, %dma_wait3A_577] : memref<192x128xf32, #tpu.memory_space<vmem>> -> memref<8x128xf32, #tpu.memory_space<vmem>>
      tpu.wait_dma2 semaphore(%arg17 : memref<!tpu.dma_semaphore, #tpu.memory_space<semaphore_mem>>) src(%dma_wait3A_578 : memref<8x128xf32, #tpu.memory_space<vmem>>) dst(%dma_wait3A_575 : memref<8x128xf32, #tpu.memory_space<hbm>>)
      %dma_wait3A_579 = arith.constant 11 : i32
      %dma_wait3A_580 = arith.constant 88 : i32
      %dma_wait3A_581 = arith.constant 0 : i32
      %dma_wait3A_582 = tpu.memref_slice %arg16[%dma_wait3A_580, %dma_wait3A_581] : memref<192x128xf32, #tpu.memory_space<vmem>> -> memref<8x128xf32, #tpu.memory_space<vmem>>
      %dma_wait3A_583 = arith.constant 0 : i32
      %dma_wait3A_584 = arith.constant 0 : i32
      %dma_wait3A_585 = tpu.memref_slice %arg5[%dma_wait3A_579, %add3A_47, %dma_wait3A_583, %dma_wait3A_584] : memref<24x512x8x128xf32, #tpu.memory_space<hbm>> -> memref<1x1x8x128xf32, #tpu.memory_space<hbm>>
      %dma_wait3A_586 = tpu.memref_squeeze %dma_wait3A_585 : memref<1x1x8x128xf32, #tpu.memory_space<hbm>> -> memref<8x128xf32, #tpu.memory_space<hbm>>
      %dma_wait3A_587 = arith.constant 0 : i32
      %dma_wait3A_588 = arith.constant 0 : i32
      %dma_wait3A_589 = tpu.memref_slice %arg5[%dma_wait3A_579, %add3A_47, %dma_wait3A_587, %dma_wait3A_588] : memref<24x512x8x128xf32, #tpu.memory_space<hbm>> -> memref<1x1x8x128xf32, #tpu.memory_space<hbm>>
      %dma_wait3A_590 = tpu.memref_squeeze %dma_wait3A_589 : memref<1x1x8x128xf32, #tpu.memory_space<hbm>> -> memref<8x128xf32, #tpu.memory_space<hbm>>
      %dma_wait3A_591 = arith.constant 88 : i32
      %dma_wait3A_592 = arith.constant 0 : i32
      %dma_wait3A_593 = tpu.memref_slice %arg16[%dma_wait3A_591, %dma_wait3A_592] : memref<192x128xf32, #tpu.memory_space<vmem>> -> memref<8x128xf32, #tpu.memory_space<vmem>>
      tpu.wait_dma2 semaphore(%arg17 : memref<!tpu.dma_semaphore, #tpu.memory_space<semaphore_mem>>) src(%dma_wait3A_593 : memref<8x128xf32, #tpu.memory_space<vmem>>) dst(%dma_wait3A_590 : memref<8x128xf32, #tpu.memory_space<hbm>>)
      %dma_wait3A_594 = arith.constant 12 : i32
      %dma_wait3A_595 = arith.constant 96 : i32
      %dma_wait3A_596 = arith.constant 0 : i32
      %dma_wait3A_597 = tpu.memref_slice %arg16[%dma_wait3A_595, %dma_wait3A_596] : memref<192x128xf32, #tpu.memory_space<vmem>> -> memref<8x128xf32, #tpu.memory_space<vmem>>
      %dma_wait3A_598 = arith.constant 0 : i32
      %dma_wait3A_599 = arith.constant 0 : i32
      %dma_wait3A_600 = tpu.memref_slice %arg5[%dma_wait3A_594, %add3A_47, %dma_wait3A_598, %dma_wait3A_599] : memref<24x512x8x128xf32, #tpu.memory_space<hbm>> -> memref<1x1x8x128xf32, #tpu.memory_space<hbm>>
      %dma_wait3A_601 = tpu.memref_squeeze %dma_wait3A_600 : memref<1x1x8x128xf32, #tpu.memory_space<hbm>> -> memref<8x128xf32, #tpu.memory_space<hbm>>
      %dma_wait3A_602 = arith.constant 0 : i32
      %dma_wait3A_603 = arith.constant 0 : i32
      %dma_wait3A_604 = tpu.memref_slice %arg5[%dma_wait3A_594, %add3A_47, %dma_wait3A_602, %dma_wait3A_603] : memref<24x512x8x128xf32, #tpu.memory_space<hbm>> -> memref<1x1x8x128xf32, #tpu.memory_space<hbm>>
      %dma_wait3A_605 = tpu.memref_squeeze %dma_wait3A_604 : memref<1x1x8x128xf32, #tpu.memory_space<hbm>> -> memref<8x128xf32, #tpu.memory_space<hbm>>
      %dma_wait3A_606 = arith.constant 96 : i32
      %dma_wait3A_607 = arith.constant 0 : i32
      %dma_wait3A_608 = tpu.memref_slice %arg16[%dma_wait3A_606, %dma_wait3A_607] : memref<192x128xf32, #tpu.memory_space<vmem>> -> memref<8x128xf32, #tpu.memory_space<vmem>>
      tpu.wait_dma2 semaphore(%arg17 : memref<!tpu.dma_semaphore, #tpu.memory_space<semaphore_mem>>) src(%dma_wait3A_608 : memref<8x128xf32, #tpu.memory_space<vmem>>) dst(%dma_wait3A_605 : memref<8x128xf32, #tpu.memory_space<hbm>>)
      %dma_wait3A_609 = arith.constant 13 : i32
      %dma_wait3A_610 = arith.constant 104 : i32
      %dma_wait3A_611 = arith.constant 0 : i32
      %dma_wait3A_612 = tpu.memref_slice %arg16[%dma_wait3A_610, %dma_wait3A_611] : memref<192x128xf32, #tpu.memory_space<vmem>> -> memref<8x128xf32, #tpu.memory_space<vmem>>
      %dma_wait3A_613 = arith.constant 0 : i32
      %dma_wait3A_614 = arith.constant 0 : i32
      %dma_wait3A_615 = tpu.memref_slice %arg5[%dma_wait3A_609, %add3A_47, %dma_wait3A_613, %dma_wait3A_614] : memref<24x512x8x128xf32, #tpu.memory_space<hbm>> -> memref<1x1x8x128xf32, #tpu.memory_space<hbm>>
      %dma_wait3A_616 = tpu.memref_squeeze %dma_wait3A_615 : memref<1x1x8x128xf32, #tpu.memory_space<hbm>> -> memref<8x128xf32, #tpu.memory_space<hbm>>
      %dma_wait3A_617 = arith.constant 0 : i32
      %dma_wait3A_618 = arith.constant 0 : i32
      %dma_wait3A_619 = tpu.memref_slice %arg5[%dma_wait3A_609, %add3A_47, %dma_wait3A_617, %dma_wait3A_618] : memref<24x512x8x128xf32, #tpu.memory_space<hbm>> -> memref<1x1x8x128xf32, #tpu.memory_space<hbm>>
      %dma_wait3A_620 = tpu.memref_squeeze %dma_wait3A_619 : memref<1x1x8x128xf32, #tpu.memory_space<hbm>> -> memref<8x128xf32, #tpu.memory_space<hbm>>
      %dma_wait3A_621 = arith.constant 104 : i32
      %dma_wait3A_622 = arith.constant 0 : i32
      %dma_wait3A_623 = tpu.memref_slice %arg16[%dma_wait3A_621, %dma_wait3A_622] : memref<192x128xf32, #tpu.memory_space<vmem>> -> memref<8x128xf32, #tpu.memory_space<vmem>>
      tpu.wait_dma2 semaphore(%arg17 : memref<!tpu.dma_semaphore, #tpu.memory_space<semaphore_mem>>) src(%dma_wait3A_623 : memref<8x128xf32, #tpu.memory_space<vmem>>) dst(%dma_wait3A_620 : memref<8x128xf32, #tpu.memory_space<hbm>>)
      %dma_wait3A_624 = arith.constant 14 : i32
      %dma_wait3A_625 = arith.constant 112 : i32
      %dma_wait3A_626 = arith.constant 0 : i32
      %dma_wait3A_627 = tpu.memref_slice %arg16[%dma_wait3A_625, %dma_wait3A_626] : memref<192x128xf32, #tpu.memory_space<vmem>> -> memref<8x128xf32, #tpu.memory_space<vmem>>
      %dma_wait3A_628 = arith.constant 0 : i32
      %dma_wait3A_629 = arith.constant 0 : i32
      %dma_wait3A_630 = tpu.memref_slice %arg5[%dma_wait3A_624, %add3A_47, %dma_wait3A_628, %dma_wait3A_629] : memref<24x512x8x128xf32, #tpu.memory_space<hbm>> -> memref<1x1x8x128xf32, #tpu.memory_space<hbm>>
      %dma_wait3A_631 = tpu.memref_squeeze %dma_wait3A_630 : memref<1x1x8x128xf32, #tpu.memory_space<hbm>> -> memref<8x128xf32, #tpu.memory_space<hbm>>
      %dma_wait3A_632 = arith.constant 0 : i32
      %dma_wait3A_633 = arith.constant 0 : i32
      %dma_wait3A_634 = tpu.memref_slice %arg5[%dma_wait3A_624, %add3A_47, %dma_wait3A_632, %dma_wait3A_633] : memref<24x512x8x128xf32, #tpu.memory_space<hbm>> -> memref<1x1x8x128xf32, #tpu.memory_space<hbm>>
      %dma_wait3A_635 = tpu.memref_squeeze %dma_wait3A_634 : memref<1x1x8x128xf32, #tpu.memory_space<hbm>> -> memref<8x128xf32, #tpu.memory_space<hbm>>
      %dma_wait3A_636 = arith.constant 112 : i32
      %dma_wait3A_637 = arith.constant 0 : i32
      %dma_wait3A_638 = tpu.memref_slice %arg16[%dma_wait3A_636, %dma_wait3A_637] : memref<192x128xf32, #tpu.memory_space<vmem>> -> memref<8x128xf32, #tpu.memory_space<vmem>>
      tpu.wait_dma2 semaphore(%arg17 : memref<!tpu.dma_semaphore, #tpu.memory_space<semaphore_mem>>) src(%dma_wait3A_638 : memref<8x128xf32, #tpu.memory_space<vmem>>) dst(%dma_wait3A_635 : memref<8x128xf32, #tpu.memory_space<hbm>>)
      %dma_wait3A_639 = arith.constant 15 : i32
      %dma_wait3A_640 = arith.constant 120 : i32
      %dma_wait3A_641 = arith.constant 0 : i32
      %dma_wait3A_642 = tpu.memref_slice %arg16[%dma_wait3A_640, %dma_wait3A_641] : memref<192x128xf32, #tpu.memory_space<vmem>> -> memref<8x128xf32, #tpu.memory_space<vmem>>
      %dma_wait3A_643 = arith.constant 0 : i32
      %dma_wait3A_644 = arith.constant 0 : i32
      %dma_wait3A_645 = tpu.memref_slice %arg5[%dma_wait3A_639, %add3A_47, %dma_wait3A_643, %dma_wait3A_644] : memref<24x512x8x128xf32, #tpu.memory_space<hbm>> -> memref<1x1x8x128xf32, #tpu.memory_space<hbm>>
      %dma_wait3A_646 = tpu.memref_squeeze %dma_wait3A_645 : memref<1x1x8x128xf32, #tpu.memory_space<hbm>> -> memref<8x128xf32, #tpu.memory_space<hbm>>
      %dma_wait3A_647 = arith.constant 0 : i32
      %dma_wait3A_648 = arith.constant 0 : i32
      %dma_wait3A_649 = tpu.memref_slice %arg5[%dma_wait3A_639, %add3A_47, %dma_wait3A_647, %dma_wait3A_648] : memref<24x512x8x128xf32, #tpu.memory_space<hbm>> -> memref<1x1x8x128xf32, #tpu.memory_space<hbm>>
      %dma_wait3A_650 = tpu.memref_squeeze %dma_wait3A_649 : memref<1x1x8x128xf32, #tpu.memory_space<hbm>> -> memref<8x128xf32, #tpu.memory_space<hbm>>
      %dma_wait3A_651 = arith.constant 120 : i32
      %dma_wait3A_652 = arith.constant 0 : i32
      %dma_wait3A_653 = tpu.memref_slice %arg16[%dma_wait3A_651, %dma_wait3A_652] : memref<192x128xf32, #tpu.memory_space<vmem>> -> memref<8x128xf32, #tpu.memory_space<vmem>>
      tpu.wait_dma2 semaphore(%arg17 : memref<!tpu.dma_semaphore, #tpu.memory_space<semaphore_mem>>) src(%dma_wait3A_653 : memref<8x128xf32, #tpu.memory_space<vmem>>) dst(%dma_wait3A_650 : memref<8x128xf32, #tpu.memory_space<hbm>>)
      %dma_wait3A_654 = arith.constant 16 : i32
      %dma_wait3A_655 = arith.constant 128 : i32
      %dma_wait3A_656 = arith.constant 0 : i32
      %dma_wait3A_657 = tpu.memref_slice %arg16[%dma_wait3A_655, %dma_wait3A_656] : memref<192x128xf32, #tpu.memory_space<vmem>> -> memref<8x128xf32, #tpu.memory_space<vmem>>
      %dma_wait3A_658 = arith.constant 0 : i32
      %dma_wait3A_659 = arith.constant 0 : i32
      %dma_wait3A_660 = tpu.memref_slice %arg5[%dma_wait3A_654, %add3A_47, %dma_wait3A_658, %dma_wait3A_659] : memref<24x512x8x128xf32, #tpu.memory_space<hbm>> -> memref<1x1x8x128xf32, #tpu.memory_space<hbm>>
      %dma_wait3A_661 = tpu.memref_squeeze %dma_wait3A_660 : memref<1x1x8x128xf32, #tpu.memory_space<hbm>> -> memref<8x128xf32, #tpu.memory_space<hbm>>
      %dma_wait3A_662 = arith.constant 0 : i32
      %dma_wait3A_663 = arith.constant 0 : i32
      %dma_wait3A_664 = tpu.memref_slice %arg5[%dma_wait3A_654, %add3A_47, %dma_wait3A_662, %dma_wait3A_663] : memref<24x512x8x128xf32, #tpu.memory_space<hbm>> -> memref<1x1x8x128xf32, #tpu.memory_space<hbm>>
      %dma_wait3A_665 = tpu.memref_squeeze %dma_wait3A_664 : memref<1x1x8x128xf32, #tpu.memory_space<hbm>> -> memref<8x128xf32, #tpu.memory_space<hbm>>
      %dma_wait3A_666 = arith.constant 128 : i32
      %dma_wait3A_667 = arith.constant 0 : i32
      %dma_wait3A_668 = tpu.memref_slice %arg16[%dma_wait3A_666, %dma_wait3A_667] : memref<192x128xf32, #tpu.memory_space<vmem>> -> memref<8x128xf32, #tpu.memory_space<vmem>>
      tpu.wait_dma2 semaphore(%arg17 : memref<!tpu.dma_semaphore, #tpu.memory_space<semaphore_mem>>) src(%dma_wait3A_668 : memref<8x128xf32, #tpu.memory_space<vmem>>) dst(%dma_wait3A_665 : memref<8x128xf32, #tpu.memory_space<hbm>>)
      %dma_wait3A_669 = arith.constant 17 : i32
      %dma_wait3A_670 = arith.constant 136 : i32
      %dma_wait3A_671 = arith.constant 0 : i32
      %dma_wait3A_672 = tpu.memref_slice %arg16[%dma_wait3A_670, %dma_wait3A_671] : memref<192x128xf32, #tpu.memory_space<vmem>> -> memref<8x128xf32, #tpu.memory_space<vmem>>
      %dma_wait3A_673 = arith.constant 0 : i32
      %dma_wait3A_674 = arith.constant 0 : i32
      %dma_wait3A_675 = tpu.memref_slice %arg5[%dma_wait3A_669, %add3A_47, %dma_wait3A_673, %dma_wait3A_674] : memref<24x512x8x128xf32, #tpu.memory_space<hbm>> -> memref<1x1x8x128xf32, #tpu.memory_space<hbm>>
      %dma_wait3A_676 = tpu.memref_squeeze %dma_wait3A_675 : memref<1x1x8x128xf32, #tpu.memory_space<hbm>> -> memref<8x128xf32, #tpu.memory_space<hbm>>
      %dma_wait3A_677 = arith.constant 0 : i32
      %dma_wait3A_678 = arith.constant 0 : i32
      %dma_wait3A_679 = tpu.memref_slice %arg5[%dma_wait3A_669, %add3A_47, %dma_wait3A_677, %dma_wait3A_678] : memref<24x512x8x128xf32, #tpu.memory_space<hbm>> -> memref<1x1x8x128xf32, #tpu.memory_space<hbm>>
      %dma_wait3A_680 = tpu.memref_squeeze %dma_wait3A_679 : memref<1x1x8x128xf32, #tpu.memory_space<hbm>> -> memref<8x128xf32, #tpu.memory_space<hbm>>
      %dma_wait3A_681 = arith.constant 136 : i32
      %dma_wait3A_682 = arith.constant 0 : i32
      %dma_wait3A_683 = tpu.memref_slice %arg16[%dma_wait3A_681, %dma_wait3A_682] : memref<192x128xf32, #tpu.memory_space<vmem>> -> memref<8x128xf32, #tpu.memory_space<vmem>>
      tpu.wait_dma2 semaphore(%arg17 : memref<!tpu.dma_semaphore, #tpu.memory_space<semaphore_mem>>) src(%dma_wait3A_683 : memref<8x128xf32, #tpu.memory_space<vmem>>) dst(%dma_wait3A_680 : memref<8x128xf32, #tpu.memory_space<hbm>>)
      %dma_wait3A_684 = arith.constant 18 : i32
      %dma_wait3A_685 = arith.constant 144 : i32
      %dma_wait3A_686 = arith.constant 0 : i32
      %dma_wait3A_687 = tpu.memref_slice %arg16[%dma_wait3A_685, %dma_wait3A_686] : memref<192x128xf32, #tpu.memory_space<vmem>> -> memref<8x128xf32, #tpu.memory_space<vmem>>
      %dma_wait3A_688 = arith.constant 0 : i32
      %dma_wait3A_689 = arith.constant 0 : i32
      %dma_wait3A_690 = tpu.memref_slice %arg5[%dma_wait3A_684, %add3A_47, %dma_wait3A_688, %dma_wait3A_689] : memref<24x512x8x128xf32, #tpu.memory_space<hbm>> -> memref<1x1x8x128xf32, #tpu.memory_space<hbm>>
      %dma_wait3A_691 = tpu.memref_squeeze %dma_wait3A_690 : memref<1x1x8x128xf32, #tpu.memory_space<hbm>> -> memref<8x128xf32, #tpu.memory_space<hbm>>
      %dma_wait3A_692 = arith.constant 0 : i32
      %dma_wait3A_693 = arith.constant 0 : i32
      %dma_wait3A_694 = tpu.memref_slice %arg5[%dma_wait3A_684, %add3A_47, %dma_wait3A_692, %dma_wait3A_693] : memref<24x512x8x128xf32, #tpu.memory_space<hbm>> -> memref<1x1x8x128xf32, #tpu.memory_space<hbm>>
      %dma_wait3A_695 = tpu.memref_squeeze %dma_wait3A_694 : memref<1x1x8x128xf32, #tpu.memory_space<hbm>> -> memref<8x128xf32, #tpu.memory_space<hbm>>
      %dma_wait3A_696 = arith.constant 144 : i32
      %dma_wait3A_697 = arith.constant 0 : i32
      %dma_wait3A_698 = tpu.memref_slice %arg16[%dma_wait3A_696, %dma_wait3A_697] : memref<192x128xf32, #tpu.memory_space<vmem>> -> memref<8x128xf32, #tpu.memory_space<vmem>>
      tpu.wait_dma2 semaphore(%arg17 : memref<!tpu.dma_semaphore, #tpu.memory_space<semaphore_mem>>) src(%dma_wait3A_698 : memref<8x128xf32, #tpu.memory_space<vmem>>) dst(%dma_wait3A_695 : memref<8x128xf32, #tpu.memory_space<hbm>>)
      %dma_wait3A_699 = arith.constant 19 : i32
      %dma_wait3A_700 = arith.constant 152 : i32
      %dma_wait3A_701 = arith.constant 0 : i32
      %dma_wait3A_702 = tpu.memref_slice %arg16[%dma_wait3A_700, %dma_wait3A_701] : memref<192x128xf32, #tpu.memory_space<vmem>> -> memref<8x128xf32, #tpu.memory_space<vmem>>
      %dma_wait3A_703 = arith.constant 0 : i32
      %dma_wait3A_704 = arith.constant 0 : i32
      %dma_wait3A_705 = tpu.memref_slice %arg5[%dma_wait3A_699, %add3A_47, %dma_wait3A_703, %dma_wait3A_704] : memref<24x512x8x128xf32, #tpu.memory_space<hbm>> -> memref<1x1x8x128xf32, #tpu.memory_space<hbm>>
      %dma_wait3A_706 = tpu.memref_squeeze %dma_wait3A_705 : memref<1x1x8x128xf32, #tpu.memory_space<hbm>> -> memref<8x128xf32, #tpu.memory_space<hbm>>
      %dma_wait3A_707 = arith.constant 0 : i32
      %dma_wait3A_708 = arith.constant 0 : i32
      %dma_wait3A_709 = tpu.memref_slice %arg5[%dma_wait3A_699, %add3A_47, %dma_wait3A_707, %dma_wait3A_708] : memref<24x512x8x128xf32, #tpu.memory_space<hbm>> -> memref<1x1x8x128xf32, #tpu.memory_space<hbm>>
      %dma_wait3A_710 = tpu.memref_squeeze %dma_wait3A_709 : memref<1x1x8x128xf32, #tpu.memory_space<hbm>> -> memref<8x128xf32, #tpu.memory_space<hbm>>
      %dma_wait3A_711 = arith.constant 152 : i32
      %dma_wait3A_712 = arith.constant 0 : i32
      %dma_wait3A_713 = tpu.memref_slice %arg16[%dma_wait3A_711, %dma_wait3A_712] : memref<192x128xf32, #tpu.memory_space<vmem>> -> memref<8x128xf32, #tpu.memory_space<vmem>>
      tpu.wait_dma2 semaphore(%arg17 : memref<!tpu.dma_semaphore, #tpu.memory_space<semaphore_mem>>) src(%dma_wait3A_713 : memref<8x128xf32, #tpu.memory_space<vmem>>) dst(%dma_wait3A_710 : memref<8x128xf32, #tpu.memory_space<hbm>>)
      %dma_wait3A_714 = arith.constant 20 : i32
      %dma_wait3A_715 = arith.constant 160 : i32
      %dma_wait3A_716 = arith.constant 0 : i32
      %dma_wait3A_717 = tpu.memref_slice %arg16[%dma_wait3A_715, %dma_wait3A_716] : memref<192x128xf32, #tpu.memory_space<vmem>> -> memref<8x128xf32, #tpu.memory_space<vmem>>
      %dma_wait3A_718 = arith.constant 0 : i32
      %dma_wait3A_719 = arith.constant 0 : i32
      %dma_wait3A_720 = tpu.memref_slice %arg5[%dma_wait3A_714, %add3A_47, %dma_wait3A_718, %dma_wait3A_719] : memref<24x512x8x128xf32, #tpu.memory_space<hbm>> -> memref<1x1x8x128xf32, #tpu.memory_space<hbm>>
      %dma_wait3A_721 = tpu.memref_squeeze %dma_wait3A_720 : memref<1x1x8x128xf32, #tpu.memory_space<hbm>> -> memref<8x128xf32, #tpu.memory_space<hbm>>
      %dma_wait3A_722 = arith.constant 0 : i32
      %dma_wait3A_723 = arith.constant 0 : i32
      %dma_wait3A_724 = tpu.memref_slice %arg5[%dma_wait3A_714, %add3A_47, %dma_wait3A_722, %dma_wait3A_723] : memref<24x512x8x128xf32, #tpu.memory_space<hbm>> -> memref<1x1x8x128xf32, #tpu.memory_space<hbm>>
      %dma_wait3A_725 = tpu.memref_squeeze %dma_wait3A_724 : memref<1x1x8x128xf32, #tpu.memory_space<hbm>> -> memref<8x128xf32, #tpu.memory_space<hbm>>
      %dma_wait3A_726 = arith.constant 160 : i32
      %dma_wait3A_727 = arith.constant 0 : i32
      %dma_wait3A_728 = tpu.memref_slice %arg16[%dma_wait3A_726, %dma_wait3A_727] : memref<192x128xf32, #tpu.memory_space<vmem>> -> memref<8x128xf32, #tpu.memory_space<vmem>>
      tpu.wait_dma2 semaphore(%arg17 : memref<!tpu.dma_semaphore, #tpu.memory_space<semaphore_mem>>) src(%dma_wait3A_728 : memref<8x128xf32, #tpu.memory_space<vmem>>) dst(%dma_wait3A_725 : memref<8x128xf32, #tpu.memory_space<hbm>>)
      %dma_wait3A_729 = arith.constant 21 : i32
      %dma_wait3A_730 = arith.constant 168 : i32
      %dma_wait3A_731 = arith.constant 0 : i32
      %dma_wait3A_732 = tpu.memref_slice %arg16[%dma_wait3A_730, %dma_wait3A_731] : memref<192x128xf32, #tpu.memory_space<vmem>> -> memref<8x128xf32, #tpu.memory_space<vmem>>
      %dma_wait3A_733 = arith.constant 0 : i32
      %dma_wait3A_734 = arith.constant 0 : i32
      %dma_wait3A_735 = tpu.memref_slice %arg5[%dma_wait3A_729, %add3A_47, %dma_wait3A_733, %dma_wait3A_734] : memref<24x512x8x128xf32, #tpu.memory_space<hbm>> -> memref<1x1x8x128xf32, #tpu.memory_space<hbm>>
      %dma_wait3A_736 = tpu.memref_squeeze %dma_wait3A_735 : memref<1x1x8x128xf32, #tpu.memory_space<hbm>> -> memref<8x128xf32, #tpu.memory_space<hbm>>
      %dma_wait3A_737 = arith.constant 0 : i32
      %dma_wait3A_738 = arith.constant 0 : i32
      %dma_wait3A_739 = tpu.memref_slice %arg5[%dma_wait3A_729, %add3A_47, %dma_wait3A_737, %dma_wait3A_738] : memref<24x512x8x128xf32, #tpu.memory_space<hbm>> -> memref<1x1x8x128xf32, #tpu.memory_space<hbm>>
      %dma_wait3A_740 = tpu.memref_squeeze %dma_wait3A_739 : memref<1x1x8x128xf32, #tpu.memory_space<hbm>> -> memref<8x128xf32, #tpu.memory_space<hbm>>
      %dma_wait3A_741 = arith.constant 168 : i32
      %dma_wait3A_742 = arith.constant 0 : i32
      %dma_wait3A_743 = tpu.memref_slice %arg16[%dma_wait3A_741, %dma_wait3A_742] : memref<192x128xf32, #tpu.memory_space<vmem>> -> memref<8x128xf32, #tpu.memory_space<vmem>>
      tpu.wait_dma2 semaphore(%arg17 : memref<!tpu.dma_semaphore, #tpu.memory_space<semaphore_mem>>) src(%dma_wait3A_743 : memref<8x128xf32, #tpu.memory_space<vmem>>) dst(%dma_wait3A_740 : memref<8x128xf32, #tpu.memory_space<hbm>>)
      %dma_wait3A_744 = arith.constant 22 : i32
      %dma_wait3A_745 = arith.constant 176 : i32
      %dma_wait3A_746 = arith.constant 0 : i32
      %dma_wait3A_747 = tpu.memref_slice %arg16[%dma_wait3A_745, %dma_wait3A_746] : memref<192x128xf32, #tpu.memory_space<vmem>> -> memref<8x128xf32, #tpu.memory_space<vmem>>
      %dma_wait3A_748 = arith.constant 0 : i32
      %dma_wait3A_749 = arith.constant 0 : i32
      %dma_wait3A_750 = tpu.memref_slice %arg5[%dma_wait3A_744, %add3A_47, %dma_wait3A_748, %dma_wait3A_749] : memref<24x512x8x128xf32, #tpu.memory_space<hbm>> -> memref<1x1x8x128xf32, #tpu.memory_space<hbm>>
      %dma_wait3A_751 = tpu.memref_squeeze %dma_wait3A_750 : memref<1x1x8x128xf32, #tpu.memory_space<hbm>> -> memref<8x128xf32, #tpu.memory_space<hbm>>
      %dma_wait3A_752 = arith.constant 0 : i32
      %dma_wait3A_753 = arith.constant 0 : i32
      %dma_wait3A_754 = tpu.memref_slice %arg5[%dma_wait3A_744, %add3A_47, %dma_wait3A_752, %dma_wait3A_753] : memref<24x512x8x128xf32, #tpu.memory_space<hbm>> -> memref<1x1x8x128xf32, #tpu.memory_space<hbm>>
      %dma_wait3A_755 = tpu.memref_squeeze %dma_wait3A_754 : memref<1x1x8x128xf32, #tpu.memory_space<hbm>> -> memref<8x128xf32, #tpu.memory_space<hbm>>
      %dma_wait3A_756 = arith.constant 176 : i32
      %dma_wait3A_757 = arith.constant 0 : i32
      %dma_wait3A_758 = tpu.memref_slice %arg16[%dma_wait3A_756, %dma_wait3A_757] : memref<192x128xf32, #tpu.memory_space<vmem>> -> memref<8x128xf32, #tpu.memory_space<vmem>>
      tpu.wait_dma2 semaphore(%arg17 : memref<!tpu.dma_semaphore, #tpu.memory_space<semaphore_mem>>) src(%dma_wait3A_758 : memref<8x128xf32, #tpu.memory_space<vmem>>) dst(%dma_wait3A_755 : memref<8x128xf32, #tpu.memory_space<hbm>>)
      %dma_wait3A_759 = arith.constant 23 : i32
      %dma_wait3A_760 = arith.constant 184 : i32
      %dma_wait3A_761 = arith.constant 0 : i32
      %dma_wait3A_762 = tpu.memref_slice %arg16[%dma_wait3A_760, %dma_wait3A_761] : memref<192x128xf32, #tpu.memory_space<vmem>> -> memref<8x128xf32, #tpu.memory_space<vmem>>
      %dma_wait3A_763 = arith.constant 0 : i32
      %dma_wait3A_764 = arith.constant 0 : i32
      %dma_wait3A_765 = tpu.memref_slice %arg5[%dma_wait3A_759, %add3A_47, %dma_wait3A_763, %dma_wait3A_764] : memref<24x512x8x128xf32, #tpu.memory_space<hbm>> -> memref<1x1x8x128xf32, #tpu.memory_space<hbm>>
      %dma_wait3A_766 = tpu.memref_squeeze %dma_wait3A_765 : memref<1x1x8x128xf32, #tpu.memory_space<hbm>> -> memref<8x128xf32, #tpu.memory_space<hbm>>
      %dma_wait3A_767 = arith.constant 0 : i32
      %dma_wait3A_768 = arith.constant 0 : i32
      %dma_wait3A_769 = tpu.memref_slice %arg5[%dma_wait3A_759, %add3A_47, %dma_wait3A_767, %dma_wait3A_768] : memref<24x512x8x128xf32, #tpu.memory_space<hbm>> -> memref<1x1x8x128xf32, #tpu.memory_space<hbm>>
      %dma_wait3A_770 = tpu.memref_squeeze %dma_wait3A_769 : memref<1x1x8x128xf32, #tpu.memory_space<hbm>> -> memref<8x128xf32, #tpu.memory_space<hbm>>
      %dma_wait3A_771 = arith.constant 184 : i32
      %dma_wait3A_772 = arith.constant 0 : i32
      %dma_wait3A_773 = tpu.memref_slice %arg16[%dma_wait3A_771, %dma_wait3A_772] : memref<192x128xf32, #tpu.memory_space<vmem>> -> memref<8x128xf32, #tpu.memory_space<vmem>>
      tpu.wait_dma2 semaphore(%arg17 : memref<!tpu.dma_semaphore, #tpu.memory_space<semaphore_mem>>) src(%dma_wait3A_773 : memref<8x128xf32, #tpu.memory_space<vmem>>) dst(%dma_wait3A_770 : memref<8x128xf32, #tpu.memory_space<hbm>>)
    }
    %scan3A_43 = arith.constant 16 : i32
    return
  }
}

module attributes {stable_mosaic.version = 14 : i64} {
  func.func @_expand_body(%arg0: i32, %arg1: memref<24x4x8x128xf32, #tpu.memory_space<vmem>>, %arg2: memref<4x3x128xf32, #tpu.memory_space<vmem>>, %arg3: memref<4x3x128xf32, #tpu.memory_space<vmem>>, %arg4: memref<3x24x4x8x128xf32, #tpu.memory_space<vmem>>) attributes {dimension_semantics = [#tpu.dimension_semantics<arbitrary>], iteration_bounds = array<i64: 128>, scalar_prefetch = 0 : i64, scratch_operands = 0 : i64, tpu.core_type = #tpu.core_type<tc>, window_params = [{transform_indices = @transform_0, window_bounds = array<i64: 24, 4, 8, 128>}, {transform_indices = @transform_1, window_bounds = array<i64: 4, 3, 128>}, {transform_indices = @transform_2, window_bounds = array<i64: 4, 3, 128>}, {transform_indices = @transform_3, window_bounds = array<i64: 3, 24, 4, 8, 128>}]} {
    %get3A = arith.constant 0 : index
    %get3A_0 = arith.constant 0 : index
    %get3A_1 = arith.constant 0 : index
    %get3A_2 = arith.constant 0 : index
    %get3A_3 = vector.load %arg1[%get3A, %get3A_0, %get3A_1, %get3A_2] : memref<24x4x8x128xf32, #tpu.memory_space<vmem>>, vector<24x4x8x128xf32>
    %get3A_4 = arith.constant 0 : index
    %get3A_5 = arith.constant 0 : index
    %get3A_6 = arith.constant 0 : index
    %get3A_7 = vector.load %arg2[%get3A_4, %get3A_5, %get3A_6] : memref<4x3x128xf32, #tpu.memory_space<vmem>>, vector<4x1x128xf32>
    %get3A_8 = vector.shape_cast %get3A_7 : vector<4x1x128xf32> to vector<4x128xf32>
    %get3A_9 = arith.constant 0 : index
    %get3A_10 = arith.constant 0 : index
    %get3A_11 = arith.constant 0 : index
    %get3A_12 = vector.load %arg3[%get3A_9, %get3A_10, %get3A_11] : memref<4x3x128xf32, #tpu.memory_space<vmem>>, vector<4x1x128xf32>
    %get3A_13 = vector.shape_cast %get3A_12 : vector<4x1x128xf32> to vector<4x128xf32>
    %broadcast_in_dim3A = vector.shape_cast %get3A_8 : vector<4x128xf32> to vector<1x4x1x128xf32>
    %broadcast_in_dim3A_14 = vector.shape_cast %get3A_13 : vector<4x128xf32> to vector<1x4x1x128xf32>
    %mul3A = vector.broadcast %broadcast_in_dim3A_14 : vector<1x4x1x128xf32> to vector<24x4x8x128xf32>
    %mul3A_15 = arith.mulf %mul3A, %get3A_3 : vector<24x4x8x128xf32>
    %add3A = vector.broadcast %broadcast_in_dim3A : vector<1x4x1x128xf32> to vector<24x4x8x128xf32>
    %add3A_16 = arith.addf %add3A, %mul3A_15 : vector<24x4x8x128xf32>
    %swap3A = arith.constant 0 : index
    %swap3A_17 = arith.constant 0 : index
    %swap3A_18 = arith.constant 0 : index
    %swap3A_19 = arith.constant 0 : index
    %swap3A_20 = arith.constant 0 : index
    %swap3A_21 = vector.load %arg4[%swap3A, %swap3A_17, %swap3A_18, %swap3A_19, %swap3A_20] : memref<3x24x4x8x128xf32, #tpu.memory_space<vmem>>, vector<1x24x4x8x128xf32>
    %swap3A_22 = vector.shape_cast %swap3A_21 : vector<1x24x4x8x128xf32> to vector<24x4x8x128xf32>
    %swap3A_23 = vector.shape_cast %add3A_16 : vector<24x4x8x128xf32> to vector<1x24x4x8x128xf32>
    tpu.vector_store %arg4[%swap3A, %swap3A_17, %swap3A_18, %swap3A_19, %swap3A_20], %swap3A_23 {strides = array<i32>} : memref<3x24x4x8x128xf32, #tpu.memory_space<vmem>>, vector<1x24x4x8x128xf32>,
    %get3A_24 = arith.constant 0 : index
    %get3A_25 = arith.constant 1 : index
    %get3A_26 = arith.constant 0 : index
    %get3A_27 = vector.load %arg2[%get3A_24, %get3A_25, %get3A_26] : memref<4x3x128xf32, #tpu.memory_space<vmem>>, vector<4x1x128xf32>
    %get3A_28 = vector.shape_cast %get3A_27 : vector<4x1x128xf32> to vector<4x128xf32>
    %get3A_29 = arith.constant 0 : index
    %get3A_30 = arith.constant 1 : index
    %get3A_31 = arith.constant 0 : index
    %get3A_32 = vector.load %arg3[%get3A_29, %get3A_30, %get3A_31] : memref<4x3x128xf32, #tpu.memory_space<vmem>>, vector<4x1x128xf32>
    %get3A_33 = vector.shape_cast %get3A_32 : vector<4x1x128xf32> to vector<4x128xf32>
    %broadcast_in_dim3A_34 = vector.shape_cast %get3A_28 : vector<4x128xf32> to vector<1x4x1x128xf32>
    %broadcast_in_dim3A_35 = vector.shape_cast %get3A_33 : vector<4x128xf32> to vector<1x4x1x128xf32>
    %mul3A_36 = vector.broadcast %broadcast_in_dim3A_35 : vector<1x4x1x128xf32> to vector<24x4x8x128xf32>
    %mul3A_37 = arith.mulf %mul3A_36, %get3A_3 : vector<24x4x8x128xf32>
    %add3A_38 = vector.broadcast %broadcast_in_dim3A_34 : vector<1x4x1x128xf32> to vector<24x4x8x128xf32>
    %add3A_39 = arith.addf %add3A_38, %mul3A_37 : vector<24x4x8x128xf32>
    %swap3A_40 = arith.constant 1 : index
    %swap3A_41 = arith.constant 0 : index
    %swap3A_42 = arith.constant 0 : index
    %swap3A_43 = arith.constant 0 : index
    %swap3A_44 = arith.constant 0 : index
    %swap3A_45 = vector.load %arg4[%swap3A_40, %swap3A_41, %swap3A_42, %swap3A_43, %swap3A_44] : memref<3x24x4x8x128xf32, #tpu.memory_space<vmem>>, vector<1x24x4x8x128xf32>
    %swap3A_46 = vector.shape_cast %swap3A_45 : vector<1x24x4x8x128xf32> to vector<24x4x8x128xf32>
    %swap3A_47 = vector.shape_cast %add3A_39 : vector<24x4x8x128xf32> to vector<1x24x4x8x128xf32>
    tpu.vector_store %arg4[%swap3A_40, %swap3A_41, %swap3A_42, %swap3A_43, %swap3A_44], %swap3A_47 {strides = array<i32>} : memref<3x24x4x8x128xf32, #tpu.memory_space<vmem>>, vector<1x24x4x8x128xf32>,
    %get3A_48 = arith.constant 0 : index
    %get3A_49 = arith.constant 2 : index
    %get3A_50 = arith.constant 0 : index
    %get3A_51 = vector.load %arg2[%get3A_48, %get3A_49, %get3A_50] : memref<4x3x128xf32, #tpu.memory_space<vmem>>, vector<4x1x128xf32>
    %get3A_52 = vector.shape_cast %get3A_51 : vector<4x1x128xf32> to vector<4x128xf32>
    %get3A_53 = arith.constant 0 : index
    %get3A_54 = arith.constant 2 : index
    %get3A_55 = arith.constant 0 : index
    %get3A_56 = vector.load %arg3[%get3A_53, %get3A_54, %get3A_55] : memref<4x3x128xf32, #tpu.memory_space<vmem>>, vector<4x1x128xf32>
    %get3A_57 = vector.shape_cast %get3A_56 : vector<4x1x128xf32> to vector<4x128xf32>
    %broadcast_in_dim3A_58 = vector.shape_cast %get3A_52 : vector<4x128xf32> to vector<1x4x1x128xf32>
    %broadcast_in_dim3A_59 = vector.shape_cast %get3A_57 : vector<4x128xf32> to vector<1x4x1x128xf32>
    %mul3A_60 = vector.broadcast %broadcast_in_dim3A_59 : vector<1x4x1x128xf32> to vector<24x4x8x128xf32>
    %mul3A_61 = arith.mulf %mul3A_60, %get3A_3 : vector<24x4x8x128xf32>
    %add3A_62 = vector.broadcast %broadcast_in_dim3A_58 : vector<1x4x1x128xf32> to vector<24x4x8x128xf32>
    %add3A_63 = arith.addf %add3A_62, %mul3A_61 : vector<24x4x8x128xf32>
    %swap3A_64 = arith.constant 2 : index
    %swap3A_65 = arith.constant 0 : index
    %swap3A_66 = arith.constant 0 : index
    %swap3A_67 = arith.constant 0 : index
    %swap3A_68 = arith.constant 0 : index
    %swap3A_69 = vector.load %arg4[%swap3A_64, %swap3A_65, %swap3A_66, %swap3A_67, %swap3A_68] : memref<3x24x4x8x128xf32, #tpu.memory_space<vmem>>, vector<1x24x4x8x128xf32>
    %swap3A_70 = vector.shape_cast %swap3A_69 : vector<1x24x4x8x128xf32> to vector<24x4x8x128xf32>
    %swap3A_71 = vector.shape_cast %add3A_63 : vector<24x4x8x128xf32> to vector<1x24x4x8x128xf32>
    tpu.vector_store %arg4[%swap3A_64, %swap3A_65, %swap3A_66, %swap3A_67, %swap3A_68], %swap3A_71 {strides = array<i32>} : memref<3x24x4x8x128xf32, #tpu.memory_space<vmem>>, vector<1x24x4x8x128xf32>,
    return
  }
  func.func @transform_0(%arg0: i32) -> (i32, i32, i32, i32) {
    %c0_i32 = arith.constant 0 : i32
    %c0_i32_0 = arith.constant 0 : i32
    %c0_i32_1 = arith.constant 0 : i32
    %c0_i32_2 = arith.constant 0 : i32
    return %c0_i32, %arg0, %c0_i32_0, %c0_i32_1 : i32, i32, i32, i32
  }
  func.func @transform_1(%arg0: i32) -> (i32, i32, i32) {
    %c0_i32 = arith.constant 0 : i32
    %c0_i32_0 = arith.constant 0 : i32
    %c0_i32_1 = arith.constant 0 : i32
    return %arg0, %c0_i32, %c0_i32_0 : i32, i32, i32
  }
  func.func @transform_2(%arg0: i32) -> (i32, i32, i32) {
    %c0_i32 = arith.constant 0 : i32
    %c0_i32_0 = arith.constant 0 : i32
    %c0_i32_1 = arith.constant 0 : i32
    return %arg0, %c0_i32, %c0_i32_0 : i32, i32, i32
  }
  func.func @transform_3(%arg0: i32) -> (i32, i32, i32, i32, i32) {
    %c0_i32 = arith.constant 0 : i32
    %c0_i32_0 = arith.constant 0 : i32
    %c0_i32_1 = arith.constant 0 : i32
    %c0_i32_2 = arith.constant 0 : i32
    %c0_i32_3 = arith.constant 0 : i32
    return %c0_i32, %c0_i32_0, %arg0, %c0_i32_1, %c0_i32_2 : i32, i32, i32, i32, i32
  }
}

</mosaic_0001>

<sc_bundles>
// kernel: kernel.4.cloned.1.call-start
scs
__scs_entry_jumppad:
0x0: {  	(pc) =	sbr.rel $0x88, $3  }
0x1: {  	(tag) =	ssettag $0x0;
	lr =	simm.s32 $0x1  }
0x2: {  	[smem:$0x3F9D] =	sst lr;
	_ =	strace $0xD0000000  }
0x3: {  	_ = 	snop  }
0x4: {  	_ = 	snop  }
0x5: {  	_ = 	snop  }
0x6: {  	_ = 	snop  }
0x7: {  	_ = 	snop  }
__scs_overlays_trampoline_lowered:
0x8: {  	[smem:$0x3FAC] =	sst s0  }
0x9: {  	[smem:$0x3FAD] =	sst s1  }
0xa: {  	[smem:$0x3FAE] =	sst s2  }
0xb: {  	[smem:$0x3FAF] =	sst s3  }
0xc: {  	[smem:$0x3FB0] =	sst s4  }
0xd: {  	[smem:$0x3FB1] =	sst s5  }
0xe: {  	[smem:$0x3FB2] =	sst s6  }
0xf: {  	[smem:$0x3FB3] =	sst s7  }
0x10: {  	[smem:$0x3FB4] =	sst s8  }
0x11: {  	[smem:$0x3FB5] =	sst s9;
	s0 =	simm.s32 @!p0 $0x0  }
0x12: {  	s1 =	sld [smem:$0x3F9B];
	s0 =	simm.s32 @p0 $0x1  }
0x13: {  	[smem:$0x3FB6] =	sst s0;
	s0 =	simm.s32 @!p1 $0x0  }
0x14: {  	s2 =	sld [smem:$0x3F9A];
	s0 =	simm.s32 @p1 $0x1  }
0x15: {  	[smem:$0x3FB7] =	sst s0;
	s0 =	simm.s32 @!p2 $0x0  }
0x16: {  	s3 =	sld [smem:$0x3FDB];
	s0 =	simm.s32 @p2 $0x1  }
0x17: {  	s4 =	simm.s32 $0x1BF5;
	[smem:$0x3FB9] =	sst s0  }
0x18: {  	s0 =	sld [smem:$0x3F9C];
	_ =	swait.ge [sflag:s4], $0x0  }
0x19: {  	s7 =	sld [smem:$0x3F9D]  }
0x1a: {  	s8 =	sadd.s32 $0xFFFFE003, lr  }
0x1b: {  	s9 =	sadd.s32 $0xFFFFFEF7, lr;
	s5 =	simm.s32 $0xFFFFFFFF;
	p2 =	slt.u32 s8, $0xFFFFF086  }
0x1c: {  	p1 =	slt.u32 s9, $0xF7A;
	s5 =	simm.s32 @!p2 $0x0  }
0x1d: {  	s5 =	simm.s32 @p1 $0x1;
	p0 =	seq.s32 s7, s2  }
0x1e: {  	s7 =	smul.u32 @!p0 $0xF7A, s2;
	p2 =	seq.s32 @!p0 s5, $0x0  }
0x1f: {  	s9 =	smul.u32 $0xF7A, s1;
	s8 =	simm.s32 @!p0 $0x1BF5;
	p2 =	por !p2, p0  }
0x20: {  	[sflag:s8] =	ssyncset.s32 @!p0 $0xFFFFF086;
	s6 =	sadd.s32 @!p0 s3, s7;
	s7 =	simm.s32 @!p0 $0x108  }
0x21: {  	s3 =	sadd.s32 s3, s9;
	s6 =	sadd.s32 @!p0 $0x88, s6;
	s7 =	simm.s32 @p2 $0x1082  }
0x22: {  	[simem:s7], [sflag:s8] =	dma.local @!p0 [hbm:s6], $0xF7A  }
0x23: {  	s9 =	sor.u32 $0xD0000000, s2;
	s6 =	simm.s32 $0x108;
	_ =	swait.ge @!p0 [sflag:s8], $0x0  }
0x24: {  	s3 =	sadd.s32 $0x88, s3;
	s6 =	simm.s32 @!p1 $0x1082;
	[sflag:s4] =	ssyncset.s32 $0xFFFFF086  }
0x25: {  	[simem:s6], [sflag:s4] =	dma.local [hbm:s3], $0xF7A  }
0x26: {  	[smem:$0x3F9D] =	sst s1;
	(tag) =	ssettag s2;
	_ =	strace s9  }
0x27: {  	s1 =	sld [smem:$0x3FAD]  }
0x28: {  	s2 =	sld [smem:$0x3FAE]  }
0x29: {  	s4 =	sld [smem:$0x3FB0]  }
0x2a: {  	p0 =	seq.s32 s5, $0x0;
	s5 =	sld [smem:$0x3FB1]  }
0x2b: {  	s6 =	sld [smem:$0x3FB2]  }
0x2c: {  	s7 =	sld [smem:$0x3FB3]  }
0x2d: {  	s3 =	simm.s32 $0x108;
	s8 =	sld [smem:$0x3FB4]  }
0x2e: {  	s3 =	simm.s32 @!p0 $0x1082;
	s9 =	sld [smem:$0x3FB5]  }
0x2f: {  	lr =	sadd.s32 s0, s3;
	s0 =	sld [smem:$0x3FAC]  }
0x30: {  	s3 =	sld [smem:$0x3FAF]  }
0x31: {  	[smem:$0x3FB8] =	sst s10  }
0x32: {  	s10 =	sld [smem:$0x3FB6];
	_ =	sdelay $0x3  }
0x33: {  	p0 =	seq.s32 s10, $0x1;
	s10 =	sld [smem:$0x3FB8];
	_ =	sdelay $0x3  }
0x34: {  	[smem:$0x3FB8] =	sst s10  }
0x35: {  	s10 =	sld [smem:$0x3FB7];
	_ =	sdelay $0x3  }
0x36: {  	p1 =	seq.s32 s10, $0x1;
	s10 =	sld [smem:$0x3FB8];
	_ =	sdelay $0x3  }
0x37: {  	[smem:$0x3FB8] =	sst s10  }
0x38: {  	s10 =	sld [smem:$0x3FB9]  }
0x39: {  	_ = 	snop;
	(pc) =	sbr.ind lr, $3  }
0x3a: {  	_ = 	snop  }
0x3b: {  	_ = 	snop  }
0x3c: {  	p2 =	seq.s32 s10, $0x1;
	s10 =	sld [smem:$0x3FB8]  }
0x3d: {  	_ =	shalt  }
0x3e: {  	_ =	shalt  }
0x3f: {  	_ =	shalt  }
0x40: {  	_ =	shalt  }
0x41: {  	_ =	shalt  }
0x42: {  	_ =	shalt  }
0x43: {  	_ =	shalt  }
0x44: {  	_ =	shalt  }
0x45: {  	_ =	shalt  }
0x46: {  	_ =	shalt  }
0x47: {  	_ =	shalt  }
0x48: {  	_ =	shalt  }
0x49: {  	_ =	shalt  }
0x4a: {  	_ =	shalt  }
0x4b: {  	_ =	shalt  }
0x4c: {  	_ =	shalt  }
0x4d: {  	_ =	shalt  }
0x4e: {  	_ =	shalt  }
0x4f: {  	_ =	shalt  }
0x50: {  	_ =	shalt  }
0x51: {  	_ =	shalt  }
0x52: {  	_ =	shalt  }
0x53: {  	_ =	shalt  }
0x54: {  	_ =	shalt  }
0x55: {  	_ =	shalt  }
0x56: {  	_ =	shalt  }
0x57: {  	_ =	shalt  }
0x58: {  	_ =	shalt  }
0x59: {  	_ =	shalt  }
0x5a: {  	_ =	shalt  }
0x5b: {  	_ =	shalt  }
0x5c: {  	_ =	shalt  }
0x5d: {  	_ =	shalt  }
0x5e: {  	_ =	shalt  }
0x5f: {  	_ =	shalt  }
0x60: {  	_ =	shalt  }
0x61: {  	_ =	shalt  }
0x62: {  	_ =	shalt  }
0x63: {  	_ =	shalt  }
0x64: {  	_ =	shalt  }
0x65: {  	_ =	shalt  }
0x66: {  	_ =	shalt  }
0x67: {  	_ =	shalt  }
0x68: {  	_ =	shalt  }
0x69: {  	_ =	shalt  }
0x6a: {  	_ =	shalt  }
0x6b: {  	_ =	shalt  }
0x6c: {  	_ =	shalt  }
0x6d: {  	_ =	shalt  }
0x6e: {  	_ =	shalt  }
0x6f: {  	_ =	shalt  }
0x70: {  	_ =	shalt  }
0x71: {  	_ =	shalt  }
0x72: {  	_ =	shalt  }
0x73: {  	_ =	shalt  }
0x74: {  	_ =	shalt  }
0x75: {  	_ =	shalt  }
0x76: {  	_ =	shalt  }
0x77: {  	_ =	shalt  }
0x78: {  	_ =	shalt  }
0x79: {  	_ =	shalt  }
0x7a: {  	_ =	shalt  }
0x7b: {  	_ =	shalt  }
0x7c: {  	_ =	shalt  }
0x7d: {  	_ =	shalt  }
0x7e: {  	_ =	shalt  }
0x7f: {  	_ =	shalt  }
0x80: {  	_ =	shalt  }
0x81: {  	_ =	shalt  }
0x82: {  	_ =	shalt  }
0x83: {  	_ =	shalt  }
0x84: {  	_ =	shalt  }
0x85: {  	_ =	shalt  }
0x86: {  	_ =	shalt  }
0x87: {  	_ =	shalt  }
.Lfunc_end0:
.L_simem_size_0:
called_computation_lowered:
.L_overlay_start_0:
0x88: {  	s2 =	sld [smem:$0x3FD9]  }
0x89: {  	s3 =	sld [smem:$0x3FFE];
	_ =	sdelay $0x1  }
0x8a: {  	s1 =	srdreg.scid  }
0x8b: {  	s0 =	sand.u32 $0x1, s1  }
0x8c: {  	s14 =	sshll.u32 s0, $0xA;
	s2 =	sadd.s32 s3, s2  }
0x8d: {  	s2 =	sadd.s32 s2, s14  }
0x8e: {  	[smem:$0x3FC4] =	sst s2  }
0x8f: {  	_ = 	snop  }
0x90: {  	s2 =	sld [smem:$0x3FD0];
	_ =	sdelay $0x2  }
0x91: {  	s15 =	simm.s32 $0xA;
	s4 =	simm.s32 $0x10  }
0x92: {  	[smem:s4], [sflag:s15] =	dma.local [hbm:s2], $0x1  }
0x93: {  	_ =	swait.eq [sflag:s15], $0x1  }
0x94: {  	[sflag:s15] =	ssyncset.done $0x0  }
0x95: {  	s16 =	sld [smem:$0x10];
	[sflag:s15] =	ssyncadd.s32 $0xFFFFFFFF  }
0x96: {  	s17 =	sld [smem:$0x11];
	(tm) =	ssettm $0x1  }
0x97: {  	s18 =	sld [smem:$0x3FFB];
	_ =	sdelay $0x3  }
0x98: {  	_ =	strace s18  }
0x99: {  	s4 =	sld [smem:$0x3FFC];
	_ =	sdelay $0x3  }
0x9a: {  	_ =	strace s4  }
0x9b: {  	s4 =	sld [smem:$0x3FFD];
	_ =	sdelay $0x3  }
0x9c: {  	_ =	strace s4  }
0x9d: {  	_ =	strace $0x8FFFFFFF  }
0x9e: {  	s19 =	sld [smem:$0x3FDB];
	_ =	sdelay $0x1  }
0x9f: {  	s5 =	simm.s32 $_scs_section_size  }
0xa0: {  	s6 =	simm.s32 $_size__tile_overlayer_lowered;
	s7 =	simm.s32 $_tile_overlayer_lowered  }
0xa1: {  	s22 =	simm.s32 $0x1BFF;
	s21 =	sshll.u32 s7, $0x1;
	s4 =	sadd.s32 s5, s19  }
0xa2: {  	s8 =	simm.s32 $0x0;
	s20 =	sshll.u32 s6, $0x1;
	s6 =	sadd.s32 s21, s4  }
0xa3: {  	[timem:s8], [sflag:s22] =	dma.local [hbm:s6], s20  }
0xa4: {  	_ =	swait.ge [sflag:s22], s20  }
0xa5: {  	s5 =	ssub.s32 $0x0, s20;
	[sflag:s22] =	ssyncset.done $0x0  }
0xa6: {  	[sflag:s22] =	ssyncadd.s32 s5;
	_ =	sdelay $0x1  }
0xa7: {  	s23 =	simm.s32 $0x1B8B  }
0xa8: {  	_ =	swait.ge [sflag:s23], $0x1  }
0xa9: {  	[sflag:s23] =	ssyncset.done $0x0  }
0xaa: {  	s25 =	simm.s32 $0x1B8E;
	s24 =	sld [smem:$0x3FFE];
	[sflag:s23] =	ssyncadd.s32 $0xFFFFFFFF  }
0xab: {  	s26 =	simm.s32 $execute0_lowered;
	[smem:$0x3FD2] =	sst s25  }
0xac: {  	s6 =	sshll.u32 s26, $0x1;
	_ =	strace $0x80000046;
	[dreg:$0x1] =	wrdreg $0xFFFFFFFF  }
0xad: {  	s28 =	simm.s32 $_size_execute0_lowered;
	s4 =	sadd.s32 s4, s6;
	[dreg:$0x0] =	wrdreg $0x0  }
0xae: {  	s6 =	sshll.u32 s28, $0x1;
	[dreg:$0x2] =	wrdreg s4  }
0xaf: {  	[dreg:$0x3] =	wrdreg s6  }
0xb0: {  	[dreg:$0x4] =	wrdreg $0xC0  }
0xb1: {  	_ =	task [dreg:s8], $0x5FFFF  }
0xb2: {  	[dreg:$0x1] =	wrdreg $0xFFFFFFFF  }
0xb3: {  	[dreg:$0x0] =	wrdreg $0x60  }
0xb4: {  	[dreg:$0x2] =	wrdreg s16  }
0xb5: {  	[dreg:$0x3] =	wrdreg s24  }
0xb6: {  	[dreg:$0x4] =	wrdreg s17  }
0xb7: {  	[dreg:$0x5] =	wrdreg $0x9  }
0xb8: {  	_ =	task.clear_ibuf [dreg:s8], $0x6FFFF;
	_ =	strace $0x90000046  }
0xb9: {  	s29 =	simm.s32 $0x9;
	_ =	strace $0x80000048  }
0xba: {  	_ =	swait.ge [sflag:s29], $0x1  }
0xbb: {  	[sflag:s29] =	ssyncadd.s32 $0xFFFFFFFF  }
0xbc: {  	_ =	strace $0x90000048  }
0xbd: {  	_ =	sfence  }
0xbe: {  	s30 =	sld [smem:$0x0];
	_ =	sdelay $0x2  }
0xbf: {  	s31 =	sshll.u32 s1, $0xD;
	s1 =	sshrl.u32 s1, $0x2  }
0xc0: {  	s3 =	sand.u32 $0x4000, s31;
	s1 =	sadd.s32 s1, s30  }
0xc1: {  	s0 =	sor.u32 s3, s0;
	s1 =	sshll.u32 s1, $0x11  }
0xc2: {  	s0 =	sor.u32 s1, s0  }
0xc3: {  	s0 =	sadd.s32 $0x8F2B, s0  }
0xc4: {  	[sflag:s0] =	ssyncadd.remote.s32 $0x1  }
0xc5: {  	_ =	sfence.sel $0xFFFF  }
0xc6: {  	[dreg:$0x0] =	wrdreg $0xFFFFFFFF;
	(pc) =	sbr.abs _section_cstart, $3  }
0xc7: {  	[dreg:$0x1] =	wrdreg $0xFFFFFFFF  }
0xc8: {  	_ =	task.clear_ibuf [dreg:s8], $0x2FFFF;
	_ =	strace $0x9FFFFFFF  }
0xc9: {  	(tm) =	ssettm $0x7FFFFFFF  }
tec
execute0_lowered:
.L_overlay_start_1:
0x0: {  	(tag) =	ssettag $0x1  }
0x1: {  	s0 =	rddreg [dreg:$0x1]  }
0x2: {  	s6 =	rddreg [dreg:$0x2];
	s3 =	simm.s32 $0x0  }
0x3: {  	s1 =	srdreg.scid;
	s5 =	stileid.u32;
	s7 =	simm.s32 $0x8400  }
0x4: {  	s8 =	simm.s32 $0x8500;
	s9 =	simm.s32 $0x8180;
	s10 =	simm.s32 $0x1  }
0x5: {  	s12 =	simm.s32 $0x0;
	[smem:$0x7FF] =	sst s3;
	s1 =	sand.u32 $0x1, s1  }
0x6: {  	s2 =	sadd.s32 $0x1800, s0;
	s5 =	sshll.u32 s5, $0x5;
	s0 =	sadd.s32 $0x101800, s0  }
0x7: {  	v2 =	vimm.s32 $0xF;
	v17 =	vimm.s32 $0x3C3B3A39;
	s19 =	sadd.s32 $0x10000, s6;
	_ =	strace $0x80000047;
	[dreg:$0x4] =	wrdreg s2  }
0x8: {  	v0 =	vlaneseq.u32;
	v18 =	vimm.s32 $0x3F3F3E3D;
	v19 =	vimm.s32 $0x34333231;
	s20 =	sadd.s32 $0x20000, s6;
	s21 =	sadd.s32 $0x30000, s6;
	[dreg:$0x5] =	wrdreg s0  }
0x9: {  	v13 =	vimm.s32 $0xFFFFFFFF;
	v20 =	vimm.s32 $0x38373635;
	v21 =	vimm.s32 $0xEDCBA987;
	s22 =	sadd.s32 $0x40000, s6;
	s23 =	sadd.s32 $0x50000, s6;
	[dreg:$0x7] =	wrdreg s19  }
0xa: {  	vm0 =	vcmask $0x1F10;
	v22 =	vimm.s32 $0x65432100;
	vm1 =	vcmask $0x3F3C;
	s24 =	sadd.s32 $0x60000, s6;
	s25 =	sadd.s32 $0x70000, s6;
	[dreg:$0x8] =	wrdreg s20  }
0xb: {  	s26 =	sadd.s32 $0x80000, s6;
	s16 =	sadd.s32 $0x90000, s6;
	v1 =	vmul.u32 $0x80, v0;
	v15 =	vadd.s32 $0x1, v0;
	v16 =	vadd.s32 $0x11, v0;
	[dreg:$0x9] =	wrdreg s21  }
0xc: {  	s17 =	sadd.s32 $0xA0000, s6;
	s18 =	sadd.s32 $0xB0000, s6;
	v17 =	vunpack.c.0.s8.s32 v17;
	v18 =	vunpack.c.0.s8.s32 v18;
	v19 =	vunpack.c.0.s8.s32 v19;
	[dreg:$0xa] =	wrdreg s22  }
0xd: {  	s28 =	sadd.s32 $0x130000, s6;
	s29 =	sadd.s32 $0x140000, s6;
	v20 =	vunpack.c.0.s8.s32 v20;
	v21 =	vunpack.c.l.s4.s8 v21;
	v25 =	vadd.s32 $0x1F, v0;
	[dreg:$0xb] =	wrdreg s23  }
0xe: {  	s30 =	sadd.s32 $0x150000, s6;
	s31 =	sadd.s32 $0x160000, s6;
	v26 =	vadd.s32 $0x2F, v0;
	[dreg:$0xc] =	wrdreg s24;
	v3 =	vadd.s32 $0x3880, v1;
	v4 =	vadd.s32 $0x3080, v1  }
0xf: {  	s14 =	ssub.s32 $0x2, s1;
	s1 =	sshll.u32 s1, $0x4;
	[dreg:$0xd] =	wrdreg s25;
	v5 =	vadd.s32 $0x2880, v1;
	v6 =	vadd.s32 $0x2080, v1;
	v7 =	vadd.s32 $0x1880, v1  }
0x10: {  	[dreg:$0xe] =	wrdreg s26;
	s19 =	sadd.s32 $0xC0000, s6;
	s20 =	sadd.s32 $0xD0000, s6;
	v8 =	vadd.s32 $0x1080, v1;
	v9 =	vadd.s32 $0x880, v1;
	v10 =	vadd.s32 $0x80, v1  }
0x11: {  	s21 =	sadd.s32 $0xE0000, s6;
	s22 =	sadd.s32 $0xF0000, s6;
	s23 =	sadd.s32 $0x100000, s6;
	v11 =	vor.u32 $0x1800, v1;
	v12 =	vor.u32 $0x1000, v1;
	v14 =	vor.u32 $0x800, v1  }
0x12: {  	s24 =	sadd.s32 $0x110000, s6;
	s26 =	sadd.s32 $0x120000, s6;
	s25 =	simm.s32 $0x8080;
	v18 =	vsel vm0, v18, v17;
	v19 =	vsel vm0, v20, v19;
	v20 =	vunpack.c.l.s4.s8 v22  }
0x13: {  	s2 =	simm.s32 $0x8200;
	s4 =	sshrl.u32 s14, $0x1;
	s1 =	sor.u32 s1, s5;
	v17 =	vadd.s32 $0x21, v0;
	v22 =	vunpack.c.0.s8.s32 v21;
	vm0 =	vmmov $0x3fff  }
0x14: {  	s5 =	simm.s32 $0x8280;
	v21 =	vor.u32 $0x20, v0;
	s15 =	ssub.s32 s14, s4;
	[dreg:$0x6] =	wrdreg s1;
	v18 =	vcombine.low v19, v18;
	v23 =	vunpack.c.0.s8.s32 v20  }
0x15: {  	s4 =	simm.s32 $0x2;
	s1 =	simm.s32 $0x8100;
	v19 =	vimm.s32 $0x0;
	s0 =	smax.u32 s15, $0x1;
	v20 =	vor.u32 $0x10, v0;
	v24 =	vand.u32 $0xF, v22  }
0x16: {  	v22 =	vor.u32 $0x30, v0;
	[dreg:$0xf] =	wrdreg s0;
	s0 =	sadd.s32 $0x170000, s6;
	s6 =	simm.s32 $0x8300;
	v23 =	vcombine.low v23, v24;
	v24 =	vadd.s32 $0xF, v0  }
.LBB2_1:
0x17: {  	[dreg:$0x10] =	wrdreg s12  }
0x18: {  	s11 =	rddreg [dreg:$0x5];
	s15 =	simm.s32 $0x8000  }
0x19: {  	[tilespmem:s15], [sflag:$0x2] =	stream.linear.gather [hbm4b:s11+s3], $0x80, $0x38;
	[tilespmem:$0xE500] =	vst v63  }
0x1a: {  	_ =	swait.ge [sflag:s4], $0x80  }
0x1b: {  	[sflag:s4] =	ssyncset.done $0x0  }
0x1c: {  	[sflag:s4] =	ssyncadd.s32 $0xFFFFFF80  }
0x1d: {  	[tilespmem:$0x8300] =	vst v13  }
0x1e: {  	[tilespmem:$0x8400] =	vst v13  }
0x1f: {  	[tilespmem:$0x8310] =	vst v13  }
0x20: {  	[tilespmem:$0x8410] =	vst v13  }
0x21: {  	[tilespmem:$0x8320] =	vst v13  }
0x22: {  	[tilespmem:$0x8420] =	vst v13  }
0x23: {  	[tilespmem:$0x8330] =	vst v13  }
0x24: {  	[tilespmem:$0x8430] =	vst v13  }
0x25: {  	[tilespmem:$0x8340] =	vst v13  }
0x26: {  	[tilespmem:$0x8440] =	vst v13  }
0x27: {  	[tilespmem:$0x8350] =	vst v13  }
0x28: {  	[tilespmem:$0x8450] =	vst v13  }
0x29: {  	[tilespmem:$0x8360] =	vst v13  }
0x2a: {  	[tilespmem:$0x8460] =	vst v13  }
0x2b: {  	[tilespmem:$0x8370] =	vst v13  }
0x2c: {  	[tilespmem:$0x8470] =	vst v13  }
0x2d: {  	[tilespmem:$0x8380] =	vst v13  }
0x2e: {  	s11 =	simm.s32 $0x0;
	[tilespmem:$0x8480] =	vst v13  }
.LBB2_2:
0x2f: {  	s12 =	rddreg [dreg:$0x6]  }
0x30: {  	s12 =	sadd.s32 s12, s11  }
0x31: {  	s13 =	rddreg [dreg:$0x0];
	s14 =	sshll.u32 s12, $0xB  }
0x32: {  	s15 =	sadd.s32 s13, s14;
	s13 =	simm.s32 $0x0  }
0x33: {  	[tilespmem:s13], [sflag:$0x2] =	stream.linear.gather [hbm4b:s15+s13], $0x4000, $0x38;
	[tilespmem:$0xE500] =	vst v63  }
0x34: {  	_ =	swait.ge [sflag:s4], $0x4000  }
0x35: {  	[sflag:s4] =	ssyncset.done $0x0;
	s15 =	rddreg [dreg:$0x4]  }
0x36: {  	[sflag:s4] =	ssyncadd.s32 $0xFFFFC000;
	s14 =	sadd.s32 s15, s14;
	s15 =	simm.s32 $0x4000  }
0x37: {  	[tilespmem:s15], [sflag:$0x2] =	stream.linear.gather [hbm4b:s14+s13], $0x4000, $0x38;
	[tilespmem:$0xE500] =	vst v63  }
0x38: {  	_ =	swait.ge [sflag:s4], $0x4000  }
0x39: {  	[sflag:s4] =	ssyncset.done $0x0  }
0x3a: {  	s14 =	simm.s32 $0x20;
	s15 =	simm.s32 $0x4020;
	[sflag:s4] =	ssyncadd.s32 $0xFFFFC000  }
.LBB2_3:
0x3b: {  	v27 =	vld [tilespmem:s15+$0xFFFFFFE0];
	_ =	sdelay $0x2  }
0x3c: {  	v28 =	vld [tilespmem:s15+$0xFFFFFFF0];
	_ =	sdelay $0x1  }
0x3d: {  	v27 =	vadd.f32 $9.999999740e-06, v27  }
0x3e: {  	vm3 =	veq.s32 v0, $0x0  }
0x3f: {  	v29 =	vld [tilespmem:s15+$0x0];
	v27 =	vsel vm3, $0x0, v27  }
0x40: {  	(xrf2) =	vadd.scan.msk.f32 $0xffff, v27;
	v27 =	vadd.f32 $9.999999740e-06, v28;
	_ =	sdelay $0x1  }
0x41: {  	(xrf2) =	vadd.scan.msk.f32 $0xffff, v27;
	v27 =	vld [tilespmem:s15+$0x10];
	_ =	sdelay $0x1  }
0x42: {  	v36 =	vadd.f32 $9.999999740e-06, v29;
	_ =	sdelay $0x1  }
0x43: {  	(xrf2) =	vadd.scan.msk.f32 $0xffff, v36  }
0x44: {  	v27 =	vadd.f32 $9.999999740e-06, v27  }
0x45: {  	vm2 =	veq.s32 v0, $0xF  }
0x46: {  	v27 =	vsel vm2, $0x0, v27  }
0x47: {  	v37, _, _ =	vpop (xrf2);
	(xrf2) =	vadd.scan.msk.f32 $0xffff, v27  }
0x48: {  	v27 =	vperm.xlane v37, v2  }
0x49: {  	v38, _, _ =	vpop (xrf2)  }
0x4a: {  	v27 =	vadd.f32 v38, v27;
	_ =	sdelay $0x1  }
0x4b: {  	v29 =	vperm.xlane v27, v2  }
0x4c: {  	v30, _, _ =	vpop (xrf2)  }
0x4d: {  	v29 =	vadd.f32 v30, v29;
	_ =	sdelay $0x1  }
0x4e: {  	v30 =	vperm.xlane v29, v2  }
0x4f: {  	v31, _, _ =	vpop (xrf2)  }
0x50: {  	v30 =	vadd.f32 v31, v30;
	_ =	sdelay $0x1  }
0x51: {  	v31 =	vperm.xlane v30, v2;
	_ =	sdelay $0x1  }
0x52: {  	(erf) = vrcp.f32 v31;
	_ =	sdelay $0x8  }
0x53: {  	v31 =	vpop (erf)  }
0x54: {  	v32 =	vmov s13;
	v36 =	vmul.f32 v31, v37  }
0x55: {  	v34 =	vmul.f32 v31, v27;
	v27 =	vshll.u32 v32, $0x7  }
0x56: {  	v32 =	vmul.f32 v31, v29;
	v39 =	vor.u32 v15, v27;
	[tilespmem:$0x8080] =	vst v36  }
0x57: {  	v31 =	vmul.f32 v30, v31;
	[tilespmem:$0x8090] =	vst v34  }
0x58: {  	[tilespmem:$0x80A0] =	vst v32  }
0x59: {  	[tilespmem:$0x80B0] =	vst v31  }
0x5a: {  	v30 =	vld [tilespmem:s14+$0xFFFFFFE0]  }
0x5b: {  	v28 =	vld.idx.msk [tilespmem:v39+s3+$0x0], $0xffff;
	_ =	sdelay $0x4  }
0x5c: {  	v28 =	vadd.f32 v28, v30  }
0x5d: {  	v33 =	vor.u32 v16, v27  }
0x5e: {  	v38 =	vmul.f32 $5.000000000e-01, v28;
	_ =	sdelay $0x1  }
0x5f: {  	[tilespmem:$0x8100] =	vst v38  }
0x60: {  	v29 =	vld [tilespmem:s14+$0xFFFFFFF0]  }
0x61: {  	v40 =	vld.idx.msk [tilespmem:v33+s3+$0x0], $0xffff;
	_ =	sdelay $0x4  }
0x62: {  	v28 =	vadd.f32 v40, v29  }
0x63: {  	v41 =	vor.u32 v17, v27  }
0x64: {  	v37 =	vmul.f32 $5.000000000e-01, v28;
	_ =	sdelay $0x1  }
0x65: {  	[tilespmem:$0x8110] =	vst v37  }
0x66: {  	v28 =	vld [tilespmem:s14+$0x0]  }
0x67: {  	v33 =	vld.idx.msk [tilespmem:v41+s3+$0x0], $0xffff;
	_ =	sdelay $0x4  }
0x68: {  	v33 =	vadd.f32 v33, v28  }
0x69: {  	v39 =	vor.u32 v18, v27  }
0x6a: {  	v35 =	vmul.f32 $5.000000000e-01, v33;
	_ =	sdelay $0x1  }
0x6b: {  	[tilespmem:$0x8120] =	vst v35  }
0x6c: {  	v27 =	vld [tilespmem:s14+$0x10]  }
0x6d: {  	v42 =	vld.idx.msk [tilespmem:v39+s3+$0x0], $0xffff;
	_ =	sdelay $0x4  }
0x6e: {  	v33 =	vadd.f32 v42, v27;
	_ =	sdelay $0x1  }
0x6f: {  	v33 =	vmul.f32 $5.000000000e-01, v33;
	_ =	sdelay $0x1  }
0x70: {  	[tilespmem:$0x8130] =	vst v33  }
0x71: {  	v43 =	vld.idx.msk [tilespmem:v15+s25+$0x0], $0xffff;
	_ =	sdelay $0x4  }
0x72: {  	v39 =	vsub.f32 v43, v36;
	_ =	sdelay $0x1  }
0x73: {  	vm4 =	vlt.f32 v39, $9.999999740e-06  }
0x74: {  	v39 =	vsel vm4, $0x3F800000, v39  }
0x75: {  	(erf) = vrcp.f32 v39;
	_ =	sdelay $0x2  }
0x76: {  	v44 =	vld.idx.msk [tilespmem:v15+s1+$0x0], $0xffff;
	_ =	sdelay $0x1  }
0x77: {  	v40 =	vmul.f32 $1.270000000e+02, v36;
	_ =	sdelay $0x1  }
0x78: {  	v41 =	vtrunc.f32 v40  }
0x79: {  	vm14 =	vgt.f32 v40, v41;
	v42 =	vcvt.f32.s32 v41;
	v39 =	vsub.f32 v44, v38  }
0x7a: {  	v41 =	vsel vm14, $0x1, v19;
	v45 =	vpop (erf)  }
0x7b: {  	v46 =	vadd.s32 v42, v41;
	v39 =	vmul.f32 v45, v39  }
0x7c: {  	vm15 =	vlt.s32 v46, $0x80  }
0x7d: {  	[tilespmem:$0x8180] =	vst v39;
	v39 =	vnsel vm15, $0x80, v46  }
0x7e: {  	[tilespmem:$0x8200] =	vst v39  }
0x7f: {  	v47 =	vld.idx.msk [tilespmem:v16+s25+$0x0], $0xffff;
	_ =	sdelay $0x4  }
0x80: {  	v40 =	vsub.f32 v47, v34;
	_ =	sdelay $0x1  }
0x81: {  	vm8 =	vlt.f32 v40, $9.999999740e-06  }
0x82: {  	v40 =	vsel vm8, $0x3F800000, v40  }
0x83: {  	(erf) = vrcp.f32 v40;
	_ =	sdelay $0x2  }
0x84: {  	v49 =	vmul.f32 $1.270000000e+02, v34;
	v48 =	vld.idx.msk [tilespmem:v16+s1+$0x0], $0xffff;
	_ =	sdelay $0x1  }
0x85: {  	v50 =	vtrunc.f32 v49  }
0x86: {  	vm9 =	vgt.f32 v49, v50;
	v43 =	vcvt.f32.s32 v50  }
0x87: {  	v42 =	vsel vm9, $0x1, v19  }
0x88: {  	v52 =	vadd.s32 v43, v42;
	v40 =	vsub.f32 v48, v37  }
0x89: {  	vm10 =	vlt.s32 v52, $0x80;
	v51 =	vpop (erf)  }
0x8a: {  	v53 =	vnsel vm10, $0x80, v52;
	v40 =	vmul.f32 v51, v40  }
0x8b: {  	[tilespmem:$0x8210] =	vst v53  }
0x8c: {  	[tilespmem:$0x8190] =	vst v40  }
0x8d: {  	v54 =	vld.idx.msk [tilespmem:v17+s25+$0x0], $0xffff;
	_ =	sdelay $0x4  }
0x8e: {  	v41 =	vsub.f32 v54, v32;
	_ =	sdelay $0x1  }
0x8f: {  	vm11 =	vlt.f32 v41, $9.999999740e-06  }
0x90: {  	v41 =	vsel vm11, $0x3F800000, v41  }
0x91: {  	(erf) = vrcp.f32 v41;
	_ =	sdelay $0x2  }
0x92: {  	v56 =	vmul.f32 $1.270000000e+02, v32;
	v55 =	vld.idx.msk [tilespmem:v17+s1+$0x0], $0xffff;
	_ =	sdelay $0x1  }
0x93: {  	v57 =	vtrunc.f32 v56  }
0x94: {  	vm12 =	vgt.f32 v56, v57;
	v44 =	vcvt.f32.s32 v57  }
0x95: {  	v43 =	vsel vm12, $0x1, v19  }
0x96: {  	v59 =	vadd.s32 v44, v43;
	v41 =	vsub.f32 v55, v35  }
0x97: {  	vm13 =	vlt.s32 v59, $0x80;
	v58 =	vpop (erf)  }
0x98: {  	v60 =	vnsel vm13, $0x80, v59;
	v41 =	vmul.f32 v58, v41  }
0x99: {  	[tilespmem:$0x8220] =	vst v60  }
0x9a: {  	[tilespmem:$0x81A0] =	vst v41  }
0x9b: {  	v61 =	vld.idx.msk [tilespmem:v18+s25+$0x0], $0xffff;
	_ =	sdelay $0x4  }
0x9c: {  	v42 =	vsub.f32 v61, v31;
	_ =	sdelay $0x1  }
0x9d: {  	vm14 =	vlt.f32 v42, $9.999999740e-06  }
0x9e: {  	v42 =	vsel vm14, $0x3F800000, v42  }
0x9f: {  	(erf) = vrcp.f32 v42;
	_ =	sdelay $0x2  }
0xa0: {  	v63 =	vmul.f32 $1.270000000e+02, v31;
	v62 =	vld.idx.msk [tilespmem:v18+s1+$0x0], $0xffff;
	_ =	sdelay $0x1  }
0xa1: {  	v48 =	vtrunc.f32 v63  }
0xa2: {  	v45 =	vcvt.f32.s32 v48;
	vm15 =	vgt.f32 v63, v48  }
0xa3: {  	v44 =	vsel vm15, $0x1, v19  }
0xa4: {  	v50 =	vadd.s32 v45, v44;
	v42 =	vsub.f32 v62, v33  }
0xa5: {  	vm8 =	vlt.s32 v50, $0x80;
	v49 =	vpop (erf)  }
0xa6: {  	v43 =	vnsel vm8, $0x80, v50;
	v42 =	vmul.f32 v49, v42  }
0xa7: {  	v51 =	vsel vm2, $0x3E7, v43  }
0xa8: {  	[tilespmem:$0x8230] =	vst v51;
	v42 =	vnsel vm0, $0x0, v42  }
0xa9: {  	[tilespmem:$0x81B0] =	vst v42  }
0xaa: {  	v52 =	vld.idx.msk [tilespmem:v15+s2+$0x0], $0xffff;
	_ =	sdelay $0x4  }
0xab: {  	vm9 =	vlt.s32 v39, v52;
	_ =	sdelay $0x5  }
0xac: {  	[tilespmem:v39+s6+$0x0] =	vst.idx.msk vm9, v0  }
0xad: {  	v39 =	vld.idx.msk [tilespmem:v16+s2+$0x0], $0xffff;
	_ =	sdelay $0x4  }
0xae: {  	vm10 =	vlt.s32 v53, v39;
	_ =	sdelay $0x5  }
0xaf: {  	[tilespmem:v53+s6+$0x0] =	vst.idx.msk vm10, v20  }
0xb0: {  	v53 =	vld.idx.msk [tilespmem:v17+s2+$0x0], $0xffff;
	_ =	sdelay $0x4  }
0xb1: {  	vm11 =	vlt.s32 v60, v53;
	_ =	sdelay $0x5  }
0xb2: {  	[tilespmem:v60+s6+$0x0] =	vst.idx.msk vm11, v21  }
0xb3: {  	v54 =	vld.idx.msk [tilespmem:v18+s2+$0x0], $0xffff;
	_ =	sdelay $0x4  }
0xb4: {  	vm5 =	vlt.s32 v51, $0x8C;
	vm12 =	vlt.s32 v51, v54  }
0xb5: {  	v55 =	vnsel vm5, $0x8C, v51;
	_ =	sdelay $0x4  }
0xb6: {  	[tilespmem:v55+s6+$0x0] =	vst.idx.msk vm12, v22  }
0xb7: {  	v39 =	vld.idx.msk [tilespmem:v23+s1+$0x0], $0xffff;
	_ =	sdelay $0x4  }
0xb8: {  	v38 =	vsub.f32 v38, v39;
	_ =	sdelay $0x1  }
0xb9: {  	vm13 =	vle.f32 v38, $0.0e+00  }
0xba: {  	v38 =	vsel vm13, $0x3F800000, v38  }
0xbb: {  	(erf) = vrcp.f32 v38;
	_ =	sdelay $0x5  }
0xbc: {  	v56 =	vld.idx.msk [tilespmem:v23+s25+$0x0], $0xffff;
	_ =	sdelay $0x1  }
0xbd: {  	v39 =	vsub.f32 v30, v39  }
0xbe: {  	v57 =	vpop (erf)  }
0xbf: {  	v39 =	vmul.f32 v57, v39  }
0xc0: {  	v36 =	vsub.f32 v36, v56  }
0xc1: {  	v39 =	vsel vm13, $0x0, v39  }
0xc2: {  	v36 =	vmul.f32 v39, v36;
	_ =	sdelay $0x1  }
0xc3: {  	v36 =	vadd.f32 v36, v56;
	_ =	sdelay $0x1  }
0xc4: {  	v36 =	vmul.f32 $1.270000000e+02, v36;
	_ =	sdelay $0x1  }
0xc5: {  	v58 =	vtrunc.f32 v36  }
0xc6: {  	v59 =	vcvt.f32.s32 v58;
	vm14 =	vgt.f32 v36, v58  }
0xc7: {  	v36 =	vsel vm14, $0x1, v19  }
0xc8: {  	v36 =	vadd.s32 v59, v36  }
0xc9: {  	vm15 =	vgt.s32 v36, $0x0  }
0xca: {  	v36 =	vnsel vm15, $0x0, v36  }
0xcb: {  	v36 =	vmin.u32 v36, $0x80  }
0xcc: {  	v36 =	vsel vm3, $0x0, v36  }
0xcd: {  	v36 =	vor.u32 $0x80000000, v36  }
0xce: {  	(xrf0) =	vmax.scan.msk.u32 $0xffff, v36;
	_ =	sdelay $0x5  }
0xcf: {  	v36, _, _ =	vpop (xrf0)  }
0xd0: {  	v38 =	vxor.u32 $0x80000000, v36  }
0xd1: {  	[tilespmem:$0x8280] =	vst v38  }
0xd2: {  	v60 =	vld.idx.msk [tilespmem:v24+s1+$0x0], $0xffff;
	_ =	sdelay $0x4  }
0xd3: {  	v37 =	vsub.f32 v37, v60;
	_ =	sdelay $0x1  }
0xd4: {  	vm3 =	vle.f32 v37, $0.0e+00  }
0xd5: {  	v37 =	vsel vm3, $0x3F800000, v37  }
0xd6: {  	(erf) = vrcp.f32 v37;
	_ =	sdelay $0x5  }
0xd7: {  	v61 =	vld.idx.msk [tilespmem:v24+s25+$0x0], $0xffff;
	_ =	sdelay $0x1  }
0xd8: {  	v39 =	vsub.f32 v29, v60  }
0xd9: {  	v62 =	vpop (erf)  }
0xda: {  	v39 =	vmul.f32 v62, v39  }
0xdb: {  	v34 =	vsub.f32 v34, v61  }
0xdc: {  	v39 =	vsel vm3, $0x0, v39  }
0xdd: {  	v34 =	vmul.f32 v39, v34;
	_ =	sdelay $0x1  }
0xde: {  	v34 =	vadd.f32 v34, v61;
	_ =	sdelay $0x1  }
0xdf: {  	v34 =	vmul.f32 $1.270000000e+02, v34;
	_ =	sdelay $0x1  }
0xe0: {  	v63 =	vtrunc.f32 v34  }
0xe1: {  	v42 =	vcvt.f32.s32 v63;
	vm3 =	vgt.f32 v34, v63  }
0xe2: {  	v34 =	vsel vm3, $0x1, v19  }
0xe3: {  	v34 =	vadd.s32 v42, v34  }
0xe4: {  	vm3 =	vgt.s32 v34, $0x0  }
0xe5: {  	v34 =	vnsel vm3, $0x0, v34  }
0xe6: {  	v34 =	vmin.u32 v34, $0x80  }
0xe7: {  	v34 =	vor.u32 $0x80000000, v34  }
0xe8: {  	(xrf0) =	vmax.scan.msk.u32 $0xffff, v34;
	_ =	sdelay $0x5  }
0xe9: {  	v43 =	vperm.xlane v38, v2;
	v44, _, _ =	vpop (xrf0)  }
0xea: {  	v37 =	vxor.u32 $0x80000000, v44  }
0xeb: {  	vm3 =	vgt.s32 v37, v43  }
0xec: {  	v34 =	vsel vm3, v37, v43  }
0xed: {  	[tilespmem:$0x8290] =	vst v34  }
0xee: {  	v45 =	vld.idx.msk [tilespmem:v25+s1+$0x0], $0xffff;
	_ =	sdelay $0x4  }
0xef: {  	v35 =	vsub.f32 v35, v45;
	_ =	sdelay $0x1  }
0xf0: {  	vm3 =	vle.f32 v35, $0.0e+00  }
0xf1: {  	v35 =	vsel vm3, $0x3F800000, v35  }
0xf2: {  	(erf) = vrcp.f32 v35;
	_ =	sdelay $0x5  }
0xf3: {  	v46 =	vld.idx.msk [tilespmem:v25+s25+$0x0], $0xffff;
	_ =	sdelay $0x1  }
0xf4: {  	v37 =	vsub.f32 v28, v45  }
0xf5: {  	v47 =	vpop (erf)  }
0xf6: {  	v37 =	vmul.f32 v47, v37  }
0xf7: {  	v32 =	vsub.f32 v32, v46  }
0xf8: {  	v37 =	vsel vm3, $0x0, v37  }
0xf9: {  	v32 =	vmul.f32 v37, v32;
	_ =	sdelay $0x1  }
0xfa: {  	v32 =	vadd.f32 v32, v46;
	_ =	sdelay $0x1  }
0xfb: {  	v32 =	vmul.f32 $1.270000000e+02, v32;
	_ =	sdelay $0x1  }
0xfc: {  	v48 =	vtrunc.f32 v32  }
0xfd: {  	v49 =	vcvt.f32.s32 v48;
	vm3 =	vgt.f32 v32, v48  }
0xfe: {  	v32 =	vsel vm3, $0x1, v19  }
0xff: {  	v32 =	vadd.s32 v49, v32  }
0x100: {  	vm3 =	vgt.s32 v32, $0x0  }
0x101: {  	v32 =	vnsel vm3, $0x0, v32  }
0x102: {  	v32 =	vmin.u32 v32, $0x80  }
0x103: {  	v32 =	vor.u32 $0x80000000, v32  }
0x104: {  	(xrf0) =	vmax.scan.msk.u32 $0xffff, v32;
	_ =	sdelay $0x5  }
0x105: {  	v50 =	vperm.xlane v34, v2;
	v51, _, _ =	vpop (xrf0)  }
0x106: {  	v35 =	vxor.u32 $0x80000000, v51  }
0x107: {  	vm3 =	vgt.s32 v35, v50  }
0x108: {  	v32 =	vsel vm3, v35, v50  }
0x109: {  	[tilespmem:$0x82A0] =	vst v32  }
0x10a: {  	v52 =	vld.idx.msk [tilespmem:v26+s1+$0x0], $0xffff;
	_ =	sdelay $0x4  }
0x10b: {  	v33 =	vsub.f32 v33, v52;
	_ =	sdelay $0x1  }
0x10c: {  	vm3 =	vle.f32 v33, $0.0e+00  }
0x10d: {  	v33 =	vsel vm3, $0x3F800000, v33  }
0x10e: {  	(erf) = vrcp.f32 v33;
	_ =	sdelay $0x5  }
0x10f: {  	v53 =	vld.idx.msk [tilespmem:v26+s25+$0x0], $0xffff;
	_ =	sdelay $0x1  }
0x110: {  	v35 =	vsub.f32 v27, v52  }
0x111: {  	v54 =	vpop (erf)  }
0x112: {  	v35 =	vmul.f32 v54, v35  }
0x113: {  	v31 =	vsub.f32 v31, v53  }
0x114: {  	v35 =	vsel vm3, $0x0, v35  }
0x115: {  	v31 =	vmul.f32 v35, v31;
	_ =	sdelay $0x1  }
0x116: {  	v31 =	vadd.f32 v31, v53;
	_ =	sdelay $0x1  }
0x117: {  	v31 =	vmul.f32 $1.270000000e+02, v31;
	_ =	sdelay $0x1  }
0x118: {  	v55 =	vtrunc.f32 v31  }
0x119: {  	v56 =	vcvt.f32.s32 v55;
	vm3 =	vgt.f32 v31, v55  }
0x11a: {  	v31 =	vsel vm3, $0x1, v19  }
0x11b: {  	v31 =	vadd.s32 v56, v31  }
0x11c: {  	vm3 =	vgt.s32 v31, $0x0  }
0x11d: {  	v31 =	vnsel vm3, $0x0, v31  }
0x11e: {  	v31 =	vmin.u32 v31, $0x80  }
0x11f: {  	v31 =	vsel vm2, $0x80, v31  }
0x120: {  	v31 =	vor.u32 $0x80000000, v31  }
0x121: {  	(xrf0) =	vmax.scan.msk.u32 $0xffff, v31;
	_ =	sdelay $0x5  }
0x122: {  	v57 =	vperm.xlane v32, v2;
	v58, _, _ =	vpop (xrf0)  }
0x123: {  	v33 =	vxor.u32 $0x80000000, v58  }
0x124: {  	vm2 =	vgt.s32 v33, v57  }
0x125: {  	v31 =	vsel vm2, v33, v57  }
0x126: {  	[tilespmem:$0x82B0] =	vst v31  }
0x127: {  	v59 =	vld.idx.msk [tilespmem:v15+s5+$0x0], $0xffff;
	_ =	sdelay $0x4  }
0x128: {  	v60 =	vshll.u32 v36, $0x7;
	vm3 =	vlt.s32 v38, $0x8C;
	vm2 =	vlt.s32 v38, v59  }
0x129: {  	v61 =	vnsel vm3, $0x8C, v38;
	v33 =	vadd.s32 v1, v60  }
0x12a: {  	v33 =	vadd.s32 s13, v33;
	_ =	sdelay $0x3  }
0x12b: {  	[tilespmem:v61+s7+$0x0] =	vst.idx.msk vm2, v0  }
0x12c: {  	[tilespmem:v33+s8+$0x0] =	vst.idx.msk $0xffff, v30  }
0x12d: {  	v30 =	vld.idx.msk [tilespmem:v16+s5+$0x0], $0xffff;
	_ =	sdelay $0x4  }
0x12e: {  	v62 =	vshll.u32 v34, $0x7;
	vm3 =	vlt.s32 v34, $0x8C;
	vm2 =	vlt.s32 v34, v30  }
0x12f: {  	v63 =	vnsel vm3, $0x8C, v34;
	v30 =	vadd.s32 v14, v62  }
0x130: {  	v30 =	vadd.s32 s13, v30;
	_ =	sdelay $0x3  }
0x131: {  	[tilespmem:v63+s7+$0x0] =	vst.idx.msk vm2, v20  }
0x132: {  	[tilespmem:v30+s8+$0x0] =	vst.idx.msk $0xffff, v29  }
0x133: {  	v29 =	vld.idx.msk [tilespmem:v17+s5+$0x0], $0xffff;
	_ =	sdelay $0x4  }
0x134: {  	vm3 =	vlt.s32 v32, $0x8C;
	v33 =	vshll.u32 v32, $0x7;
	vm2 =	vlt.s32 v32, v29  }
0x135: {  	v34 =	vnsel vm3, $0x8C, v32;
	v29 =	vadd.s32 v12, v33  }
0x136: {  	v29 =	vadd.s32 s13, v29;
	_ =	sdelay $0x3  }
0x137: {  	[tilespmem:v34+s7+$0x0] =	vst.idx.msk vm2, v21  }
0x138: {  	[tilespmem:v29+s8+$0x0] =	vst.idx.msk $0xffff, v28  }
0x139: {  	v28 =	vld.idx.msk [tilespmem:v18+s5+$0x0], $0xffff;
	_ =	sdelay $0x4  }
0x13a: {  	vm2 =	vlt.s32 v31, v28  }
0x13b: {  	v35 =	vshll.u32 v31, $0x7;
	vm3 =	vlt.s32 v31, $0x8C;
	vm2 =	vmor vm2, vm1  }
0x13c: {  	v36 =	vnsel vm3, $0x8C, v31;
	v28 =	vadd.s32 v11, v35  }
0x13d: {  	v28 =	vadd.s32 s13, v28;
	_ =	sdelay $0x3  }
0x13e: {  	[tilespmem:v36+s7+$0x0] =	vst.idx.msk vm2, v22  }
0x13f: {  	[tilespmem:v28+s8+$0x0] =	vst.idx.msk $0xffff, v27  }
0x140: {  	v27 =	vld [tilespmem:$0x8300];
	_ =	sdelay $0x4  }
0x141: {  	v27 =	vxor.u32 $0x80000000, v27  }
0x142: {  	(xrf0) =	vmax.scan.msk.u32 $0xffff, v27;
	_ =	sdelay $0x2  }
0x143: {  	v27 =	vld [tilespmem:$0x8400];
	_ =	sdelay $0x2  }
0x144: {  	v37, _, _ =	vpop (xrf0)  }
0x145: {  	v28 =	vxor.u32 $0x80000000, v37  }
0x146: {  	v27 =	vxor.u32 $0x80000000, v27  }
0x147: {  	(xrf0) =	vmax.scan.msk.u32 $0xffff, v27  }
0x148: {  	[tilespmem:$0x8300] =	vst v13  }
0x149: {  	v29 =	vld [tilespmem:$0x8000];
	[tilespmem:$0x8400] =	vst v13  }
0x14a: {  	v27 =	vld.idx.msk [tilespmem:v28+s25+$0x0], $0xffff;
	_ =	sdelay $0x1  }
0x14b: {  	v30 =	vld.idx.msk [tilespmem:v28+s9+$0x0], $0xffff  }
0x14c: {  	v38, _, _ =	vpop (xrf0)  }
0x14d: {  	v39 =	vld.idx.msk [tilespmem:v28+s1+$0x0], $0xffff;
	v40 =	vshll.u32 v38, $0x7  }
0x14e: {  	v41 =	vadd.s32 v10, v40;
	v27 =	vsub.f32 v29, v27  }
0x14f: {  	v29 =	vadd.s32 s13, v41  }
0x150: {  	v27 =	vmul.f32 v27, v30;
	_ =	sdelay $0x1  }
0x151: {  	v27 =	vadd.f32 v27, v39;
	_ =	sdelay $0x1  }
0x152: {  	[tilespmem:v29+s8+$0x0] =	vst.idx.msk $0xffff, v27  }
0x153: {  	v27 =	vld [tilespmem:$0x8310];
	_ =	sdelay $0x4  }
0x154: {  	v27 =	vxor.u32 $0x80000000, v27  }
0x155: {  	(xrf0) =	vmax.scan.msk.u32 $0xffff, v27;
	_ =	sdelay $0x1  }
0x156: {  	v27 =	vld [tilespmem:$0x8410];
	_ =	sdelay $0x3  }
0x157: {  	v28 =	vperm.xlane v28, v2;
	v42, _, _ =	vpop (xrf0)  }
0x158: {  	v27 =	vxor.u32 $0x80000000, v27;
	v29 =	vxor.u32 $0x80000000, v42  }
0x159: {  	(xrf0) =	vmax.scan.msk.u32 $0xffff, v27;
	vm2 =	vgt.s32 v29, v28  }
0x15a: {  	v28 =	vsel vm2, v29, v28;
	_ =	sdelay $0x2  }
0x15b: {  	[tilespmem:$0x8310] =	vst v13  }
0x15c: {  	v44 =	vld [tilespmem:$0x8010];
	[tilespmem:$0x8410] =	vst v13;
	v27 =	vxor.u32 $0x80000000, v38  }
0x15d: {  	v27 =	vperm.xlane v27, v2;
	v43, _, _ =	vpop (xrf0);
	v29 =	vld.idx.msk [tilespmem:v28+s25+$0x0], $0xffff  }
0x15e: {  	v30 =	vxor.u32 $0x80000000, v43  }
0x15f: {  	vm2 =	vgt.s32 v30, v27;
	v45 =	vld.idx.msk [tilespmem:v28+s9+$0x0], $0xffff  }
0x160: {  	v27 =	vsel vm2, v30, v27  }
0x161: {  	v46 =	vld.idx.msk [tilespmem:v28+s1+$0x0], $0xffff;
	v47 =	vshll.u32 v27, $0x7  }
0x162: {  	v48 =	vadd.s32 v9, v47;
	v29 =	vsub.f32 v44, v29  }
0x163: {  	v31 =	vadd.s32 s13, v48  }
0x164: {  	v29 =	vmul.f32 v29, v45;
	_ =	sdelay $0x1  }
0x165: {  	v29 =	vadd.f32 v29, v46;
	_ =	sdelay $0x1  }
0x166: {  	[tilespmem:v31+s8+$0x0] =	vst.idx.msk $0xffff, v29  }
0x167: {  	v29 =	vld [tilespmem:$0x8320];
	_ =	sdelay $0x4  }
0x168: {  	v29 =	vxor.u32 $0x80000000, v29  }
0x169: {  	(xrf0) =	vmax.scan.msk.u32 $0xffff, v29;
	_ =	sdelay $0x1  }
0x16a: {  	v49 =	vld [tilespmem:$0x8420];
	_ =	sdelay $0x3  }
0x16b: {  	v28 =	vperm.xlane v28, v2;
	v50, _, _ =	vpop (xrf0)  }
0x16c: {  	v29 =	vxor.u32 $0x80000000, v49;
	v30 =	vxor.u32 $0x80000000, v50  }
0x16d: {  	(xrf0) =	vmax.scan.msk.u32 $0xffff, v29;
	vm2 =	vgt.s32 v30, v28  }
0x16e: {  	v28 =	vsel vm2, v30, v28;
	_ =	sdelay $0x2  }
0x16f: {  	[tilespmem:$0x8320] =	vst v13  }
0x170: {  	[tilespmem:$0x8420] =	vst v13;
	v31 =	vld [tilespmem:$0x8020]  }
0x171: {  	v27 =	vperm.xlane v27, v2;
	v52, _, _ =	vpop (xrf0);
	v51 =	vld.idx.msk [tilespmem:v28+s25+$0x0], $0xffff  }
0x172: {  	v30 =	vxor.u32 $0x80000000, v52  }
0x173: {  	vm2 =	vgt.s32 v30, v27;
	v53 =	vld.idx.msk [tilespmem:v28+s9+$0x0], $0xffff  }
0x174: {  	v27 =	vsel vm2, v30, v27  }
0x175: {  	v54 =	vld.idx.msk [tilespmem:v28+s1+$0x0], $0xffff;
	v55 =	vshll.u32 v27, $0x7  }
0x176: {  	v56 =	vadd.s32 v8, v55;
	v29 =	vsub.f32 v31, v51  }
0x177: {  	v31 =	vadd.s32 s13, v56  }
0x178: {  	v29 =	vmul.f32 v29, v53;
	_ =	sdelay $0x1  }
0x179: {  	v29 =	vadd.f32 v29, v54;
	_ =	sdelay $0x1  }
0x17a: {  	[tilespmem:v31+s8+$0x0] =	vst.idx.msk $0xffff, v29  }
0x17b: {  	v29 =	vld [tilespmem:$0x8330];
	_ =	sdelay $0x4  }
0x17c: {  	v29 =	vxor.u32 $0x80000000, v29  }
0x17d: {  	(xrf0) =	vmax.scan.msk.u32 $0xffff, v29;
	_ =	sdelay $0x1  }
0x17e: {  	v57 =	vld [tilespmem:$0x8430];
	_ =	sdelay $0x3  }
0x17f: {  	v28 =	vperm.xlane v28, v2;
	v58, _, _ =	vpop (xrf0)  }
0x180: {  	v29 =	vxor.u32 $0x80000000, v57;
	v30 =	vxor.u32 $0x80000000, v58  }
0x181: {  	(xrf0) =	vmax.scan.msk.u32 $0xffff, v29;
	vm2 =	vgt.s32 v30, v28  }
0x182: {  	v28 =	vsel vm2, v30, v28;
	_ =	sdelay $0x2  }
0x183: {  	[tilespmem:$0x8330] =	vst v13  }
0x184: {  	[tilespmem:$0x8430] =	vst v13;
	v31 =	vld [tilespmem:$0x8030]  }
0x185: {  	v27 =	vperm.xlane v27, v2;
	v60, _, _ =	vpop (xrf0);
	v59 =	vld.idx.msk [tilespmem:v28+s25+$0x0], $0xffff  }
0x186: {  	v30 =	vxor.u32 $0x80000000, v60  }
0x187: {  	vm2 =	vgt.s32 v30, v27;
	v61 =	vld.idx.msk [tilespmem:v28+s9+$0x0], $0xffff  }
0x188: {  	v27 =	vsel vm2, v30, v27  }
0x189: {  	v62 =	vld.idx.msk [tilespmem:v28+s1+$0x0], $0xffff;
	v63 =	vshll.u32 v27, $0x7  }
0x18a: {  	v34 =	vadd.s32 v7, v63;
	v29 =	vsub.f32 v31, v59  }
0x18b: {  	v31 =	vadd.s32 s13, v34  }
0x18c: {  	v29 =	vmul.f32 v29, v61;
	_ =	sdelay $0x1  }
0x18d: {  	v29 =	vadd.f32 v29, v62;
	_ =	sdelay $0x1  }
0x18e: {  	[tilespmem:v31+s8+$0x0] =	vst.idx.msk $0xffff, v29  }
0x18f: {  	v29 =	vld [tilespmem:$0x8340];
	_ =	sdelay $0x4  }
0x190: {  	v29 =	vxor.u32 $0x80000000, v29  }
0x191: {  	(xrf0) =	vmax.scan.msk.u32 $0xffff, v29;
	_ =	sdelay $0x1  }
0x192: {  	v35 =	vld [tilespmem:$0x8440];
	_ =	sdelay $0x3  }
0x193: {  	v28 =	vperm.xlane v28, v2;
	v36, _, _ =	vpop (xrf0)  }
0x194: {  	v29 =	vxor.u32 $0x80000000, v35;
	v30 =	vxor.u32 $0x80000000, v36  }
0x195: {  	(xrf0) =	vmax.scan.msk.u32 $0xffff, v29;
	vm2 =	vgt.s32 v30, v28  }
0x196: {  	v28 =	vsel vm2, v30, v28;
	_ =	sdelay $0x2  }
0x197: {  	[tilespmem:$0x8340] =	vst v13  }
0x198: {  	[tilespmem:$0x8440] =	vst v13;
	v31 =	vld [tilespmem:$0x8040]  }
0x199: {  	v27 =	vperm.xlane v27, v2;
	v38, _, _ =	vpop (xrf0);
	v37 =	vld.idx.msk [tilespmem:v28+s25+$0x0], $0xffff  }
0x19a: {  	v30 =	vxor.u32 $0x80000000, v38  }
0x19b: {  	vm2 =	vgt.s32 v30, v27;
	v39 =	vld.idx.msk [tilespmem:v28+s9+$0x0], $0xffff  }
0x19c: {  	v27 =	vsel vm2, v30, v27  }
0x19d: {  	v40 =	vld.idx.msk [tilespmem:v28+s1+$0x0], $0xffff;
	v41 =	vshll.u32 v27, $0x7  }
0x19e: {  	v42 =	vadd.s32 v6, v41;
	v29 =	vsub.f32 v31, v37  }
0x19f: {  	v31 =	vadd.s32 s13, v42  }
0x1a0: {  	v29 =	vmul.f32 v29, v39;
	_ =	sdelay $0x1  }
0x1a1: {  	v29 =	vadd.f32 v29, v40;
	_ =	sdelay $0x1  }
0x1a2: {  	[tilespmem:v31+s8+$0x0] =	vst.idx.msk $0xffff, v29  }
0x1a3: {  	v29 =	vld [tilespmem:$0x8350];
	_ =	sdelay $0x4  }
0x1a4: {  	v29 =	vxor.u32 $0x80000000, v29  }
0x1a5: {  	(xrf0) =	vmax.scan.msk.u32 $0xffff, v29;
	_ =	sdelay $0x1  }
0x1a6: {  	v43 =	vld [tilespmem:$0x8450];
	_ =	sdelay $0x3  }
0x1a7: {  	v28 =	vperm.xlane v28, v2;
	v44, _, _ =	vpop (xrf0)  }
0x1a8: {  	v29 =	vxor.u32 $0x80000000, v43;
	v30 =	vxor.u32 $0x80000000, v44  }
0x1a9: {  	(xrf0) =	vmax.scan.msk.u32 $0xffff, v29;
	vm2 =	vgt.s32 v30, v28  }
0x1aa: {  	v28 =	vsel vm2, v30, v28;
	_ =	sdelay $0x2  }
0x1ab: {  	[tilespmem:$0x8350] =	vst v13  }
0x1ac: {  	[tilespmem:$0x8450] =	vst v13;
	v31 =	vld [tilespmem:$0x8050]  }
0x1ad: {  	v27 =	vperm.xlane v27, v2;
	v46, _, _ =	vpop (xrf0);
	v45 =	vld.idx.msk [tilespmem:v28+s25+$0x0], $0xffff  }
0x1ae: {  	v30 =	vxor.u32 $0x80000000, v46  }
0x1af: {  	vm2 =	vgt.s32 v30, v27;
	v47 =	vld.idx.msk [tilespmem:v28+s9+$0x0], $0xffff  }
0x1b0: {  	v27 =	vsel vm2, v30, v27  }
0x1b1: {  	v48 =	vld.idx.msk [tilespmem:v28+s1+$0x0], $0xffff;
	v49 =	vshll.u32 v27, $0x7  }
0x1b2: {  	v50 =	vadd.s32 v5, v49;
	v29 =	vsub.f32 v31, v45  }
0x1b3: {  	v31 =	vadd.s32 s13, v50  }
0x1b4: {  	v29 =	vmul.f32 v29, v47;
	_ =	sdelay $0x1  }
0x1b5: {  	v29 =	vadd.f32 v29, v48;
	_ =	sdelay $0x1  }
0x1b6: {  	[tilespmem:v31+s8+$0x0] =	vst.idx.msk $0xffff, v29  }
0x1b7: {  	v29 =	vld [tilespmem:$0x8360];
	_ =	sdelay $0x4  }
0x1b8: {  	v29 =	vxor.u32 $0x80000000, v29  }
0x1b9: {  	(xrf0) =	vmax.scan.msk.u32 $0xffff, v29;
	_ =	sdelay $0x1  }
0x1ba: {  	v51 =	vld [tilespmem:$0x8460];
	_ =	sdelay $0x3  }
0x1bb: {  	v28 =	vperm.xlane v28, v2;
	v52, _, _ =	vpop (xrf0)  }
0x1bc: {  	v29 =	vxor.u32 $0x80000000, v51;
	v30 =	vxor.u32 $0x80000000, v52  }
0x1bd: {  	(xrf0) =	vmax.scan.msk.u32 $0xffff, v29;
	vm2 =	vgt.s32 v30, v28  }
0x1be: {  	v28 =	vsel vm2, v30, v28;
	_ =	sdelay $0x2  }
0x1bf: {  	[tilespmem:$0x8360] =	vst v13  }
0x1c0: {  	[tilespmem:$0x8460] =	vst v13;
	v31 =	vld [tilespmem:$0x8060]  }
0x1c1: {  	v27 =	vperm.xlane v27, v2;
	v54, _, _ =	vpop (xrf0);
	v53 =	vld.idx.msk [tilespmem:v28+s25+$0x0], $0xffff  }
0x1c2: {  	v30 =	vxor.u32 $0x80000000, v54  }
0x1c3: {  	vm2 =	vgt.s32 v30, v27;
	v55 =	vld.idx.msk [tilespmem:v28+s9+$0x0], $0xffff  }
0x1c4: {  	v27 =	vsel vm2, v30, v27  }
0x1c5: {  	v56 =	vld.idx.msk [tilespmem:v28+s1+$0x0], $0xffff;
	v57 =	vshll.u32 v27, $0x7  }
0x1c6: {  	v58 =	vadd.s32 v4, v57;
	v29 =	vsub.f32 v31, v53  }
0x1c7: {  	v31 =	vadd.s32 s13, v58  }
0x1c8: {  	v29 =	vmul.f32 v29, v55;
	_ =	sdelay $0x1  }
0x1c9: {  	v29 =	vadd.f32 v29, v56;
	_ =	sdelay $0x1  }
0x1ca: {  	[tilespmem:v31+s8+$0x0] =	vst.idx.msk $0xffff, v29  }
0x1cb: {  	v29 =	vld [tilespmem:$0x8370];
	_ =	sdelay $0x4  }
0x1cc: {  	v29 =	vxor.u32 $0x80000000, v29  }
0x1cd: {  	(xrf0) =	vmax.scan.msk.u32 $0xffff, v29;
	_ =	sdelay $0x1  }
0x1ce: {  	v59 =	vld [tilespmem:$0x8470];
	_ =	sdelay $0x3  }
0x1cf: {  	v28 =	vperm.xlane v28, v2;
	v60, _, _ =	vpop (xrf0)  }
0x1d0: {  	v29 =	vxor.u32 $0x80000000, v59;
	v30 =	vxor.u32 $0x80000000, v60  }
0x1d1: {  	(xrf0) =	vmax.scan.msk.u32 $0xffff, v29;
	vm2 =	vgt.s32 v30, v28  }
0x1d2: {  	v28 =	vsel vm2, v30, v28;
	_ =	sdelay $0x2  }
0x1d3: {  	[tilespmem:$0x8370] =	vst v13  }
0x1d4: {  	[tilespmem:$0x8470] =	vst v13;
	v31 =	vld [tilespmem:$0x8070]  }
0x1d5: {  	v27 =	vperm.xlane v27, v2;
	v62, _, _ =	vpop (xrf0);
	v61 =	vld.idx.msk [tilespmem:v28+s25+$0x0], $0xffff  }
0x1d6: {  	v30 =	vxor.u32 $0x80000000, v62  }
0x1d7: {  	vm2 =	vgt.s32 v30, v27;
	v63 =	vld.idx.msk [tilespmem:v28+s9+$0x0], $0xffff  }
0x1d8: {  	v27 =	vsel vm2, v30, v27  }
0x1d9: {  	v28 =	vld.idx.msk [tilespmem:v28+s1+$0x0], $0xffff;
	v27 =	vshll.u32 v27, $0x7  }
0x1da: {  	v27 =	vadd.s32 v3, v27;
	v29 =	vsub.f32 v31, v61  }
0x1db: {  	v27 =	vadd.s32 s13, v27  }
0x1dc: {  	v29 =	vmul.f32 v29, v63  }
0x1dd: {  	p0 =	sne.s32 s13, $0x7F  }
.Ltmp0:
0x1de: {  	v28 =	vadd.f32 v29, v28;
	(pc) =	sbr.rel @p0 .LBB2_3-.Ltmp0, $4  }
0x1df: {  	_ = 	snop  }
0x1e0: {  	[tilespmem:v27+s8+$0x0] =	vst.idx.msk $0xffff, v28  }
0x1e1: {  	[tilespmem:$0x8380] =	vst v13  }
0x1e2: {  	s15 =	sadd.s32 $0x80, s15;
	s14 =	sadd.s32 $0x80, s14;
	s13 =	sadd.s32 $0x1, s13;
	[tilespmem:$0x8480] =	vst v13  }
0x1e3: {  	s12 =	sshll.u32 s12, $0x7;
	s13 =	rddreg [dreg:$0x2]  }
0x1e4: {  	s15 =	rddreg [dreg:$0x7];
	s13 =	sadd.s32 s13, s12  }
0x1e5: {  	[hbm4b:s13+s3] =	stream.linear.scatter [tilespmem:s8], [sflag:$0x1], $0x400, $0x38;
	[tilespmem:$0xE500] =	vst v63  }
0x1e6: {  	s14 =	simm.s32 $0x8900;
	s13 =	sadd.s32 s12, s15  }
0x1e7: {  	[hbm4b:s13+s3] =	stream.linear.scatter [tilespmem:s14], [sflag:$0x1], $0x400, $0x38;
	[tilespmem:$0xE500] =	vst v63  }
0x1e8: {  	s14 =	rddreg [dreg:$0x8]  }
0x1e9: {  	s15 =	simm.s32 $0x8D00;
	s13 =	sadd.s32 s12, s14;
	s14 =	rddreg [dreg:$0x9]  }
0x1ea: {  	[hbm4b:s13+s3] =	stream.linear.scatter [tilespmem:s15], [sflag:$0x1], $0x400, $0x38;
	[tilespmem:$0xE500] =	vst v63  }
0x1eb: {  	s13 =	sadd.s32 s12, s14;
	s15 =	simm.s32 $0x9100;
	s14 =	rddreg [dreg:$0xa]  }
0x1ec: {  	[hbm4b:s13+s3] =	stream.linear.scatter [tilespmem:s15], [sflag:$0x1], $0x400, $0x38;
	[tilespmem:$0xE500] =	vst v63  }
0x1ed: {  	s13 =	sadd.s32 s12, s14;
	s15 =	simm.s32 $0x9500;
	s14 =	rddreg [dreg:$0xb]  }
0x1ee: {  	[hbm4b:s13+s3] =	stream.linear.scatter [tilespmem:s15], [sflag:$0x1], $0x400, $0x38;
	[tilespmem:$0xE500] =	vst v63  }
0x1ef: {  	s13 =	sadd.s32 s12, s14;
	s15 =	simm.s32 $0x9900;
	s14 =	rddreg [dreg:$0xc]  }
0x1f0: {  	[hbm4b:s13+s3] =	stream.linear.scatter [tilespmem:s15], [sflag:$0x1], $0x400, $0x38;
	[tilespmem:$0xE500] =	vst v63  }
0x1f1: {  	s13 =	sadd.s32 s12, s14;
	s15 =	simm.s32 $0x9D00;
	s14 =	rddreg [dreg:$0xd]  }
0x1f2: {  	[hbm4b:s13+s3] =	stream.linear.scatter [tilespmem:s15], [sflag:$0x1], $0x400, $0x38;
	[tilespmem:$0xE500] =	vst v63  }
0x1f3: {  	s13 =	sadd.s32 s12, s14;
	s15 =	simm.s32 $0xA100;
	s14 =	rddreg [dreg:$0xe]  }
0x1f4: {  	[hbm4b:s13+s3] =	stream.linear.scatter [tilespmem:s15], [sflag:$0x1], $0x400, $0x38;
	[tilespmem:$0xE500] =	vst v63  }
0x1f5: {  	s13 =	sadd.s32 s12, s14;
	s15 =	simm.s32 $0xA500  }
0x1f6: {  	[hbm4b:s13+s3] =	stream.linear.scatter [tilespmem:s15], [sflag:$0x1], $0x400, $0x38;
	[tilespmem:$0xE500] =	vst v63  }
0x1f7: {  	s14 =	sadd.s32 s12, s16;
	s15 =	simm.s32 $0xA900  }
0x1f8: {  	[hbm4b:s14+s3] =	stream.linear.scatter [tilespmem:s15], [sflag:$0x1], $0x400, $0x38;
	[tilespmem:$0xE500] =	vst v63  }
0x1f9: {  	s14 =	sadd.s32 s12, s17;
	s15 =	simm.s32 $0xAD00  }
0x1fa: {  	[hbm4b:s14+s3] =	stream.linear.scatter [tilespmem:s15], [sflag:$0x1], $0x400, $0x38;
	[tilespmem:$0xE500] =	vst v63  }
0x1fb: {  	s14 =	sadd.s32 s12, s18;
	s15 =	simm.s32 $0xB100  }
0x1fc: {  	[hbm4b:s14+s3] =	stream.linear.scatter [tilespmem:s15], [sflag:$0x1], $0x400, $0x38;
	[tilespmem:$0xE500] =	vst v63  }
0x1fd: {  	s14 =	sadd.s32 s12, s19;
	s15 =	simm.s32 $0xB500  }
0x1fe: {  	[hbm4b:s14+s3] =	stream.linear.scatter [tilespmem:s15], [sflag:$0x1], $0x400, $0x38;
	[tilespmem:$0xE500] =	vst v63  }
0x1ff: {  	s14 =	sadd.s32 s12, s20;
	s15 =	simm.s32 $0xB900  }
0x200: {  	[hbm4b:s14+s3] =	stream.linear.scatter [tilespmem:s15], [sflag:$0x1], $0x400, $0x38;
	[tilespmem:$0xE500] =	vst v63  }
0x201: {  	s14 =	sadd.s32 s12, s21;
	s15 =	simm.s32 $0xBD00  }
0x202: {  	[hbm4b:s14+s3] =	stream.linear.scatter [tilespmem:s15], [sflag:$0x1], $0x400, $0x38;
	[tilespmem:$0xE500] =	vst v63  }
0x203: {  	s14 =	sadd.s32 s12, s22;
	s15 =	simm.s32 $0xC100  }
0x204: {  	[hbm4b:s14+s3] =	stream.linear.scatter [tilespmem:s15], [sflag:$0x1], $0x400, $0x38;
	[tilespmem:$0xE500] =	vst v63  }
0x205: {  	s14 =	sadd.s32 s12, s23;
	s15 =	simm.s32 $0xC500  }
0x206: {  	[hbm4b:s14+s3] =	stream.linear.scatter [tilespmem:s15], [sflag:$0x1], $0x400, $0x38;
	[tilespmem:$0xE500] =	vst v63  }
0x207: {  	s14 =	sadd.s32 s12, s24;
	s15 =	simm.s32 $0xC900  }
0x208: {  	[hbm4b:s14+s3] =	stream.linear.scatter [tilespmem:s15], [sflag:$0x1], $0x400, $0x38;
	[tilespmem:$0xE500] =	vst v63  }
0x209: {  	s14 =	sadd.s32 s12, s26;
	s15 =	simm.s32 $0xCD00  }
0x20a: {  	[hbm4b:s14+s3] =	stream.linear.scatter [tilespmem:s15], [sflag:$0x1], $0x400, $0x38;
	[tilespmem:$0xE500] =	vst v63  }
0x20b: {  	s14 =	sadd.s32 s12, s28;
	s15 =	simm.s32 $0xD100  }
0x20c: {  	[hbm4b:s14+s3] =	stream.linear.scatter [tilespmem:s15], [sflag:$0x1], $0x400, $0x38;
	[tilespmem:$0xE500] =	vst v63  }
0x20d: {  	s14 =	sadd.s32 s12, s29;
	s15 =	simm.s32 $0xD500  }
0x20e: {  	[hbm4b:s14+s3] =	stream.linear.scatter [tilespmem:s15], [sflag:$0x1], $0x400, $0x38;
	[tilespmem:$0xE500] =	vst v63  }
0x20f: {  	s14 =	sadd.s32 s12, s30;
	s15 =	simm.s32 $0xD900  }
0x210: {  	[hbm4b:s14+s3] =	stream.linear.scatter [tilespmem:s15], [sflag:$0x1], $0x400, $0x38;
	[tilespmem:$0xE500] =	vst v63  }
0x211: {  	s14 =	sadd.s32 s12, s31;
	s15 =	simm.s32 $0xDD00  }
0x212: {  	[hbm4b:s14+s3] =	stream.linear.scatter [tilespmem:s15], [sflag:$0x1], $0x400, $0x38;
	[tilespmem:$0xE500] =	vst v63  }
0x213: {  	s12 =	sadd.s32 s12, s0;
	s15 =	simm.s32 $0xE100  }
0x214: {  	[hbm4b:s12+s3] =	stream.linear.scatter [tilespmem:s15], [sflag:$0x1], $0x400, $0x38;
	[tilespmem:$0xE500] =	vst v63  }
0x215: {  	_ =	swait.ge [sflag:s10], $0x400  }
0x216: {  	[sflag:s10] =	ssyncset.done $0x0  }
0x217: {  	[sflag:s10] =	ssyncadd.s32 $0xFFFFFC00  }
0x218: {  	_ =	swait.ge [sflag:s10], $0x400  }
0x219: {  	[sflag:s10] =	ssyncset.done $0x0  }
0x21a: {  	[sflag:s10] =	ssyncadd.s32 $0xFFFFFC00  }
0x21b: {  	_ =	swait.ge [sflag:s10], $0x400  }
0x21c: {  	[sflag:s10] =	ssyncset.done $0x0  }
0x21d: {  	[sflag:s10] =	ssyncadd.s32 $0xFFFFFC00  }
0x21e: {  	_ =	swait.ge [sflag:s10], $0x400  }
0x21f: {  	[sflag:s10] =	ssyncset.done $0x0  }
0x220: {  	[sflag:s10] =	ssyncadd.s32 $0xFFFFFC00  }
0x221: {  	_ =	swait.ge [sflag:s10], $0x400  }
0x222: {  	[sflag:s10] =	ssyncset.done $0x0  }
0x223: {  	[sflag:s10] =	ssyncadd.s32 $0xFFFFFC00  }
0x224: {  	_ =	swait.ge [sflag:s10], $0x400  }
0x225: {  	[sflag:s10] =	ssyncset.done $0x0  }
0x226: {  	[sflag:s10] =	ssyncadd.s32 $0xFFFFFC00  }
0x227: {  	_ =	swait.ge [sflag:s10], $0x400  }
0x228: {  	[sflag:s10] =	ssyncset.done $0x0  }
0x229: {  	[sflag:s10] =	ssyncadd.s32 $0xFFFFFC00  }
0x22a: {  	_ =	swait.ge [sflag:s10], $0x400  }
0x22b: {  	[sflag:s10] =	ssyncset.done $0x0  }
0x22c: {  	[sflag:s10] =	ssyncadd.s32 $0xFFFFFC00  }
0x22d: {  	_ =	swait.ge [sflag:s10], $0x400  }
0x22e: {  	[sflag:s10] =	ssyncset.done $0x0  }
0x22f: {  	[sflag:s10] =	ssyncadd.s32 $0xFFFFFC00  }
0x230: {  	_ =	swait.ge [sflag:s10], $0x400  }
0x231: {  	[sflag:s10] =	ssyncset.done $0x0  }
0x232: {  	[sflag:s10] =	ssyncadd.s32 $0xFFFFFC00  }
0x233: {  	_ =	swait.ge [sflag:s10], $0x400  }
0x234: {  	[sflag:s10] =	ssyncset.done $0x0  }
0x235: {  	[sflag:s10] =	ssyncadd.s32 $0xFFFFFC00  }
0x236: {  	_ =	swait.ge [sflag:s10], $0x400  }
0x237: {  	[sflag:s10] =	ssyncset.done $0x0  }
0x238: {  	[sflag:s10] =	ssyncadd.s32 $0xFFFFFC00  }
0x239: {  	_ =	swait.ge [sflag:s10], $0x400  }
0x23a: {  	[sflag:s10] =	ssyncset.done $0x0  }
0x23b: {  	[sflag:s10] =	ssyncadd.s32 $0xFFFFFC00  }
0x23c: {  	_ =	swait.ge [sflag:s10], $0x400  }
0x23d: {  	[sflag:s10] =	ssyncset.done $0x0  }
0x23e: {  	[sflag:s10] =	ssyncadd.s32 $0xFFFFFC00  }
0x23f: {  	_ =	swait.ge [sflag:s10], $0x400  }
0x240: {  	[sflag:s10] =	ssyncset.done $0x0  }
0x241: {  	[sflag:s10] =	ssyncadd.s32 $0xFFFFFC00  }
0x242: {  	_ =	swait.ge [sflag:s10], $0x400  }
0x243: {  	[sflag:s10] =	ssyncset.done $0x0  }
0x244: {  	[sflag:s10] =	ssyncadd.s32 $0xFFFFFC00  }
0x245: {  	_ =	swait.ge [sflag:s10], $0x400  }
0x246: {  	[sflag:s10] =	ssyncset.done $0x0  }
0x247: {  	[sflag:s10] =	ssyncadd.s32 $0xFFFFFC00  }
0x248: {  	_ =	swait.ge [sflag:s10], $0x400  }
0x249: {  	[sflag:s10] =	ssyncset.done $0x0  }
0x24a: {  	[sflag:s10] =	ssyncadd.s32 $0xFFFFFC00  }
0x24b: {  	_ =	swait.ge [sflag:s10], $0x400  }
0x24c: {  	[sflag:s10] =	ssyncset.done $0x0  }
0x24d: {  	[sflag:s10] =	ssyncadd.s32 $0xFFFFFC00  }
0x24e: {  	_ =	swait.ge [sflag:s10], $0x400  }
0x24f: {  	[sflag:s10] =	ssyncset.done $0x0  }
0x250: {  	[sflag:s10] =	ssyncadd.s32 $0xFFFFFC00  }
0x251: {  	_ =	swait.ge [sflag:s10], $0x400  }
0x252: {  	[sflag:s10] =	ssyncset.done $0x0  }
0x253: {  	[sflag:s10] =	ssyncadd.s32 $0xFFFFFC00  }
0x254: {  	_ =	swait.ge [sflag:s10], $0x400  }
0x255: {  	[sflag:s10] =	ssyncset.done $0x0  }
0x256: {  	s11 =	sadd.s32 $0x1, s11;
	[sflag:s10] =	ssyncadd.s32 $0xFFFFFC00  }
0x257: {  	p0 =	sne.s32 s11, $0x10;
	_ =	swait.ge [sflag:s10], $0x400  }
.Ltmp1:
0x258: {  	[sflag:s10] =	ssyncset.done $0x0;
	(pc) =	sbr.rel @p0 .LBB2_2-.Ltmp1, $4  }
0x259: {  	[sflag:s10] =	ssyncadd.s32 $0xFFFFFC00  }
0x25a: {  	_ =	swait.ge [sflag:s10], $0x400  }
0x25b: {  	[sflag:s10] =	ssyncset.done $0x0  }
0x25c: {  	[sflag:s10] =	ssyncadd.s32 $0xFFFFFC00  }
0x25d: {  	s12 =	rddreg [dreg:$0x10]  }
0x25e: {  	s11 =	rddreg [dreg:$0xf];
	s12 =	sadd.s32 $0x1, s12  }
0x25f: {  	p0 =	sne.s32 s12, s11  }
.Ltmp2:
0x260: {  	_ = 	snop;
	(pc) =	sbr.rel @p0 .LBB2_1-.Ltmp2, $1  }
0x261: {  	_ =	sdelay $0x3  }
0x262: {  	_ =	sfence.sel $0x180000  }
0x263: {  	[bflag:$0x0] =	sbarrier.arrive $0xFFFF  }
0x264: {  	_ =	strace $0x90000047  }
0x265: {  	s0 =	stileid.u32;
	[bflag:$0x2] =	sbarrier.arrive $0xFFFF  }
0x266: {  	p0 =	sne.s32 s0, $0x0;
	s0 =	rddreg [dreg:$0x3]  }
0x267: {  	s0 =	sadd.s32 @!p0 $0x100000, s0  }
0x268: {  	[sflag:s0] =	ssyncadd.tile.s32 @!p0 $0x1;
	_ =	shalt  }
.Lfunc_end2:
_tile_overlayer_lowered:
.L_overlay_start_2:
0x269: {  	(tag) =	ssettag $0x2  }
0x26a: {  	s0 =	rddreg [dreg:$0x0];
	s2 =	stileid.u32  }
0x26b: {  	s1 =	rddreg [dreg:$0x1];
	p0 =	sne.s32 s2, $0x0  }
0x26c: {  	s3 =	rddreg [dreg:$0x2];
	[bflag:$0x3] =	sbarrier.arrive $0xFFFF;
	s2 =	simm.s32 @!p0 $0x1C02  }
0x26d: {  	[timem:s3], [sflag:s2] =	dma.local @!p0 [hbm:s0], s1  }
0x26e: {  	s0 =	simm.s32 @!p0 $0x2  }
0x26f: {  	_ =	swait.ge @!p0 [sflag:s0], s1  }
0x270: {  	s1 =	ssub.s32 @!p0 $0x0, s1;
	[sflag:s0] =	ssyncset.done @!p0 $0x0  }
0x271: {  	[sflag:s0] =	ssyncadd.s32 @!p0 s1  }
0x272: {  	[bflag:$0x3] =	sbarrier.arrive $0xFFFF  }
0x273: {  	_ =	shalt  }

</sc_bundles>
